<compile_context>
chip_gen: v7x
topology: tpu7x:2x2x1
jax: 0.10.2.dev20260603
libtpu: 0.0.44.dev20260713+nightly
codegen_flags: <defaults>
</compile_context>

<pallas_src>
import functools

import jax
import jax.numpy as jnp
from jax import lax
from jax.experimental import pallas as pl
from jax.experimental.pallas import tpu as pltpu
from jax.experimental.pallas import tpu_sc as plsc

B = 1024
L = 20
D = 32
TSPAN = 256
NW = 32
BPW = B // NW
PAIRS = L * L
RPW = BPW * PAIRS
TILE = 128
NTILE = RPW // TILE
CH = 4
CROWS = CH * TILE
NCH = NTILE // CH
IPW = BPW * L
ITILE = IPW // TILE
SQRT_D = float(D) ** 0.5

_mesh = plsc.VectorSubcoreMesh(core_axis_name="c", subcore_axis_name="s")


@functools.partial(
    pl.kernel,
    mesh=_mesh,
    compiler_params=pltpu.CompilerParams(needs_layout_passes=False,
                                         use_tc_tiling_on_sc=False),
    out_type=[
        jax.ShapeDtypeStruct((B * L, D), jnp.float32),
        jax.ShapeDtypeStruct((B * PAIRS, D), jnp.float32),
        jax.ShapeDtypeStruct((B * PAIRS, D), jnp.float32),
        jax.ShapeDtypeStruct((B * L, D), jnp.float32),
        jax.ShapeDtypeStruct((B * L, D), jnp.float32),
    ],
    scratch_types=[
        pltpu.VMEM((BPW, L), jnp.int32),
        pltpu.VMEM((IPW,), jnp.int32),
        pltpu.VMEM((IPW,), jnp.float32),
        pltpu.VMEM((NTILE, TILE), jnp.int32),
        pltpu.VMEM((2, CROWS, D), jnp.float32),
        pltpu.VMEM((2, CROWS, D), jnp.float32),
        pltpu.VMEM((IPW, D), jnp.float32),
        pltpu.VMEM((8 * L, D), jnp.float32),
        pltpu.VMEM((8 * L, D), jnp.float32),
        pltpu.SemaphoreType.DMA,
        pltpu.SemaphoreType.DMA,
        pltpu.SemaphoreType.DMA,
        pltpu.SemaphoreType.DMA,
        pltpu.SemaphoreType.DMA,
        pltpu.SemaphoreType.DMA,
    ],
)
def _sc_embed(iid_hbm, ts_hbm, scale_hbm, tab_hbm, pk_hbm, pv_hbm, tk_hbm,
              tv_hbm, seqs_out, tmk_out, tmv_out, posk_out, posv_out,
              ts_v, iid_v, scale_v, idx_v, kbuf, vbuf, ibuf, pkv, pvv,
              gsem0, gsem1, wsem0, wsem1, isem, psem):
    wid = lax.axis_index("s") * 2 + lax.axis_index("c")
    base_b = wid * BPW
    gsem = [gsem0, gsem1]
    wsem = [wsem0, wsem1]

    pltpu.sync_copy(ts_hbm.at[pl.ds(base_b, BPW)], ts_v)
    pltpu.async_copy(iid_hbm.at[pl.ds(wid * IPW, IPW)], iid_v, isem)
    pltpu.async_copy(scale_hbm.at[pl.ds(wid * IPW, IPW)], scale_v, isem)
    for m in range(8):
        pltpu.async_copy(pk_hbm, pkv.at[pl.ds(m * L, L)], psem)
        pltpu.async_copy(pv_hbm, pvv.at[pl.ds(m * L, L)], psem)

    lanes = lax.iota(jnp.int32, 16)

    def blk_body(blk, carry):
        g = blk * 16 + lanes
        b = (g * 5243) >> 21
        p = g - b * PAIRS
        i = (p * 3277) >> 16
        j = p - i * L
        ti = plsc.load_gather(ts_v, [b, i])
        tj = plsc.load_gather(ts_v, [b, j])
        tm = jnp.minimum(jnp.abs(ti - tj), TSPAN)
        row = blk >> 3
        col = (blk & 7) * 16
        idx_v[row, pl.ds(col, 16)] = tm
        return carry

    lax.fori_loop(0, RPW // 16, blk_body, 0)

    pltpu.make_async_copy(iid_hbm.at[pl.ds(0, IPW)], iid_v, isem).wait()
    pltpu.make_async_copy(scale_hbm.at[pl.ds(0, IPW)], scale_v, isem).wait()
    for k in range(ITILE):
        pltpu.async_copy(tab_hbm.at[iid_v.at[pl.ds(k * TILE, TILE)]],
                         ibuf.at[pl.ds(k * TILE, TILE)], isem)

    for m in range(8):
        pltpu.make_async_copy(pk_hbm, pkv.at[pl.ds(m * L, L)], psem).wait()
        pltpu.make_async_copy(pv_hbm, pvv.at[pl.ds(m * L, L)], psem).wait()
    for m in range(BPW // 8):
        r0 = wid * IPW + m * 8 * L
        pltpu.async_copy(pkv, posk_out.at[pl.ds(r0, 8 * L)], psem)
        pltpu.async_copy(pvv, posv_out.at[pl.ds(r0, 8 * L)], psem)

    def fire_gathers(c, s):
        kb, vb = kbuf.at[s], vbuf.at[s]
        for t in range(CH):
            tile = c * CH + t
            pltpu.async_copy(tk_hbm.at[idx_v.at[tile]],
                             kb.at[pl.ds(t * TILE, TILE)], gsem[s])
            pltpu.async_copy(tv_hbm.at[idx_v.at[tile]],
                             vb.at[pl.ds(t * TILE, TILE)], gsem[s])

    def drain_gathers(s):
        pltpu.make_async_copy(tmk_out.at[pl.ds(0, CROWS)], kbuf.at[s],
                              gsem[s]).wait()
        pltpu.make_async_copy(tmk_out.at[pl.ds(0, CROWS)], vbuf.at[s],
                              gsem[s]).wait()

    def drain_writes(s):
        pltpu.make_async_copy(tmk_out.at[pl.ds(0, CROWS)], kbuf.at[s],
                              wsem[s]).wait()
        pltpu.make_async_copy(tmk_out.at[pl.ds(0, CROWS)], vbuf.at[s],
                              wsem[s]).wait()

    def fire_writes(c, s):
        row0 = wid * RPW + c * CROWS
        pltpu.async_copy(kbuf.at[s], tmk_out.at[pl.ds(row0, CROWS)], wsem[s])
        pltpu.async_copy(vbuf.at[s], tmv_out.at[pl.ds(row0, CROWS)], wsem[s])

    fire_gathers(0, 0)

    def chunk_pair(g, carry):
        for par in range(2):
            c = g * 2 + par
            s = par
            s2 = 1 - par
            drain_gathers(s)

            @pl.when(c >= 1)
            def _drain_w():
                drain_writes(s2)

            fire_gathers(c + 1, s2)
            fire_writes(c, s)
        return carry

    lax.fori_loop(0, (NCH - 1) // 2, chunk_pair, 0)
    drain_gathers(0)
    drain_writes(1)
    fire_writes(NCH - 1, 0)

    for k in range(ITILE):
        pltpu.make_async_copy(tab_hbm.at[pl.ds(0, TILE)],
                              ibuf.at[pl.ds(k * TILE, TILE)], isem).wait()

    def scale_body(blk, carry):
        r = blk >> 1
        off = (blk & 1) * 16
        sc = plsc.load_gather(scale_v, [jnp.full((16,), r, jnp.int32)])
        ibuf[r, pl.ds(off, 16)] = ibuf[r, pl.ds(off, 16)] * sc
        return carry

    lax.fori_loop(0, IPW * D // 16, scale_body, 0)
    pltpu.async_copy(ibuf, seqs_out.at[pl.ds(wid * IPW, IPW)], isem)

    drain_writes(0)
    pltpu.make_async_copy(tab_hbm.at[pl.ds(0, IPW)], ibuf, isem).wait()
    for m in range(BPW // 8):
        pltpu.make_async_copy(pkv, posk_out.at[pl.ds(0, 8 * L)], psem).wait()
        pltpu.make_async_copy(pvv, posv_out.at[pl.ds(0, 8 * L)], psem).wait()


def kernel(item_id, timestamp, padding_mask, item_table, pos_k_table,
           pos_v_table, time_k_table, time_v_table):
    scale = jnp.where(padding_mask.reshape(B * L), SQRT_D, 0.0).astype(
        jnp.float32)
    iid = item_id.reshape(B * L)
    seqs, tmk, tmv, posk, posv = _sc_embed(
        iid, timestamp, scale, item_table, pos_k_table, pos_v_table,
        time_k_table, time_v_table)
    return (seqs.reshape(B, L, D),
            tmk.reshape(B, L, L, D),
            tmv.reshape(B, L, L, D),
            posk.reshape(B, L, D),
            posv.reshape(B, L, D))

# --- scband reference (transcript-rebuilt; emitter-appended) ---
"""Pipeline reference for scband-ti-sas-rec-embeddings-38585986187987 (READ-ONLY COPY).

The authoritative reference and input builder live on the scoring server;
editing this copy changes nothing except your own understanding.
"""

import jax, jax.numpy as jnp
import numpy as np

VOCAB = 1000000
EMBED = 32
MAX_LEN = 20
TIME_SPAN = 256
BATCH = 1024
PAD_IDX = 0


def setup_inputs(seed: int = 0) -> dict:
    key = jax.random.key(seed)
    k1, k2, k3, k4, k5, k6, k7 = jax.random.split(key, 7)
    item_id = jax.random.randint(k1, (BATCH, MAX_LEN), 0, VOCAB, dtype=jnp.int32)
    timestamp = jnp.sort(jax.random.randint(k2, (BATCH, MAX_LEN), 0, 10000, dtype=jnp.int32), axis=-1)
    padding_mask = jnp.ones((BATCH, MAX_LEN, 1), dtype=jnp.bool_)
    item_table = jax.random.normal(k3, (VOCAB + 1, EMBED), dtype=jnp.float32) * 0.02
    item_table = item_table.at[PAD_IDX].set(0.0)  # padding_idx row zeroed
    pos_k_table = jax.random.normal(k4, (MAX_LEN, EMBED), dtype=jnp.float32) * 0.02
    pos_v_table = jax.random.normal(k5, (MAX_LEN, EMBED), dtype=jnp.float32) * 0.02
    time_k_table = jax.random.normal(k6, (TIME_SPAN + 1, EMBED), dtype=jnp.float32) * 0.02
    time_v_table = jax.random.normal(k7, (TIME_SPAN + 1, EMBED), dtype=jnp.float32) * 0.02
    return {
        'item_id': item_id,
        'timestamp': timestamp,
        'padding_mask': padding_mask,
        'item_table': item_table,
        'pos_k_table': pos_k_table,
        'pos_v_table': pos_v_table,
        'time_k_table': time_k_table,
        'time_v_table': time_v_table,
    }


def _time_relative_matrix(time_seq):
    tm = jnp.abs(time_seq[:, :, None] - time_seq[:, None, :]).astype(jnp.int32)
    tm = jnp.minimum(tm, TIME_SPAN)  # masked_fill(tm > time_span, time_span)
    return tm


def reference(item_id, timestamp, padding_mask, item_table, pos_k_table, pos_v_table, time_k_table, time_v_table):
    time_matrix = _time_relative_matrix(timestamp)                    # [B, L, L]
    seqs = jnp.take(item_table, item_id, axis=0) * (EMBED ** 0.5)     # [B, L, D]
    batch_size = seqs.shape[0]
    abs_pos_k = jnp.broadcast_to(pos_k_table[None, :, :], (batch_size, MAX_LEN, EMBED))
    abs_pos_v = jnp.broadcast_to(pos_v_table[None, :, :], (batch_size, MAX_LEN, EMBED))
    time_matrix_k = jnp.take(time_k_table, time_matrix, axis=0)       # [B, L, L, D]
    time_matrix_v = jnp.take(time_v_table, time_matrix, axis=0)       # [B, L, L, D]
    # dropout p=0.0 -> identity (eval semantics)
    seqs = seqs * padding_mask.astype(seqs.dtype)
    return (seqs, time_matrix_k, time_matrix_v, abs_pos_k, abs_pos_v)

if __name__ == "__main__":
    import jax
    _d = setup_inputs()
    print(jax.jit(kernel)(*tuple(_d.values())))

</pallas_src>

<mosaic_0001>
#map = affine_map<(d0, d1) -> (0)>
#map1 = affine_map<(d0, d1) -> (0, 0)>
module attributes {stable_mosaic.version = 14 : i64} {
  func.func @_sc_embed(%arg0: i32, %arg1: i32, %arg2: memref<20480xi32, #tpu.memory_space<hbm>>, %arg3: memref<1024x20xi32, #tpu.memory_space<hbm>>, %arg4: memref<20480xf32, #tpu.memory_space<hbm>>, %arg5: memref<1000001x32xf32, #tpu.memory_space<hbm>>, %arg6: memref<20x32xf32, #tpu.memory_space<hbm>>, %arg7: memref<20x32xf32, #tpu.memory_space<hbm>>, %arg8: memref<257x32xf32, #tpu.memory_space<hbm>>, %arg9: memref<257x32xf32, #tpu.memory_space<hbm>>, %arg10: memref<20480x32xf32, #tpu.memory_space<hbm>>, %arg11: memref<409600x32xf32, #tpu.memory_space<hbm>>, %arg12: memref<409600x32xf32, #tpu.memory_space<hbm>>, %arg13: memref<20480x32xf32, #tpu.memory_space<hbm>>, %arg14: memref<20480x32xf32, #tpu.memory_space<hbm>>, %arg15: memref<32x20xi32, #tpu.memory_space<vmem>>, %arg16: memref<640xi32, #tpu.memory_space<vmem>>, %arg17: memref<640xf32, #tpu.memory_space<vmem>>, %arg18: memref<100x128xi32, #tpu.memory_space<vmem>>, %arg19: memref<2x512x32xf32, #tpu.memory_space<vmem>>, %arg20: memref<2x512x32xf32, #tpu.memory_space<vmem>>, %arg21: memref<640x32xf32, #tpu.memory_space<vmem>>, %arg22: memref<160x32xf32, #tpu.memory_space<vmem>>, %arg23: memref<160x32xf32, #tpu.memory_space<vmem>>, %arg24: memref<!tpu.dma_semaphore, #tpu.memory_space<semaphore_mem>>, %arg25: memref<!tpu.dma_semaphore, #tpu.memory_space<semaphore_mem>>, %arg26: memref<!tpu.dma_semaphore, #tpu.memory_space<semaphore_mem>>, %arg27: memref<!tpu.dma_semaphore, #tpu.memory_space<semaphore_mem>>, %arg28: memref<!tpu.dma_semaphore, #tpu.memory_space<semaphore_mem>>, %arg29: memref<!tpu.dma_semaphore, #tpu.memory_space<semaphore_mem>>) attributes {dimension_semantics = [#tpu.dimension_semantics<core_parallel>, #tpu.dimension_semantics<subcore_parallel>], iteration_bounds = array<i64: 2, 16>, scalar_prefetch = 0 : i64, scratch_operands = 15 : i64, tpu.core_type = #tpu.core_type<sc_vector_subcore>, window_params = [{transform_indices = #map}, {transform_indices = #map1}, {transform_indices = #map}, {transform_indices = #map1}, {transform_indices = #map1}, {transform_indices = #map1}, {transform_indices = #map1}, {transform_indices = #map1}, {transform_indices = #map1}, {transform_indices = #map1}, {transform_indices = #map1}, {transform_indices = #map1}, {transform_indices = #map1}]} {
    %mul3A = arith.constant 2 : i32
    %mul3A_0 = arith.muli %arg1, %mul3A : i32
    %add3A = arith.addi %mul3A_0, %arg0 : i32
    %mul3A_1 = arith.constant 32 : i32
    %mul3A_2 = arith.muli %add3A, %mul3A_1 : i32
    "tpu.region"() ({
      %run_scoped3A = tpu.sem_alloc : memref<!tpu.dma_semaphore, #tpu.memory_space<semaphore_mem>>
      %dma_start3A_674 = arith.constant 0 : i32
      %dma_start3A_675 = tpu.memref_slice %arg3[%mul3A_2, %dma_start3A_674] : memref<1024x20xi32, #tpu.memory_space<hbm>> -> memref<32x20xi32, #tpu.memory_space<hbm>>
      %dma_start3A_676 = arith.constant 0 : i32
      %dma_start3A_677 = tpu.memref_slice %arg3[%mul3A_2, %dma_start3A_676] : memref<1024x20xi32, #tpu.memory_space<hbm>> -> memref<32x20xi32, #tpu.memory_space<hbm>>
      tpu.enqueue_dma source(%dma_start3A_677 : memref<32x20xi32, #tpu.memory_space<hbm>>) target(%arg15 : memref<32x20xi32, #tpu.memory_space<vmem>>) target_semaphore(%run_scoped3A : memref<!tpu.dma_semaphore, #tpu.memory_space<semaphore_mem>>)
      %dma_wait3A_678 = arith.constant 0 : i32
      %dma_wait3A_679 = tpu.memref_slice %arg3[%mul3A_2, %dma_wait3A_678] : memref<1024x20xi32, #tpu.memory_space<hbm>> -> memref<32x20xi32, #tpu.memory_space<hbm>>
      %dma_wait3A_680 = arith.constant 0 : i32
      %dma_wait3A_681 = tpu.memref_slice %arg3[%mul3A_2, %dma_wait3A_680] : memref<1024x20xi32, #tpu.memory_space<hbm>> -> memref<32x20xi32, #tpu.memory_space<hbm>>
      tpu.wait_dma2 semaphore(%run_scoped3A : memref<!tpu.dma_semaphore, #tpu.memory_space<semaphore_mem>>) src(%dma_wait3A_681 : memref<32x20xi32, #tpu.memory_space<hbm>>) dst(%arg15 : memref<32x20xi32, #tpu.memory_space<vmem>>)
      tpu.yield
    }) : () -> ()
    %mul3A_3 = arith.constant 640 : i32
    %mul3A_4 = arith.muli %add3A, %mul3A_3 : i32
    %dma_start3A = tpu.memref_slice %arg2[%mul3A_4] : memref<20480xi32, #tpu.memory_space<hbm>> -> memref<640xi32, #tpu.memory_space<hbm>>
    %dma_start3A_5 = tpu.memref_slice %arg2[%mul3A_4] : memref<20480xi32, #tpu.memory_space<hbm>> -> memref<640xi32, #tpu.memory_space<hbm>>
    tpu.enqueue_dma source(%dma_start3A_5 : memref<640xi32, #tpu.memory_space<hbm>>) target(%arg16 : memref<640xi32, #tpu.memory_space<vmem>>) target_semaphore(%arg28 : memref<!tpu.dma_semaphore, #tpu.memory_space<semaphore_mem>>)
    %mul3A_6 = arith.constant 640 : i32
    %mul3A_7 = arith.muli %add3A, %mul3A_6 : i32
    %dma_start3A_8 = tpu.memref_slice %arg4[%mul3A_7] : memref<20480xf32, #tpu.memory_space<hbm>> -> memref<640xf32, #tpu.memory_space<hbm>>
    %dma_start3A_9 = tpu.memref_slice %arg4[%mul3A_7] : memref<20480xf32, #tpu.memory_space<hbm>> -> memref<640xf32, #tpu.memory_space<hbm>>
    tpu.enqueue_dma source(%dma_start3A_9 : memref<640xf32, #tpu.memory_space<hbm>>) target(%arg17 : memref<640xf32, #tpu.memory_space<vmem>>) target_semaphore(%arg28 : memref<!tpu.dma_semaphore, #tpu.memory_space<semaphore_mem>>)
    %dma_start3A_10 = arith.constant 0 : i32
    %dma_start3A_11 = arith.constant 0 : i32
    %dma_start3A_12 = tpu.memref_slice %arg22[%dma_start3A_10, %dma_start3A_11] : memref<160x32xf32, #tpu.memory_space<vmem>> -> memref<20x32xf32, #tpu.memory_space<vmem>>
    %dma_start3A_13 = arith.constant 0 : i32
    %dma_start3A_14 = arith.constant 0 : i32
    %dma_start3A_15 = tpu.memref_slice %arg22[%dma_start3A_13, %dma_start3A_14] : memref<160x32xf32, #tpu.memory_space<vmem>> -> memref<20x32xf32, #tpu.memory_space<vmem>>
    tpu.enqueue_dma source(%arg6 : memref<20x32xf32, #tpu.memory_space<hbm>>) target(%dma_start3A_15 : memref<20x32xf32, #tpu.memory_space<vmem>>) target_semaphore(%arg29 : memref<!tpu.dma_semaphore, #tpu.memory_space<semaphore_mem>>)
    %dma_start3A_16 = arith.constant 0 : i32
    %dma_start3A_17 = arith.constant 0 : i32
    %dma_start3A_18 = tpu.memref_slice %arg23[%dma_start3A_16, %dma_start3A_17] : memref<160x32xf32, #tpu.memory_space<vmem>> -> memref<20x32xf32, #tpu.memory_space<vmem>>
    %dma_start3A_19 = arith.constant 0 : i32
    %dma_start3A_20 = arith.constant 0 : i32
    %dma_start3A_21 = tpu.memref_slice %arg23[%dma_start3A_19, %dma_start3A_20] : memref<160x32xf32, #tpu.memory_space<vmem>> -> memref<20x32xf32, #tpu.memory_space<vmem>>
    tpu.enqueue_dma source(%arg7 : memref<20x32xf32, #tpu.memory_space<hbm>>) target(%dma_start3A_21 : memref<20x32xf32, #tpu.memory_space<vmem>>) target_semaphore(%arg29 : memref<!tpu.dma_semaphore, #tpu.memory_space<semaphore_mem>>)
    %dma_start3A_22 = arith.constant 20 : i32
    %dma_start3A_23 = arith.constant 0 : i32
    %dma_start3A_24 = tpu.memref_slice %arg22[%dma_start3A_22, %dma_start3A_23] : memref<160x32xf32, #tpu.memory_space<vmem>> -> memref<20x32xf32, #tpu.memory_space<vmem>>
    %dma_start3A_25 = arith.constant 20 : i32
    %dma_start3A_26 = arith.constant 0 : i32
    %dma_start3A_27 = tpu.memref_slice %arg22[%dma_start3A_25, %dma_start3A_26] : memref<160x32xf32, #tpu.memory_space<vmem>> -> memref<20x32xf32, #tpu.memory_space<vmem>>
    tpu.enqueue_dma source(%arg6 : memref<20x32xf32, #tpu.memory_space<hbm>>) target(%dma_start3A_27 : memref<20x32xf32, #tpu.memory_space<vmem>>) target_semaphore(%arg29 : memref<!tpu.dma_semaphore, #tpu.memory_space<semaphore_mem>>)
    %dma_start3A_28 = arith.constant 20 : i32
    %dma_start3A_29 = arith.constant 0 : i32
    %dma_start3A_30 = tpu.memref_slice %arg23[%dma_start3A_28, %dma_start3A_29] : memref<160x32xf32, #tpu.memory_space<vmem>> -> memref<20x32xf32, #tpu.memory_space<vmem>>
    %dma_start3A_31 = arith.constant 20 : i32
    %dma_start3A_32 = arith.constant 0 : i32
    %dma_start3A_33 = tpu.memref_slice %arg23[%dma_start3A_31, %dma_start3A_32] : memref<160x32xf32, #tpu.memory_space<vmem>> -> memref<20x32xf32, #tpu.memory_space<vmem>>
    tpu.enqueue_dma source(%arg7 : memref<20x32xf32, #tpu.memory_space<hbm>>) target(%dma_start3A_33 : memref<20x32xf32, #tpu.memory_space<vmem>>) target_semaphore(%arg29 : memref<!tpu.dma_semaphore, #tpu.memory_space<semaphore_mem>>)
    %dma_start3A_34 = arith.constant 40 : i32
    %dma_start3A_35 = arith.constant 0 : i32
    %dma_start3A_36 = tpu.memref_slice %arg22[%dma_start3A_34, %dma_start3A_35] : memref<160x32xf32, #tpu.memory_space<vmem>> -> memref<20x32xf32, #tpu.memory_space<vmem>>
    %dma_start3A_37 = arith.constant 40 : i32
    %dma_start3A_38 = arith.constant 0 : i32
    %dma_start3A_39 = tpu.memref_slice %arg22[%dma_start3A_37, %dma_start3A_38] : memref<160x32xf32, #tpu.memory_space<vmem>> -> memref<20x32xf32, #tpu.memory_space<vmem>>
    tpu.enqueue_dma source(%arg6 : memref<20x32xf32, #tpu.memory_space<hbm>>) target(%dma_start3A_39 : memref<20x32xf32, #tpu.memory_space<vmem>>) target_semaphore(%arg29 : memref<!tpu.dma_semaphore, #tpu.memory_space<semaphore_mem>>)
    %dma_start3A_40 = arith.constant 40 : i32
    %dma_start3A_41 = arith.constant 0 : i32
    %dma_start3A_42 = tpu.memref_slice %arg23[%dma_start3A_40, %dma_start3A_41] : memref<160x32xf32, #tpu.memory_space<vmem>> -> memref<20x32xf32, #tpu.memory_space<vmem>>
    %dma_start3A_43 = arith.constant 40 : i32
    %dma_start3A_44 = arith.constant 0 : i32
    %dma_start3A_45 = tpu.memref_slice %arg23[%dma_start3A_43, %dma_start3A_44] : memref<160x32xf32, #tpu.memory_space<vmem>> -> memref<20x32xf32, #tpu.memory_space<vmem>>
    tpu.enqueue_dma source(%arg7 : memref<20x32xf32, #tpu.memory_space<hbm>>) target(%dma_start3A_45 : memref<20x32xf32, #tpu.memory_space<vmem>>) target_semaphore(%arg29 : memref<!tpu.dma_semaphore, #tpu.memory_space<semaphore_mem>>)
    %dma_start3A_46 = arith.constant 60 : i32
    %dma_start3A_47 = arith.constant 0 : i32
    %dma_start3A_48 = tpu.memref_slice %arg22[%dma_start3A_46, %dma_start3A_47] : memref<160x32xf32, #tpu.memory_space<vmem>> -> memref<20x32xf32, #tpu.memory_space<vmem>>
    %dma_start3A_49 = arith.constant 60 : i32
    %dma_start3A_50 = arith.constant 0 : i32
    %dma_start3A_51 = tpu.memref_slice %arg22[%dma_start3A_49, %dma_start3A_50] : memref<160x32xf32, #tpu.memory_space<vmem>> -> memref<20x32xf32, #tpu.memory_space<vmem>>
    tpu.enqueue_dma source(%arg6 : memref<20x32xf32, #tpu.memory_space<hbm>>) target(%dma_start3A_51 : memref<20x32xf32, #tpu.memory_space<vmem>>) target_semaphore(%arg29 : memref<!tpu.dma_semaphore, #tpu.memory_space<semaphore_mem>>)
    %dma_start3A_52 = arith.constant 60 : i32
    %dma_start3A_53 = arith.constant 0 : i32
    %dma_start3A_54 = tpu.memref_slice %arg23[%dma_start3A_52, %dma_start3A_53] : memref<160x32xf32, #tpu.memory_space<vmem>> -> memref<20x32xf32, #tpu.memory_space<vmem>>
    %dma_start3A_55 = arith.constant 60 : i32
    %dma_start3A_56 = arith.constant 0 : i32
    %dma_start3A_57 = tpu.memref_slice %arg23[%dma_start3A_55, %dma_start3A_56] : memref<160x32xf32, #tpu.memory_space<vmem>> -> memref<20x32xf32, #tpu.memory_space<vmem>>
    tpu.enqueue_dma source(%arg7 : memref<20x32xf32, #tpu.memory_space<hbm>>) target(%dma_start3A_57 : memref<20x32xf32, #tpu.memory_space<vmem>>) target_semaphore(%arg29 : memref<!tpu.dma_semaphore, #tpu.memory_space<semaphore_mem>>)
    %dma_start3A_58 = arith.constant 80 : i32
    %dma_start3A_59 = arith.constant 0 : i32
    %dma_start3A_60 = tpu.memref_slice %arg22[%dma_start3A_58, %dma_start3A_59] : memref<160x32xf32, #tpu.memory_space<vmem>> -> memref<20x32xf32, #tpu.memory_space<vmem>>
    %dma_start3A_61 = arith.constant 80 : i32
    %dma_start3A_62 = arith.constant 0 : i32
    %dma_start3A_63 = tpu.memref_slice %arg22[%dma_start3A_61, %dma_start3A_62] : memref<160x32xf32, #tpu.memory_space<vmem>> -> memref<20x32xf32, #tpu.memory_space<vmem>>
    tpu.enqueue_dma source(%arg6 : memref<20x32xf32, #tpu.memory_space<hbm>>) target(%dma_start3A_63 : memref<20x32xf32, #tpu.memory_space<vmem>>) target_semaphore(%arg29 : memref<!tpu.dma_semaphore, #tpu.memory_space<semaphore_mem>>)
    %dma_start3A_64 = arith.constant 80 : i32
    %dma_start3A_65 = arith.constant 0 : i32
    %dma_start3A_66 = tpu.memref_slice %arg23[%dma_start3A_64, %dma_start3A_65] : memref<160x32xf32, #tpu.memory_space<vmem>> -> memref<20x32xf32, #tpu.memory_space<vmem>>
    %dma_start3A_67 = arith.constant 80 : i32
    %dma_start3A_68 = arith.constant 0 : i32
    %dma_start3A_69 = tpu.memref_slice %arg23[%dma_start3A_67, %dma_start3A_68] : memref<160x32xf32, #tpu.memory_space<vmem>> -> memref<20x32xf32, #tpu.memory_space<vmem>>
    tpu.enqueue_dma source(%arg7 : memref<20x32xf32, #tpu.memory_space<hbm>>) target(%dma_start3A_69 : memref<20x32xf32, #tpu.memory_space<vmem>>) target_semaphore(%arg29 : memref<!tpu.dma_semaphore, #tpu.memory_space<semaphore_mem>>)
    %dma_start3A_70 = arith.constant 100 : i32
    %dma_start3A_71 = arith.constant 0 : i32
    %dma_start3A_72 = tpu.memref_slice %arg22[%dma_start3A_70, %dma_start3A_71] : memref<160x32xf32, #tpu.memory_space<vmem>> -> memref<20x32xf32, #tpu.memory_space<vmem>>
    %dma_start3A_73 = arith.constant 100 : i32
    %dma_start3A_74 = arith.constant 0 : i32
    %dma_start3A_75 = tpu.memref_slice %arg22[%dma_start3A_73, %dma_start3A_74] : memref<160x32xf32, #tpu.memory_space<vmem>> -> memref<20x32xf32, #tpu.memory_space<vmem>>
    tpu.enqueue_dma source(%arg6 : memref<20x32xf32, #tpu.memory_space<hbm>>) target(%dma_start3A_75 : memref<20x32xf32, #tpu.memory_space<vmem>>) target_semaphore(%arg29 : memref<!tpu.dma_semaphore, #tpu.memory_space<semaphore_mem>>)
    %dma_start3A_76 = arith.constant 100 : i32
    %dma_start3A_77 = arith.constant 0 : i32
    %dma_start3A_78 = tpu.memref_slice %arg23[%dma_start3A_76, %dma_start3A_77] : memref<160x32xf32, #tpu.memory_space<vmem>> -> memref<20x32xf32, #tpu.memory_space<vmem>>
    %dma_start3A_79 = arith.constant 100 : i32
    %dma_start3A_80 = arith.constant 0 : i32
    %dma_start3A_81 = tpu.memref_slice %arg23[%dma_start3A_79, %dma_start3A_80] : memref<160x32xf32, #tpu.memory_space<vmem>> -> memref<20x32xf32, #tpu.memory_space<vmem>>
    tpu.enqueue_dma source(%arg7 : memref<20x32xf32, #tpu.memory_space<hbm>>) target(%dma_start3A_81 : memref<20x32xf32, #tpu.memory_space<vmem>>) target_semaphore(%arg29 : memref<!tpu.dma_semaphore, #tpu.memory_space<semaphore_mem>>)
    %dma_start3A_82 = arith.constant 120 : i32
    %dma_start3A_83 = arith.constant 0 : i32
    %dma_start3A_84 = tpu.memref_slice %arg22[%dma_start3A_82, %dma_start3A_83] : memref<160x32xf32, #tpu.memory_space<vmem>> -> memref<20x32xf32, #tpu.memory_space<vmem>>
    %dma_start3A_85 = arith.constant 120 : i32
    %dma_start3A_86 = arith.constant 0 : i32
    %dma_start3A_87 = tpu.memref_slice %arg22[%dma_start3A_85, %dma_start3A_86] : memref<160x32xf32, #tpu.memory_space<vmem>> -> memref<20x32xf32, #tpu.memory_space<vmem>>
    tpu.enqueue_dma source(%arg6 : memref<20x32xf32, #tpu.memory_space<hbm>>) target(%dma_start3A_87 : memref<20x32xf32, #tpu.memory_space<vmem>>) target_semaphore(%arg29 : memref<!tpu.dma_semaphore, #tpu.memory_space<semaphore_mem>>)
    %dma_start3A_88 = arith.constant 120 : i32
    %dma_start3A_89 = arith.constant 0 : i32
    %dma_start3A_90 = tpu.memref_slice %arg23[%dma_start3A_88, %dma_start3A_89] : memref<160x32xf32, #tpu.memory_space<vmem>> -> memref<20x32xf32, #tpu.memory_space<vmem>>
    %dma_start3A_91 = arith.constant 120 : i32
    %dma_start3A_92 = arith.constant 0 : i32
    %dma_start3A_93 = tpu.memref_slice %arg23[%dma_start3A_91, %dma_start3A_92] : memref<160x32xf32, #tpu.memory_space<vmem>> -> memref<20x32xf32, #tpu.memory_space<vmem>>
    tpu.enqueue_dma source(%arg7 : memref<20x32xf32, #tpu.memory_space<hbm>>) target(%dma_start3A_93 : memref<20x32xf32, #tpu.memory_space<vmem>>) target_semaphore(%arg29 : memref<!tpu.dma_semaphore, #tpu.memory_space<semaphore_mem>>)
    %dma_start3A_94 = arith.constant 140 : i32
    %dma_start3A_95 = arith.constant 0 : i32
    %dma_start3A_96 = tpu.memref_slice %arg22[%dma_start3A_94, %dma_start3A_95] : memref<160x32xf32, #tpu.memory_space<vmem>> -> memref<20x32xf32, #tpu.memory_space<vmem>>
    %dma_start3A_97 = arith.constant 140 : i32
    %dma_start3A_98 = arith.constant 0 : i32
    %dma_start3A_99 = tpu.memref_slice %arg22[%dma_start3A_97, %dma_start3A_98] : memref<160x32xf32, #tpu.memory_space<vmem>> -> memref<20x32xf32, #tpu.memory_space<vmem>>
    tpu.enqueue_dma source(%arg6 : memref<20x32xf32, #tpu.memory_space<hbm>>) target(%dma_start3A_99 : memref<20x32xf32, #tpu.memory_space<vmem>>) target_semaphore(%arg29 : memref<!tpu.dma_semaphore, #tpu.memory_space<semaphore_mem>>)
    %dma_start3A_100 = arith.constant 140 : i32
    %dma_start3A_101 = arith.constant 0 : i32
    %dma_start3A_102 = tpu.memref_slice %arg23[%dma_start3A_100, %dma_start3A_101] : memref<160x32xf32, #tpu.memory_space<vmem>> -> memref<20x32xf32, #tpu.memory_space<vmem>>
    %dma_start3A_103 = arith.constant 140 : i32
    %dma_start3A_104 = arith.constant 0 : i32
    %dma_start3A_105 = tpu.memref_slice %arg23[%dma_start3A_103, %dma_start3A_104] : memref<160x32xf32, #tpu.memory_space<vmem>> -> memref<20x32xf32, #tpu.memory_space<vmem>>
    tpu.enqueue_dma source(%arg7 : memref<20x32xf32, #tpu.memory_space<hbm>>) target(%dma_start3A_105 : memref<20x32xf32, #tpu.memory_space<vmem>>) target_semaphore(%arg29 : memref<!tpu.dma_semaphore, #tpu.memory_space<semaphore_mem>>)
    %iota3A = tpu.iota {dimensions = array<i32: 0>} : vector<16xi32>
    %scan3A = arith.constant 0 : i32
    %scan3A_106 = arith.constant 0 : i32
    %scan3A_107 = arith.constant 800 : i32
    %scan3A_108 = arith.addi %scan3A_106, %scan3A_107 : i32
    %scan3A_109 = arith.constant 1 : i32
    scf.for %scan3A_674 = %scan3A_106 to %scan3A_108 step %scan3A_109  : i32 {
      %mul3A_675 = arith.constant 16 : i32
      %mul3A_676 = arith.muli %scan3A_674, %mul3A_675 : i32
      %add3A_677 = vector.broadcast %mul3A_676 : i32 to vector<16xi32>
      %add3A_678 = arith.addi %add3A_677, %iota3A : vector<16xi32>
      %mul3A_679 = arith.constant 5243 : i32
      %mul3A_680 = vector.broadcast %mul3A_679 : i32 to vector<16xi32>
      %mul3A_681 = arith.muli %add3A_678, %mul3A_680 : vector<16xi32>
      %shift_right_arithmetic3A = arith.constant 21 : i32
      %shift_right_arithmetic3A_682 = vector.broadcast %shift_right_arithmetic3A : i32 to vector<16xi32>
      %shift_right_arithmetic3A_683 = arith.shrsi %mul3A_681, %shift_right_arithmetic3A_682 : vector<16xi32>
      %mul3A_684 = arith.constant 400 : i32
      %mul3A_685 = vector.broadcast %mul3A_684 : i32 to vector<16xi32>
      %mul3A_686 = arith.muli %shift_right_arithmetic3A_683, %mul3A_685 : vector<16xi32>
      %sub3A = arith.subi %add3A_678, %mul3A_686 : vector<16xi32>
      %mul3A_687 = arith.constant 3277 : i32
      %mul3A_688 = vector.broadcast %mul3A_687 : i32 to vector<16xi32>
      %mul3A_689 = arith.muli %sub3A, %mul3A_688 : vector<16xi32>
      %shift_right_arithmetic3A_690 = arith.constant 16 : i32
      %shift_right_arithmetic3A_691 = vector.broadcast %shift_right_arithmetic3A_690 : i32 to vector<16xi32>
      %shift_right_arithmetic3A_692 = arith.shrsi %mul3A_689, %shift_right_arithmetic3A_691 : vector<16xi32>
      %mul3A_693 = arith.constant 20 : i32
      %mul3A_694 = vector.broadcast %mul3A_693 : i32 to vector<16xi32>
      %mul3A_695 = arith.muli %shift_right_arithmetic3A_692, %mul3A_694 : vector<16xi32>
      %sub3A_696 = arith.subi %sub3A, %mul3A_695 : vector<16xi32>
      %gather3A = tpu.vector_load_idx %arg15[%shift_right_arithmetic3A_683, %shift_right_arithmetic3A_692] : memref<32x20xi32, #tpu.memory_space<vmem>>[vector<16xi32>, vector<16xi32>], vector<16xi32>,
      %gather3A_697 = tpu.vector_load_idx %arg15[%shift_right_arithmetic3A_683, %sub3A_696] : memref<32x20xi32, #tpu.memory_space<vmem>>[vector<16xi32>, vector<16xi32>], vector<16xi32>,
      %sub3A_698 = arith.subi %gather3A, %gather3A_697 : vector<16xi32>
      %abs3A = math.absi %sub3A_698 : vector<16xi32>
      %min3A = arith.constant 256 : i32
      %min3A_699 = vector.broadcast %min3A : i32 to vector<16xi32>
      %min3A_700 = arith.minsi %abs3A, %min3A_699 : vector<16xi32>
      %shift_right_arithmetic3A_701 = arith.constant 3 : i32
      %shift_right_arithmetic3A_702 = arith.shrsi %scan3A_674, %shift_right_arithmetic3A_701 : i32
      %and3A = arith.constant 7 : i32
      %and3A_703 = arith.andi %scan3A_674, %and3A : i32
      %mul3A_704 = arith.constant 16 : i32
      %mul3A_705 = arith.muli %and3A_703, %mul3A_704 : i32
      %swap3A = arith.index_cast %shift_right_arithmetic3A_702 : i32 to index
      %swap3A_706 = arith.index_cast %mul3A_705 : i32 to index
      %swap3A_707 = tpu.vector_load %arg18[%swap3A, %swap3A_706] {strides = array<i32>} : memref<100x128xi32, #tpu.memory_space<vmem>>, vector<16xi32>,
      tpu.vector_store %arg18[%swap3A, %swap3A_706], %min3A_700 {strides = array<i32>} : memref<100x128xi32, #tpu.memory_space<vmem>>, vector<16xi32>,
    }
    %scan3A_110 = arith.constant 800 : i32
    %dma_wait3A = arith.constant 0 : i32
    %dma_wait3A_111 = tpu.memref_slice %arg2[%dma_wait3A] : memref<20480xi32, #tpu.memory_space<hbm>> -> memref<640xi32, #tpu.memory_space<hbm>>
    %dma_wait3A_112 = arith.constant 0 : i32
    %dma_wait3A_113 = tpu.memref_slice %arg2[%dma_wait3A_112] : memref<20480xi32, #tpu.memory_space<hbm>> -> memref<640xi32, #tpu.memory_space<hbm>>
    tpu.wait_dma2 semaphore(%arg28 : memref<!tpu.dma_semaphore, #tpu.memory_space<semaphore_mem>>) src(%dma_wait3A_113 : memref<640xi32, #tpu.memory_space<hbm>>) dst(%arg16 : memref<640xi32, #tpu.memory_space<vmem>>)
    %dma_wait3A_114 = arith.constant 0 : i32
    %dma_wait3A_115 = tpu.memref_slice %arg4[%dma_wait3A_114] : memref<20480xf32, #tpu.memory_space<hbm>> -> memref<640xf32, #tpu.memory_space<hbm>>
    %dma_wait3A_116 = arith.constant 0 : i32
    %dma_wait3A_117 = tpu.memref_slice %arg4[%dma_wait3A_116] : memref<20480xf32, #tpu.memory_space<hbm>> -> memref<640xf32, #tpu.memory_space<hbm>>
    tpu.wait_dma2 semaphore(%arg28 : memref<!tpu.dma_semaphore, #tpu.memory_space<semaphore_mem>>) src(%dma_wait3A_117 : memref<640xf32, #tpu.memory_space<hbm>>) dst(%arg17 : memref<640xf32, #tpu.memory_space<vmem>>)
    %dma_start3A_118 = arith.constant 0 : i32
    %dma_start3A_119 = arith.constant 0 : i32
    %dma_start3A_120 = tpu.memref_slice %arg21[%dma_start3A_118, %dma_start3A_119] : memref<640x32xf32, #tpu.memory_space<vmem>> -> memref<128x32xf32, #tpu.memory_space<vmem>>
    %dma_start3A_121 = arith.constant 0 : i32
    %dma_start3A_122 = tpu.memref_slice %arg16[%dma_start3A_121] : memref<640xi32, #tpu.memory_space<vmem>> -> memref<128xi32, #tpu.memory_space<vmem>>
    %dma_start3A_123 = arith.constant 0 : i32
    %dma_start3A_124 = arith.constant 0 : i32
    %dma_start3A_125 = tpu.memref_slice %arg5[%dma_start3A_123, %dma_start3A_124] : memref<1000001x32xf32, #tpu.memory_space<hbm>> -> memref<1000001x32xf32, #tpu.memory_space<hbm>>
    tpu.enqueue_indirect_dma source(%dma_start3A_125 : memref<1000001x32xf32, #tpu.memory_space<hbm>>) target(%dma_start3A_120 : memref<128x32xf32, #tpu.memory_space<vmem>>) offsets(%dma_start3A_122 : memref<128xi32, #tpu.memory_space<vmem>>) semaphore(%arg28 : memref<!tpu.dma_semaphore, #tpu.memory_space<semaphore_mem>>)
    %dma_start3A_126 = arith.constant 128 : i32
    %dma_start3A_127 = arith.constant 0 : i32
    %dma_start3A_128 = tpu.memref_slice %arg21[%dma_start3A_126, %dma_start3A_127] : memref<640x32xf32, #tpu.memory_space<vmem>> -> memref<128x32xf32, #tpu.memory_space<vmem>>
    %dma_start3A_129 = arith.constant 128 : i32
    %dma_start3A_130 = tpu.memref_slice %arg16[%dma_start3A_129] : memref<640xi32, #tpu.memory_space<vmem>> -> memref<128xi32, #tpu.memory_space<vmem>>
    %dma_start3A_131 = arith.constant 0 : i32
    %dma_start3A_132 = arith.constant 0 : i32
    %dma_start3A_133 = tpu.memref_slice %arg5[%dma_start3A_131, %dma_start3A_132] : memref<1000001x32xf32, #tpu.memory_space<hbm>> -> memref<1000001x32xf32, #tpu.memory_space<hbm>>
    tpu.enqueue_indirect_dma source(%dma_start3A_133 : memref<1000001x32xf32, #tpu.memory_space<hbm>>) target(%dma_start3A_128 : memref<128x32xf32, #tpu.memory_space<vmem>>) offsets(%dma_start3A_130 : memref<128xi32, #tpu.memory_space<vmem>>) semaphore(%arg28 : memref<!tpu.dma_semaphore, #tpu.memory_space<semaphore_mem>>)
    %dma_start3A_134 = arith.constant 256 : i32
    %dma_start3A_135 = arith.constant 0 : i32
    %dma_start3A_136 = tpu.memref_slice %arg21[%dma_start3A_134, %dma_start3A_135] : memref<640x32xf32, #tpu.memory_space<vmem>> -> memref<128x32xf32, #tpu.memory_space<vmem>>
    %dma_start3A_137 = arith.constant 256 : i32
    %dma_start3A_138 = tpu.memref_slice %arg16[%dma_start3A_137] : memref<640xi32, #tpu.memory_space<vmem>> -> memref<128xi32, #tpu.memory_space<vmem>>
    %dma_start3A_139 = arith.constant 0 : i32
    %dma_start3A_140 = arith.constant 0 : i32
    %dma_start3A_141 = tpu.memref_slice %arg5[%dma_start3A_139, %dma_start3A_140] : memref<1000001x32xf32, #tpu.memory_space<hbm>> -> memref<1000001x32xf32, #tpu.memory_space<hbm>>
    tpu.enqueue_indirect_dma source(%dma_start3A_141 : memref<1000001x32xf32, #tpu.memory_space<hbm>>) target(%dma_start3A_136 : memref<128x32xf32, #tpu.memory_space<vmem>>) offsets(%dma_start3A_138 : memref<128xi32, #tpu.memory_space<vmem>>) semaphore(%arg28 : memref<!tpu.dma_semaphore, #tpu.memory_space<semaphore_mem>>)
    %dma_start3A_142 = arith.constant 384 : i32
    %dma_start3A_143 = arith.constant 0 : i32
    %dma_start3A_144 = tpu.memref_slice %arg21[%dma_start3A_142, %dma_start3A_143] : memref<640x32xf32, #tpu.memory_space<vmem>> -> memref<128x32xf32, #tpu.memory_space<vmem>>
    %dma_start3A_145 = arith.constant 384 : i32
    %dma_start3A_146 = tpu.memref_slice %arg16[%dma_start3A_145] : memref<640xi32, #tpu.memory_space<vmem>> -> memref<128xi32, #tpu.memory_space<vmem>>
    %dma_start3A_147 = arith.constant 0 : i32
    %dma_start3A_148 = arith.constant 0 : i32
    %dma_start3A_149 = tpu.memref_slice %arg5[%dma_start3A_147, %dma_start3A_148] : memref<1000001x32xf32, #tpu.memory_space<hbm>> -> memref<1000001x32xf32, #tpu.memory_space<hbm>>
    tpu.enqueue_indirect_dma source(%dma_start3A_149 : memref<1000001x32xf32, #tpu.memory_space<hbm>>) target(%dma_start3A_144 : memref<128x32xf32, #tpu.memory_space<vmem>>) offsets(%dma_start3A_146 : memref<128xi32, #tpu.memory_space<vmem>>) semaphore(%arg28 : memref<!tpu.dma_semaphore, #tpu.memory_space<semaphore_mem>>)
    %dma_start3A_150 = arith.constant 512 : i32
    %dma_start3A_151 = arith.constant 0 : i32
    %dma_start3A_152 = tpu.memref_slice %arg21[%dma_start3A_150, %dma_start3A_151] : memref<640x32xf32, #tpu.memory_space<vmem>> -> memref<128x32xf32, #tpu.memory_space<vmem>>
    %dma_start3A_153 = arith.constant 512 : i32
    %dma_start3A_154 = tpu.memref_slice %arg16[%dma_start3A_153] : memref<640xi32, #tpu.memory_space<vmem>> -> memref<128xi32, #tpu.memory_space<vmem>>
    %dma_start3A_155 = arith.constant 0 : i32
    %dma_start3A_156 = arith.constant 0 : i32
    %dma_start3A_157 = tpu.memref_slice %arg5[%dma_start3A_155, %dma_start3A_156] : memref<1000001x32xf32, #tpu.memory_space<hbm>> -> memref<1000001x32xf32, #tpu.memory_space<hbm>>
    tpu.enqueue_indirect_dma source(%dma_start3A_157 : memref<1000001x32xf32, #tpu.memory_space<hbm>>) target(%dma_start3A_152 : memref<128x32xf32, #tpu.memory_space<vmem>>) offsets(%dma_start3A_154 : memref<128xi32, #tpu.memory_space<vmem>>) semaphore(%arg28 : memref<!tpu.dma_semaphore, #tpu.memory_space<semaphore_mem>>)
    %dma_wait3A_158 = arith.constant 0 : i32
    %dma_wait3A_159 = arith.constant 0 : i32
    %dma_wait3A_160 = tpu.memref_slice %arg22[%dma_wait3A_158, %dma_wait3A_159] : memref<160x32xf32, #tpu.memory_space<vmem>> -> memref<20x32xf32, #tpu.memory_space<vmem>>
    %dma_wait3A_161 = arith.constant 0 : i32
    %dma_wait3A_162 = arith.constant 0 : i32
    %dma_wait3A_163 = tpu.memref_slice %arg22[%dma_wait3A_161, %dma_wait3A_162] : memref<160x32xf32, #tpu.memory_space<vmem>> -> memref<20x32xf32, #tpu.memory_space<vmem>>
    tpu.wait_dma2 semaphore(%arg29 : memref<!tpu.dma_semaphore, #tpu.memory_space<semaphore_mem>>) src(%arg6 : memref<20x32xf32, #tpu.memory_space<hbm>>) dst(%dma_wait3A_163 : memref<20x32xf32, #tpu.memory_space<vmem>>)
    %dma_wait3A_164 = arith.constant 0 : i32
    %dma_wait3A_165 = arith.constant 0 : i32
    %dma_wait3A_166 = tpu.memref_slice %arg23[%dma_wait3A_164, %dma_wait3A_165] : memref<160x32xf32, #tpu.memory_space<vmem>> -> memref<20x32xf32, #tpu.memory_space<vmem>>
    %dma_wait3A_167 = arith.constant 0 : i32
    %dma_wait3A_168 = arith.constant 0 : i32
    %dma_wait3A_169 = tpu.memref_slice %arg23[%dma_wait3A_167, %dma_wait3A_168] : memref<160x32xf32, #tpu.memory_space<vmem>> -> memref<20x32xf32, #tpu.memory_space<vmem>>
    tpu.wait_dma2 semaphore(%arg29 : memref<!tpu.dma_semaphore, #tpu.memory_space<semaphore_mem>>) src(%arg7 : memref<20x32xf32, #tpu.memory_space<hbm>>) dst(%dma_wait3A_169 : memref<20x32xf32, #tpu.memory_space<vmem>>)
    %dma_wait3A_170 = arith.constant 20 : i32
    %dma_wait3A_171 = arith.constant 0 : i32
    %dma_wait3A_172 = tpu.memref_slice %arg22[%dma_wait3A_170, %dma_wait3A_171] : memref<160x32xf32, #tpu.memory_space<vmem>> -> memref<20x32xf32, #tpu.memory_space<vmem>>
    %dma_wait3A_173 = arith.constant 20 : i32
    %dma_wait3A_174 = arith.constant 0 : i32
    %dma_wait3A_175 = tpu.memref_slice %arg22[%dma_wait3A_173, %dma_wait3A_174] : memref<160x32xf32, #tpu.memory_space<vmem>> -> memref<20x32xf32, #tpu.memory_space<vmem>>
    tpu.wait_dma2 semaphore(%arg29 : memref<!tpu.dma_semaphore, #tpu.memory_space<semaphore_mem>>) src(%arg6 : memref<20x32xf32, #tpu.memory_space<hbm>>) dst(%dma_wait3A_175 : memref<20x32xf32, #tpu.memory_space<vmem>>)
    %dma_wait3A_176 = arith.constant 20 : i32
    %dma_wait3A_177 = arith.constant 0 : i32
    %dma_wait3A_178 = tpu.memref_slice %arg23[%dma_wait3A_176, %dma_wait3A_177] : memref<160x32xf32, #tpu.memory_space<vmem>> -> memref<20x32xf32, #tpu.memory_space<vmem>>
    %dma_wait3A_179 = arith.constant 20 : i32
    %dma_wait3A_180 = arith.constant 0 : i32
    %dma_wait3A_181 = tpu.memref_slice %arg23[%dma_wait3A_179, %dma_wait3A_180] : memref<160x32xf32, #tpu.memory_space<vmem>> -> memref<20x32xf32, #tpu.memory_space<vmem>>
    tpu.wait_dma2 semaphore(%arg29 : memref<!tpu.dma_semaphore, #tpu.memory_space<semaphore_mem>>) src(%arg7 : memref<20x32xf32, #tpu.memory_space<hbm>>) dst(%dma_wait3A_181 : memref<20x32xf32, #tpu.memory_space<vmem>>)
    %dma_wait3A_182 = arith.constant 40 : i32
    %dma_wait3A_183 = arith.constant 0 : i32
    %dma_wait3A_184 = tpu.memref_slice %arg22[%dma_wait3A_182, %dma_wait3A_183] : memref<160x32xf32, #tpu.memory_space<vmem>> -> memref<20x32xf32, #tpu.memory_space<vmem>>
    %dma_wait3A_185 = arith.constant 40 : i32
    %dma_wait3A_186 = arith.constant 0 : i32
    %dma_wait3A_187 = tpu.memref_slice %arg22[%dma_wait3A_185, %dma_wait3A_186] : memref<160x32xf32, #tpu.memory_space<vmem>> -> memref<20x32xf32, #tpu.memory_space<vmem>>
    tpu.wait_dma2 semaphore(%arg29 : memref<!tpu.dma_semaphore, #tpu.memory_space<semaphore_mem>>) src(%arg6 : memref<20x32xf32, #tpu.memory_space<hbm>>) dst(%dma_wait3A_187 : memref<20x32xf32, #tpu.memory_space<vmem>>)
    %dma_wait3A_188 = arith.constant 40 : i32
    %dma_wait3A_189 = arith.constant 0 : i32
    %dma_wait3A_190 = tpu.memref_slice %arg23[%dma_wait3A_188, %dma_wait3A_189] : memref<160x32xf32, #tpu.memory_space<vmem>> -> memref<20x32xf32, #tpu.memory_space<vmem>>
    %dma_wait3A_191 = arith.constant 40 : i32
    %dma_wait3A_192 = arith.constant 0 : i32
    %dma_wait3A_193 = tpu.memref_slice %arg23[%dma_wait3A_191, %dma_wait3A_192] : memref<160x32xf32, #tpu.memory_space<vmem>> -> memref<20x32xf32, #tpu.memory_space<vmem>>
    tpu.wait_dma2 semaphore(%arg29 : memref<!tpu.dma_semaphore, #tpu.memory_space<semaphore_mem>>) src(%arg7 : memref<20x32xf32, #tpu.memory_space<hbm>>) dst(%dma_wait3A_193 : memref<20x32xf32, #tpu.memory_space<vmem>>)
    %dma_wait3A_194 = arith.constant 60 : i32
    %dma_wait3A_195 = arith.constant 0 : i32
    %dma_wait3A_196 = tpu.memref_slice %arg22[%dma_wait3A_194, %dma_wait3A_195] : memref<160x32xf32, #tpu.memory_space<vmem>> -> memref<20x32xf32, #tpu.memory_space<vmem>>
    %dma_wait3A_197 = arith.constant 60 : i32
    %dma_wait3A_198 = arith.constant 0 : i32
    %dma_wait3A_199 = tpu.memref_slice %arg22[%dma_wait3A_197, %dma_wait3A_198] : memref<160x32xf32, #tpu.memory_space<vmem>> -> memref<20x32xf32, #tpu.memory_space<vmem>>
    tpu.wait_dma2 semaphore(%arg29 : memref<!tpu.dma_semaphore, #tpu.memory_space<semaphore_mem>>) src(%arg6 : memref<20x32xf32, #tpu.memory_space<hbm>>) dst(%dma_wait3A_199 : memref<20x32xf32, #tpu.memory_space<vmem>>)
    %dma_wait3A_200 = arith.constant 60 : i32
    %dma_wait3A_201 = arith.constant 0 : i32
    %dma_wait3A_202 = tpu.memref_slice %arg23[%dma_wait3A_200, %dma_wait3A_201] : memref<160x32xf32, #tpu.memory_space<vmem>> -> memref<20x32xf32, #tpu.memory_space<vmem>>
    %dma_wait3A_203 = arith.constant 60 : i32
    %dma_wait3A_204 = arith.constant 0 : i32
    %dma_wait3A_205 = tpu.memref_slice %arg23[%dma_wait3A_203, %dma_wait3A_204] : memref<160x32xf32, #tpu.memory_space<vmem>> -> memref<20x32xf32, #tpu.memory_space<vmem>>
    tpu.wait_dma2 semaphore(%arg29 : memref<!tpu.dma_semaphore, #tpu.memory_space<semaphore_mem>>) src(%arg7 : memref<20x32xf32, #tpu.memory_space<hbm>>) dst(%dma_wait3A_205 : memref<20x32xf32, #tpu.memory_space<vmem>>)
    %dma_wait3A_206 = arith.constant 80 : i32
    %dma_wait3A_207 = arith.constant 0 : i32
    %dma_wait3A_208 = tpu.memref_slice %arg22[%dma_wait3A_206, %dma_wait3A_207] : memref<160x32xf32, #tpu.memory_space<vmem>> -> memref<20x32xf32, #tpu.memory_space<vmem>>
    %dma_wait3A_209 = arith.constant 80 : i32
    %dma_wait3A_210 = arith.constant 0 : i32
    %dma_wait3A_211 = tpu.memref_slice %arg22[%dma_wait3A_209, %dma_wait3A_210] : memref<160x32xf32, #tpu.memory_space<vmem>> -> memref<20x32xf32, #tpu.memory_space<vmem>>
    tpu.wait_dma2 semaphore(%arg29 : memref<!tpu.dma_semaphore, #tpu.memory_space<semaphore_mem>>) src(%arg6 : memref<20x32xf32, #tpu.memory_space<hbm>>) dst(%dma_wait3A_211 : memref<20x32xf32, #tpu.memory_space<vmem>>)
    %dma_wait3A_212 = arith.constant 80 : i32
    %dma_wait3A_213 = arith.constant 0 : i32
    %dma_wait3A_214 = tpu.memref_slice %arg23[%dma_wait3A_212, %dma_wait3A_213] : memref<160x32xf32, #tpu.memory_space<vmem>> -> memref<20x32xf32, #tpu.memory_space<vmem>>
    %dma_wait3A_215 = arith.constant 80 : i32
    %dma_wait3A_216 = arith.constant 0 : i32
    %dma_wait3A_217 = tpu.memref_slice %arg23[%dma_wait3A_215, %dma_wait3A_216] : memref<160x32xf32, #tpu.memory_space<vmem>> -> memref<20x32xf32, #tpu.memory_space<vmem>>
    tpu.wait_dma2 semaphore(%arg29 : memref<!tpu.dma_semaphore, #tpu.memory_space<semaphore_mem>>) src(%arg7 : memref<20x32xf32, #tpu.memory_space<hbm>>) dst(%dma_wait3A_217 : memref<20x32xf32, #tpu.memory_space<vmem>>)
    %dma_wait3A_218 = arith.constant 100 : i32
    %dma_wait3A_219 = arith.constant 0 : i32
    %dma_wait3A_220 = tpu.memref_slice %arg22[%dma_wait3A_218, %dma_wait3A_219] : memref<160x32xf32, #tpu.memory_space<vmem>> -> memref<20x32xf32, #tpu.memory_space<vmem>>
    %dma_wait3A_221 = arith.constant 100 : i32
    %dma_wait3A_222 = arith.constant 0 : i32
    %dma_wait3A_223 = tpu.memref_slice %arg22[%dma_wait3A_221, %dma_wait3A_222] : memref<160x32xf32, #tpu.memory_space<vmem>> -> memref<20x32xf32, #tpu.memory_space<vmem>>
    tpu.wait_dma2 semaphore(%arg29 : memref<!tpu.dma_semaphore, #tpu.memory_space<semaphore_mem>>) src(%arg6 : memref<20x32xf32, #tpu.memory_space<hbm>>) dst(%dma_wait3A_223 : memref<20x32xf32, #tpu.memory_space<vmem>>)
    %dma_wait3A_224 = arith.constant 100 : i32
    %dma_wait3A_225 = arith.constant 0 : i32
    %dma_wait3A_226 = tpu.memref_slice %arg23[%dma_wait3A_224, %dma_wait3A_225] : memref<160x32xf32, #tpu.memory_space<vmem>> -> memref<20x32xf32, #tpu.memory_space<vmem>>
    %dma_wait3A_227 = arith.constant 100 : i32
    %dma_wait3A_228 = arith.constant 0 : i32
    %dma_wait3A_229 = tpu.memref_slice %arg23[%dma_wait3A_227, %dma_wait3A_228] : memref<160x32xf32, #tpu.memory_space<vmem>> -> memref<20x32xf32, #tpu.memory_space<vmem>>
    tpu.wait_dma2 semaphore(%arg29 : memref<!tpu.dma_semaphore, #tpu.memory_space<semaphore_mem>>) src(%arg7 : memref<20x32xf32, #tpu.memory_space<hbm>>) dst(%dma_wait3A_229 : memref<20x32xf32, #tpu.memory_space<vmem>>)
    %dma_wait3A_230 = arith.constant 120 : i32
    %dma_wait3A_231 = arith.constant 0 : i32
    %dma_wait3A_232 = tpu.memref_slice %arg22[%dma_wait3A_230, %dma_wait3A_231] : memref<160x32xf32, #tpu.memory_space<vmem>> -> memref<20x32xf32, #tpu.memory_space<vmem>>
    %dma_wait3A_233 = arith.constant 120 : i32
    %dma_wait3A_234 = arith.constant 0 : i32
    %dma_wait3A_235 = tpu.memref_slice %arg22[%dma_wait3A_233, %dma_wait3A_234] : memref<160x32xf32, #tpu.memory_space<vmem>> -> memref<20x32xf32, #tpu.memory_space<vmem>>
    tpu.wait_dma2 semaphore(%arg29 : memref<!tpu.dma_semaphore, #tpu.memory_space<semaphore_mem>>) src(%arg6 : memref<20x32xf32, #tpu.memory_space<hbm>>) dst(%dma_wait3A_235 : memref<20x32xf32, #tpu.memory_space<vmem>>)
    %dma_wait3A_236 = arith.constant 120 : i32
    %dma_wait3A_237 = arith.constant 0 : i32
    %dma_wait3A_238 = tpu.memref_slice %arg23[%dma_wait3A_236, %dma_wait3A_237] : memref<160x32xf32, #tpu.memory_space<vmem>> -> memref<20x32xf32, #tpu.memory_space<vmem>>
    %dma_wait3A_239 = arith.constant 120 : i32
    %dma_wait3A_240 = arith.constant 0 : i32
    %dma_wait3A_241 = tpu.memref_slice %arg23[%dma_wait3A_239, %dma_wait3A_240] : memref<160x32xf32, #tpu.memory_space<vmem>> -> memref<20x32xf32, #tpu.memory_space<vmem>>
    tpu.wait_dma2 semaphore(%arg29 : memref<!tpu.dma_semaphore, #tpu.memory_space<semaphore_mem>>) src(%arg7 : memref<20x32xf32, #tpu.memory_space<hbm>>) dst(%dma_wait3A_241 : memref<20x32xf32, #tpu.memory_space<vmem>>)
    %dma_wait3A_242 = arith.constant 140 : i32
    %dma_wait3A_243 = arith.constant 0 : i32
    %dma_wait3A_244 = tpu.memref_slice %arg22[%dma_wait3A_242, %dma_wait3A_243] : memref<160x32xf32, #tpu.memory_space<vmem>> -> memref<20x32xf32, #tpu.memory_space<vmem>>
    %dma_wait3A_245 = arith.constant 140 : i32
    %dma_wait3A_246 = arith.constant 0 : i32
    %dma_wait3A_247 = tpu.memref_slice %arg22[%dma_wait3A_245, %dma_wait3A_246] : memref<160x32xf32, #tpu.memory_space<vmem>> -> memref<20x32xf32, #tpu.memory_space<vmem>>
    tpu.wait_dma2 semaphore(%arg29 : memref<!tpu.dma_semaphore, #tpu.memory_space<semaphore_mem>>) src(%arg6 : memref<20x32xf32, #tpu.memory_space<hbm>>) dst(%dma_wait3A_247 : memref<20x32xf32, #tpu.memory_space<vmem>>)
    %dma_wait3A_248 = arith.constant 140 : i32
    %dma_wait3A_249 = arith.constant 0 : i32
    %dma_wait3A_250 = tpu.memref_slice %arg23[%dma_wait3A_248, %dma_wait3A_249] : memref<160x32xf32, #tpu.memory_space<vmem>> -> memref<20x32xf32, #tpu.memory_space<vmem>>
    %dma_wait3A_251 = arith.constant 140 : i32
    %dma_wait3A_252 = arith.constant 0 : i32
    %dma_wait3A_253 = tpu.memref_slice %arg23[%dma_wait3A_251, %dma_wait3A_252] : memref<160x32xf32, #tpu.memory_space<vmem>> -> memref<20x32xf32, #tpu.memory_space<vmem>>
    tpu.wait_dma2 semaphore(%arg29 : memref<!tpu.dma_semaphore, #tpu.memory_space<semaphore_mem>>) src(%arg7 : memref<20x32xf32, #tpu.memory_space<hbm>>) dst(%dma_wait3A_253 : memref<20x32xf32, #tpu.memory_space<vmem>>)
    %mul3A_254 = arith.constant 640 : i32
    %mul3A_255 = arith.muli %add3A, %mul3A_254 : i32
    %add3A_256 = arith.constant 0 : i32
    %add3A_257 = arith.addi %mul3A_255, %add3A_256 : i32
    %dma_start3A_258 = arith.constant 0 : i32
    %dma_start3A_259 = tpu.memref_slice %arg13[%add3A_257, %dma_start3A_258] : memref<20480x32xf32, #tpu.memory_space<hbm>> -> memref<160x32xf32, #tpu.memory_space<hbm>>
    %dma_start3A_260 = arith.constant 0 : i32
    %dma_start3A_261 = tpu.memref_slice %arg13[%add3A_257, %dma_start3A_260] : memref<20480x32xf32, #tpu.memory_space<hbm>> -> memref<160x32xf32, #tpu.memory_space<hbm>>
    tpu.enqueue_dma source(%arg22 : memref<160x32xf32, #tpu.memory_space<vmem>>) target(%dma_start3A_261 : memref<160x32xf32, #tpu.memory_space<hbm>>) target_semaphore(%arg29 : memref<!tpu.dma_semaphore, #tpu.memory_space<semaphore_mem>>)
    %dma_start3A_262 = arith.constant 0 : i32
    %dma_start3A_263 = tpu.memref_slice %arg14[%add3A_257, %dma_start3A_262] : memref<20480x32xf32, #tpu.memory_space<hbm>> -> memref<160x32xf32, #tpu.memory_space<hbm>>
    %dma_start3A_264 = arith.constant 0 : i32
    %dma_start3A_265 = tpu.memref_slice %arg14[%add3A_257, %dma_start3A_264] : memref<20480x32xf32, #tpu.memory_space<hbm>> -> memref<160x32xf32, #tpu.memory_space<hbm>>
    tpu.enqueue_dma source(%arg23 : memref<160x32xf32, #tpu.memory_space<vmem>>) target(%dma_start3A_265 : memref<160x32xf32, #tpu.memory_space<hbm>>) target_semaphore(%arg29 : memref<!tpu.dma_semaphore, #tpu.memory_space<semaphore_mem>>)
    %mul3A_266 = arith.constant 640 : i32
    %mul3A_267 = arith.muli %add3A, %mul3A_266 : i32
    %add3A_268 = arith.constant 160 : i32
    %add3A_269 = arith.addi %mul3A_267, %add3A_268 : i32
    %dma_start3A_270 = arith.constant 0 : i32
    %dma_start3A_271 = tpu.memref_slice %arg13[%add3A_269, %dma_start3A_270] : memref<20480x32xf32, #tpu.memory_space<hbm>> -> memref<160x32xf32, #tpu.memory_space<hbm>>
    %dma_start3A_272 = arith.constant 0 : i32
    %dma_start3A_273 = tpu.memref_slice %arg13[%add3A_269, %dma_start3A_272] : memref<20480x32xf32, #tpu.memory_space<hbm>> -> memref<160x32xf32, #tpu.memory_space<hbm>>
    tpu.enqueue_dma source(%arg22 : memref<160x32xf32, #tpu.memory_space<vmem>>) target(%dma_start3A_273 : memref<160x32xf32, #tpu.memory_space<hbm>>) target_semaphore(%arg29 : memref<!tpu.dma_semaphore, #tpu.memory_space<semaphore_mem>>)
    %dma_start3A_274 = arith.constant 0 : i32
    %dma_start3A_275 = tpu.memref_slice %arg14[%add3A_269, %dma_start3A_274] : memref<20480x32xf32, #tpu.memory_space<hbm>> -> memref<160x32xf32, #tpu.memory_space<hbm>>
    %dma_start3A_276 = arith.constant 0 : i32
    %dma_start3A_277 = tpu.memref_slice %arg14[%add3A_269, %dma_start3A_276] : memref<20480x32xf32, #tpu.memory_space<hbm>> -> memref<160x32xf32, #tpu.memory_space<hbm>>
    tpu.enqueue_dma source(%arg23 : memref<160x32xf32, #tpu.memory_space<vmem>>) target(%dma_start3A_277 : memref<160x32xf32, #tpu.memory_space<hbm>>) target_semaphore(%arg29 : memref<!tpu.dma_semaphore, #tpu.memory_space<semaphore_mem>>)
    %mul3A_278 = arith.constant 640 : i32
    %mul3A_279 = arith.muli %add3A, %mul3A_278 : i32
    %add3A_280 = arith.constant 320 : i32
    %add3A_281 = arith.addi %mul3A_279, %add3A_280 : i32
    %dma_start3A_282 = arith.constant 0 : i32
    %dma_start3A_283 = tpu.memref_slice %arg13[%add3A_281, %dma_start3A_282] : memref<20480x32xf32, #tpu.memory_space<hbm>> -> memref<160x32xf32, #tpu.memory_space<hbm>>
    %dma_start3A_284 = arith.constant 0 : i32
    %dma_start3A_285 = tpu.memref_slice %arg13[%add3A_281, %dma_start3A_284] : memref<20480x32xf32, #tpu.memory_space<hbm>> -> memref<160x32xf32, #tpu.memory_space<hbm>>
    tpu.enqueue_dma source(%arg22 : memref<160x32xf32, #tpu.memory_space<vmem>>) target(%dma_start3A_285 : memref<160x32xf32, #tpu.memory_space<hbm>>) target_semaphore(%arg29 : memref<!tpu.dma_semaphore, #tpu.memory_space<semaphore_mem>>)
    %dma_start3A_286 = arith.constant 0 : i32
    %dma_start3A_287 = tpu.memref_slice %arg14[%add3A_281, %dma_start3A_286] : memref<20480x32xf32, #tpu.memory_space<hbm>> -> memref<160x32xf32, #tpu.memory_space<hbm>>
    %dma_start3A_288 = arith.constant 0 : i32
    %dma_start3A_289 = tpu.memref_slice %arg14[%add3A_281, %dma_start3A_288] : memref<20480x32xf32, #tpu.memory_space<hbm>> -> memref<160x32xf32, #tpu.memory_space<hbm>>
    tpu.enqueue_dma source(%arg23 : memref<160x32xf32, #tpu.memory_space<vmem>>) target(%dma_start3A_289 : memref<160x32xf32, #tpu.memory_space<hbm>>) target_semaphore(%arg29 : memref<!tpu.dma_semaphore, #tpu.memory_space<semaphore_mem>>)
    %mul3A_290 = arith.constant 640 : i32
    %mul3A_291 = arith.muli %add3A, %mul3A_290 : i32
    %add3A_292 = arith.constant 480 : i32
    %add3A_293 = arith.addi %mul3A_291, %add3A_292 : i32
    %dma_start3A_294 = arith.constant 0 : i32
    %dma_start3A_295 = tpu.memref_slice %arg13[%add3A_293, %dma_start3A_294] : memref<20480x32xf32, #tpu.memory_space<hbm>> -> memref<160x32xf32, #tpu.memory_space<hbm>>
    %dma_start3A_296 = arith.constant 0 : i32
    %dma_start3A_297 = tpu.memref_slice %arg13[%add3A_293, %dma_start3A_296] : memref<20480x32xf32, #tpu.memory_space<hbm>> -> memref<160x32xf32, #tpu.memory_space<hbm>>
    tpu.enqueue_dma source(%arg22 : memref<160x32xf32, #tpu.memory_space<vmem>>) target(%dma_start3A_297 : memref<160x32xf32, #tpu.memory_space<hbm>>) target_semaphore(%arg29 : memref<!tpu.dma_semaphore, #tpu.memory_space<semaphore_mem>>)
    %dma_start3A_298 = arith.constant 0 : i32
    %dma_start3A_299 = tpu.memref_slice %arg14[%add3A_293, %dma_start3A_298] : memref<20480x32xf32, #tpu.memory_space<hbm>> -> memref<160x32xf32, #tpu.memory_space<hbm>>
    %dma_start3A_300 = arith.constant 0 : i32
    %dma_start3A_301 = tpu.memref_slice %arg14[%add3A_293, %dma_start3A_300] : memref<20480x32xf32, #tpu.memory_space<hbm>> -> memref<160x32xf32, #tpu.memory_space<hbm>>
    tpu.enqueue_dma source(%arg23 : memref<160x32xf32, #tpu.memory_space<vmem>>) target(%dma_start3A_301 : memref<160x32xf32, #tpu.memory_space<hbm>>) target_semaphore(%arg29 : memref<!tpu.dma_semaphore, #tpu.memory_space<semaphore_mem>>)
    %dma_start3A_302 = arith.constant 0 : i32
    %dma_start3A_303 = arith.constant 0 : i32
    %dma_start3A_304 = arith.constant 0 : i32
    %dma_start3A_305 = arith.constant 0 : i32
    %dma_start3A_306 = tpu.memref_slice %arg19[%dma_start3A_303, %dma_start3A_304, %dma_start3A_305] : memref<2x512x32xf32, #tpu.memory_space<vmem>> -> memref<1x512x32xf32, #tpu.memory_space<vmem>>
    %dma_start3A_307 = tpu.memref_squeeze %dma_start3A_306 : memref<1x512x32xf32, #tpu.memory_space<vmem>> -> memref<512x32xf32, #tpu.memory_space<vmem>>
    %dma_start3A_308 = arith.constant 0 : i32
    %dma_start3A_309 = arith.constant 0 : i32
    %dma_start3A_310 = tpu.memref_slice %dma_start3A_307[%dma_start3A_308, %dma_start3A_309] : memref<512x32xf32, #tpu.memory_space<vmem>> -> memref<128x32xf32, #tpu.memory_space<vmem>>
    %dma_start3A_311 = arith.constant 0 : i32
    %dma_start3A_312 = tpu.memref_slice %arg18[%dma_start3A_302, %dma_start3A_311] : memref<100x128xi32, #tpu.memory_space<vmem>> -> memref<1x128xi32, #tpu.memory_space<vmem>>
    %dma_start3A_313 = tpu.memref_squeeze %dma_start3A_312 : memref<1x128xi32, #tpu.memory_space<vmem>> -> memref<128xi32, #tpu.memory_space<vmem>>
    %dma_start3A_314 = arith.constant 0 : i32
    %dma_start3A_315 = arith.constant 0 : i32
    %dma_start3A_316 = tpu.memref_slice %arg8[%dma_start3A_314, %dma_start3A_315] : memref<257x32xf32, #tpu.memory_space<hbm>> -> memref<257x32xf32, #tpu.memory_space<hbm>>
    tpu.enqueue_indirect_dma source(%dma_start3A_316 : memref<257x32xf32, #tpu.memory_space<hbm>>) target(%dma_start3A_310 : memref<128x32xf32, #tpu.memory_space<vmem>>) offsets(%dma_start3A_313 : memref<128xi32, #tpu.memory_space<vmem>>) semaphore(%arg24 : memref<!tpu.dma_semaphore, #tpu.memory_space<semaphore_mem>>)
    %dma_start3A_317 = arith.constant 0 : i32
    %dma_start3A_318 = arith.constant 0 : i32
    %dma_start3A_319 = arith.constant 0 : i32
    %dma_start3A_320 = arith.constant 0 : i32
    %dma_start3A_321 = tpu.memref_slice %arg20[%dma_start3A_318, %dma_start3A_319, %dma_start3A_320] : memref<2x512x32xf32, #tpu.memory_space<vmem>> -> memref<1x512x32xf32, #tpu.memory_space<vmem>>
    %dma_start3A_322 = tpu.memref_squeeze %dma_start3A_321 : memref<1x512x32xf32, #tpu.memory_space<vmem>> -> memref<512x32xf32, #tpu.memory_space<vmem>>
    %dma_start3A_323 = arith.constant 0 : i32
    %dma_start3A_324 = arith.constant 0 : i32
    %dma_start3A_325 = tpu.memref_slice %dma_start3A_322[%dma_start3A_323, %dma_start3A_324] : memref<512x32xf32, #tpu.memory_space<vmem>> -> memref<128x32xf32, #tpu.memory_space<vmem>>
    %dma_start3A_326 = arith.constant 0 : i32
    %dma_start3A_327 = tpu.memref_slice %arg18[%dma_start3A_317, %dma_start3A_326] : memref<100x128xi32, #tpu.memory_space<vmem>> -> memref<1x128xi32, #tpu.memory_space<vmem>>
    %dma_start3A_328 = tpu.memref_squeeze %dma_start3A_327 : memref<1x128xi32, #tpu.memory_space<vmem>> -> memref<128xi32, #tpu.memory_space<vmem>>
    %dma_start3A_329 = arith.constant 0 : i32
    %dma_start3A_330 = arith.constant 0 : i32
    %dma_start3A_331 = tpu.memref_slice %arg9[%dma_start3A_329, %dma_start3A_330] : memref<257x32xf32, #tpu.memory_space<hbm>> -> memref<257x32xf32, #tpu.memory_space<hbm>>
    tpu.enqueue_indirect_dma source(%dma_start3A_331 : memref<257x32xf32, #tpu.memory_space<hbm>>) target(%dma_start3A_325 : memref<128x32xf32, #tpu.memory_space<vmem>>) offsets(%dma_start3A_328 : memref<128xi32, #tpu.memory_space<vmem>>) semaphore(%arg24 : memref<!tpu.dma_semaphore, #tpu.memory_space<semaphore_mem>>)
    %dma_start3A_332 = arith.constant 1 : i32
    %dma_start3A_333 = arith.constant 0 : i32
    %dma_start3A_334 = arith.constant 0 : i32
    %dma_start3A_335 = arith.constant 0 : i32
    %dma_start3A_336 = tpu.memref_slice %arg19[%dma_start3A_333, %dma_start3A_334, %dma_start3A_335] : memref<2x512x32xf32, #tpu.memory_space<vmem>> -> memref<1x512x32xf32, #tpu.memory_space<vmem>>
    %dma_start3A_337 = tpu.memref_squeeze %dma_start3A_336 : memref<1x512x32xf32, #tpu.memory_space<vmem>> -> memref<512x32xf32, #tpu.memory_space<vmem>>
    %dma_start3A_338 = arith.constant 128 : i32
    %dma_start3A_339 = arith.constant 0 : i32
    %dma_start3A_340 = tpu.memref_slice %dma_start3A_337[%dma_start3A_338, %dma_start3A_339] : memref<512x32xf32, #tpu.memory_space<vmem>> -> memref<128x32xf32, #tpu.memory_space<vmem>>
    %dma_start3A_341 = arith.constant 0 : i32
    %dma_start3A_342 = tpu.memref_slice %arg18[%dma_start3A_332, %dma_start3A_341] : memref<100x128xi32, #tpu.memory_space<vmem>> -> memref<1x128xi32, #tpu.memory_space<vmem>>
    %dma_start3A_343 = tpu.memref_squeeze %dma_start3A_342 : memref<1x128xi32, #tpu.memory_space<vmem>> -> memref<128xi32, #tpu.memory_space<vmem>>
    %dma_start3A_344 = arith.constant 0 : i32
    %dma_start3A_345 = arith.constant 0 : i32
    %dma_start3A_346 = tpu.memref_slice %arg8[%dma_start3A_344, %dma_start3A_345] : memref<257x32xf32, #tpu.memory_space<hbm>> -> memref<257x32xf32, #tpu.memory_space<hbm>>
    tpu.enqueue_indirect_dma source(%dma_start3A_346 : memref<257x32xf32, #tpu.memory_space<hbm>>) target(%dma_start3A_340 : memref<128x32xf32, #tpu.memory_space<vmem>>) offsets(%dma_start3A_343 : memref<128xi32, #tpu.memory_space<vmem>>) semaphore(%arg24 : memref<!tpu.dma_semaphore, #tpu.memory_space<semaphore_mem>>)
    %dma_start3A_347 = arith.constant 1 : i32
    %dma_start3A_348 = arith.constant 0 : i32
    %dma_start3A_349 = arith.constant 0 : i32
    %dma_start3A_350 = arith.constant 0 : i32
    %dma_start3A_351 = tpu.memref_slice %arg20[%dma_start3A_348, %dma_start3A_349, %dma_start3A_350] : memref<2x512x32xf32, #tpu.memory_space<vmem>> -> memref<1x512x32xf32, #tpu.memory_space<vmem>>
    %dma_start3A_352 = tpu.memref_squeeze %dma_start3A_351 : memref<1x512x32xf32, #tpu.memory_space<vmem>> -> memref<512x32xf32, #tpu.memory_space<vmem>>
    %dma_start3A_353 = arith.constant 128 : i32
    %dma_start3A_354 = arith.constant 0 : i32
    %dma_start3A_355 = tpu.memref_slice %dma_start3A_352[%dma_start3A_353, %dma_start3A_354] : memref<512x32xf32, #tpu.memory_space<vmem>> -> memref<128x32xf32, #tpu.memory_space<vmem>>
    %dma_start3A_356 = arith.constant 0 : i32
    %dma_start3A_357 = tpu.memref_slice %arg18[%dma_start3A_347, %dma_start3A_356] : memref<100x128xi32, #tpu.memory_space<vmem>> -> memref<1x128xi32, #tpu.memory_space<vmem>>
    %dma_start3A_358 = tpu.memref_squeeze %dma_start3A_357 : memref<1x128xi32, #tpu.memory_space<vmem>> -> memref<128xi32, #tpu.memory_space<vmem>>
    %dma_start3A_359 = arith.constant 0 : i32
    %dma_start3A_360 = arith.constant 0 : i32
    %dma_start3A_361 = tpu.memref_slice %arg9[%dma_start3A_359, %dma_start3A_360] : memref<257x32xf32, #tpu.memory_space<hbm>> -> memref<257x32xf32, #tpu.memory_space<hbm>>
    tpu.enqueue_indirect_dma source(%dma_start3A_361 : memref<257x32xf32, #tpu.memory_space<hbm>>) target(%dma_start3A_355 : memref<128x32xf32, #tpu.memory_space<vmem>>) offsets(%dma_start3A_358 : memref<128xi32, #tpu.memory_space<vmem>>) semaphore(%arg24 : memref<!tpu.dma_semaphore, #tpu.memory_space<semaphore_mem>>)
    %dma_start3A_362 = arith.constant 2 : i32
    %dma_start3A_363 = arith.constant 0 : i32
    %dma_start3A_364 = arith.constant 0 : i32
    %dma_start3A_365 = arith.constant 0 : i32
    %dma_start3A_366 = tpu.memref_slice %arg19[%dma_start3A_363, %dma_start3A_364, %dma_start3A_365] : memref<2x512x32xf32, #tpu.memory_space<vmem>> -> memref<1x512x32xf32, #tpu.memory_space<vmem>>
    %dma_start3A_367 = tpu.memref_squeeze %dma_start3A_366 : memref<1x512x32xf32, #tpu.memory_space<vmem>> -> memref<512x32xf32, #tpu.memory_space<vmem>>
    %dma_start3A_368 = arith.constant 256 : i32
    %dma_start3A_369 = arith.constant 0 : i32
    %dma_start3A_370 = tpu.memref_slice %dma_start3A_367[%dma_start3A_368, %dma_start3A_369] : memref<512x32xf32, #tpu.memory_space<vmem>> -> memref<128x32xf32, #tpu.memory_space<vmem>>
    %dma_start3A_371 = arith.constant 0 : i32
    %dma_start3A_372 = tpu.memref_slice %arg18[%dma_start3A_362, %dma_start3A_371] : memref<100x128xi32, #tpu.memory_space<vmem>> -> memref<1x128xi32, #tpu.memory_space<vmem>>
    %dma_start3A_373 = tpu.memref_squeeze %dma_start3A_372 : memref<1x128xi32, #tpu.memory_space<vmem>> -> memref<128xi32, #tpu.memory_space<vmem>>
    %dma_start3A_374 = arith.constant 0 : i32
    %dma_start3A_375 = arith.constant 0 : i32
    %dma_start3A_376 = tpu.memref_slice %arg8[%dma_start3A_374, %dma_start3A_375] : memref<257x32xf32, #tpu.memory_space<hbm>> -> memref<257x32xf32, #tpu.memory_space<hbm>>
    tpu.enqueue_indirect_dma source(%dma_start3A_376 : memref<257x32xf32, #tpu.memory_space<hbm>>) target(%dma_start3A_370 : memref<128x32xf32, #tpu.memory_space<vmem>>) offsets(%dma_start3A_373 : memref<128xi32, #tpu.memory_space<vmem>>) semaphore(%arg24 : memref<!tpu.dma_semaphore, #tpu.memory_space<semaphore_mem>>)
    %dma_start3A_377 = arith.constant 2 : i32
    %dma_start3A_378 = arith.constant 0 : i32
    %dma_start3A_379 = arith.constant 0 : i32
    %dma_start3A_380 = arith.constant 0 : i32
    %dma_start3A_381 = tpu.memref_slice %arg20[%dma_start3A_378, %dma_start3A_379, %dma_start3A_380] : memref<2x512x32xf32, #tpu.memory_space<vmem>> -> memref<1x512x32xf32, #tpu.memory_space<vmem>>
    %dma_start3A_382 = tpu.memref_squeeze %dma_start3A_381 : memref<1x512x32xf32, #tpu.memory_space<vmem>> -> memref<512x32xf32, #tpu.memory_space<vmem>>
    %dma_start3A_383 = arith.constant 256 : i32
    %dma_start3A_384 = arith.constant 0 : i32
    %dma_start3A_385 = tpu.memref_slice %dma_start3A_382[%dma_start3A_383, %dma_start3A_384] : memref<512x32xf32, #tpu.memory_space<vmem>> -> memref<128x32xf32, #tpu.memory_space<vmem>>
    %dma_start3A_386 = arith.constant 0 : i32
    %dma_start3A_387 = tpu.memref_slice %arg18[%dma_start3A_377, %dma_start3A_386] : memref<100x128xi32, #tpu.memory_space<vmem>> -> memref<1x128xi32, #tpu.memory_space<vmem>>
    %dma_start3A_388 = tpu.memref_squeeze %dma_start3A_387 : memref<1x128xi32, #tpu.memory_space<vmem>> -> memref<128xi32, #tpu.memory_space<vmem>>
    %dma_start3A_389 = arith.constant 0 : i32
    %dma_start3A_390 = arith.constant 0 : i32
    %dma_start3A_391 = tpu.memref_slice %arg9[%dma_start3A_389, %dma_start3A_390] : memref<257x32xf32, #tpu.memory_space<hbm>> -> memref<257x32xf32, #tpu.memory_space<hbm>>
    tpu.enqueue_indirect_dma source(%dma_start3A_391 : memref<257x32xf32, #tpu.memory_space<hbm>>) target(%dma_start3A_385 : memref<128x32xf32, #tpu.memory_space<vmem>>) offsets(%dma_start3A_388 : memref<128xi32, #tpu.memory_space<vmem>>) semaphore(%arg24 : memref<!tpu.dma_semaphore, #tpu.memory_space<semaphore_mem>>)
    %dma_start3A_392 = arith.constant 3 : i32
    %dma_start3A_393 = arith.constant 0 : i32
    %dma_start3A_394 = arith.constant 0 : i32
    %dma_start3A_395 = arith.constant 0 : i32
    %dma_start3A_396 = tpu.memref_slice %arg19[%dma_start3A_393, %dma_start3A_394, %dma_start3A_395] : memref<2x512x32xf32, #tpu.memory_space<vmem>> -> memref<1x512x32xf32, #tpu.memory_space<vmem>>
    %dma_start3A_397 = tpu.memref_squeeze %dma_start3A_396 : memref<1x512x32xf32, #tpu.memory_space<vmem>> -> memref<512x32xf32, #tpu.memory_space<vmem>>
    %dma_start3A_398 = arith.constant 384 : i32
    %dma_start3A_399 = arith.constant 0 : i32
    %dma_start3A_400 = tpu.memref_slice %dma_start3A_397[%dma_start3A_398, %dma_start3A_399] : memref<512x32xf32, #tpu.memory_space<vmem>> -> memref<128x32xf32, #tpu.memory_space<vmem>>
    %dma_start3A_401 = arith.constant 0 : i32
    %dma_start3A_402 = tpu.memref_slice %arg18[%dma_start3A_392, %dma_start3A_401] : memref<100x128xi32, #tpu.memory_space<vmem>> -> memref<1x128xi32, #tpu.memory_space<vmem>>
    %dma_start3A_403 = tpu.memref_squeeze %dma_start3A_402 : memref<1x128xi32, #tpu.memory_space<vmem>> -> memref<128xi32, #tpu.memory_space<vmem>>
    %dma_start3A_404 = arith.constant 0 : i32
    %dma_start3A_405 = arith.constant 0 : i32
    %dma_start3A_406 = tpu.memref_slice %arg8[%dma_start3A_404, %dma_start3A_405] : memref<257x32xf32, #tpu.memory_space<hbm>> -> memref<257x32xf32, #tpu.memory_space<hbm>>
    tpu.enqueue_indirect_dma source(%dma_start3A_406 : memref<257x32xf32, #tpu.memory_space<hbm>>) target(%dma_start3A_400 : memref<128x32xf32, #tpu.memory_space<vmem>>) offsets(%dma_start3A_403 : memref<128xi32, #tpu.memory_space<vmem>>) semaphore(%arg24 : memref<!tpu.dma_semaphore, #tpu.memory_space<semaphore_mem>>)
    %dma_start3A_407 = arith.constant 3 : i32
    %dma_start3A_408 = arith.constant 0 : i32
    %dma_start3A_409 = arith.constant 0 : i32
    %dma_start3A_410 = arith.constant 0 : i32
    %dma_start3A_411 = tpu.memref_slice %arg20[%dma_start3A_408, %dma_start3A_409, %dma_start3A_410] : memref<2x512x32xf32, #tpu.memory_space<vmem>> -> memref<1x512x32xf32, #tpu.memory_space<vmem>>
    %dma_start3A_412 = tpu.memref_squeeze %dma_start3A_411 : memref<1x512x32xf32, #tpu.memory_space<vmem>> -> memref<512x32xf32, #tpu.memory_space<vmem>>
    %dma_start3A_413 = arith.constant 384 : i32
    %dma_start3A_414 = arith.constant 0 : i32
    %dma_start3A_415 = tpu.memref_slice %dma_start3A_412[%dma_start3A_413, %dma_start3A_414] : memref<512x32xf32, #tpu.memory_space<vmem>> -> memref<128x32xf32, #tpu.memory_space<vmem>>
    %dma_start3A_416 = arith.constant 0 : i32
    %dma_start3A_417 = tpu.memref_slice %arg18[%dma_start3A_407, %dma_start3A_416] : memref<100x128xi32, #tpu.memory_space<vmem>> -> memref<1x128xi32, #tpu.memory_space<vmem>>
    %dma_start3A_418 = tpu.memref_squeeze %dma_start3A_417 : memref<1x128xi32, #tpu.memory_space<vmem>> -> memref<128xi32, #tpu.memory_space<vmem>>
    %dma_start3A_419 = arith.constant 0 : i32
    %dma_start3A_420 = arith.constant 0 : i32
    %dma_start3A_421 = tpu.memref_slice %arg9[%dma_start3A_419, %dma_start3A_420] : memref<257x32xf32, #tpu.memory_space<hbm>> -> memref<257x32xf32, #tpu.memory_space<hbm>>
    tpu.enqueue_indirect_dma source(%dma_start3A_421 : memref<257x32xf32, #tpu.memory_space<hbm>>) target(%dma_start3A_415 : memref<128x32xf32, #tpu.memory_space<vmem>>) offsets(%dma_start3A_418 : memref<128xi32, #tpu.memory_space<vmem>>) semaphore(%arg24 : memref<!tpu.dma_semaphore, #tpu.memory_space<semaphore_mem>>)
    %scan3A_422 = arith.constant 0 : i32
    %scan3A_423 = arith.constant 0 : i32
    %scan3A_424 = arith.constant 12 : i32
    %scan3A_425 = arith.addi %scan3A_423, %scan3A_424 : i32
    %scan3A_426 = arith.constant 1 : i32
    scf.for %scan3A_674 = %scan3A_423 to %scan3A_425 step %scan3A_426  : i32 {
      %mul3A_675 = arith.constant 2 : i32
      %mul3A_676 = arith.muli %scan3A_674, %mul3A_675 : i32
      %add3A_677 = arith.constant 0 : i32
      %add3A_678 = arith.addi %mul3A_676, %add3A_677 : i32
      %dma_wait3A_679 = arith.constant 0 : i32
      %dma_wait3A_680 = arith.constant 0 : i32
      %dma_wait3A_681 = arith.constant 0 : i32
      %dma_wait3A_682 = tpu.memref_slice %arg19[%dma_wait3A_679, %dma_wait3A_680, %dma_wait3A_681] : memref<2x512x32xf32, #tpu.memory_space<vmem>> -> memref<1x512x32xf32, #tpu.memory_space<vmem>>
      %dma_wait3A_683 = tpu.memref_squeeze %dma_wait3A_682 : memref<1x512x32xf32, #tpu.memory_space<vmem>> -> memref<512x32xf32, #tpu.memory_space<vmem>>
      %dma_wait3A_684 = arith.constant 0 : i32
      %dma_wait3A_685 = arith.constant 0 : i32
      %dma_wait3A_686 = tpu.memref_slice %arg11[%dma_wait3A_684, %dma_wait3A_685] : memref<409600x32xf32, #tpu.memory_space<hbm>> -> memref<512x32xf32, #tpu.memory_space<hbm>>
      %dma_wait3A_687 = arith.constant 0 : i32
      %dma_wait3A_688 = arith.constant 0 : i32
      %dma_wait3A_689 = tpu.memref_slice %arg19[%dma_wait3A_679, %dma_wait3A_687, %dma_wait3A_688] : memref<2x512x32xf32, #tpu.memory_space<vmem>> -> memref<1x512x32xf32, #tpu.memory_space<vmem>>
      %dma_wait3A_690 = tpu.memref_squeeze %dma_wait3A_689 : memref<1x512x32xf32, #tpu.memory_space<vmem>> -> memref<512x32xf32, #tpu.memory_space<vmem>>
      %dma_wait3A_691 = arith.constant 0 : i32
      %dma_wait3A_692 = arith.constant 0 : i32
      %dma_wait3A_693 = tpu.memref_slice %arg11[%dma_wait3A_691, %dma_wait3A_692] : memref<409600x32xf32, #tpu.memory_space<hbm>> -> memref<512x32xf32, #tpu.memory_space<hbm>>
      tpu.wait_dma2 semaphore(%arg24 : memref<!tpu.dma_semaphore, #tpu.memory_space<semaphore_mem>>) src(%dma_wait3A_693 : memref<512x32xf32, #tpu.memory_space<hbm>>) dst(%dma_wait3A_690 : memref<512x32xf32, #tpu.memory_space<vmem>>)
      %dma_wait3A_694 = arith.constant 0 : i32
      %dma_wait3A_695 = arith.constant 0 : i32
      %dma_wait3A_696 = arith.constant 0 : i32
      %dma_wait3A_697 = tpu.memref_slice %arg20[%dma_wait3A_694, %dma_wait3A_695, %dma_wait3A_696] : memref<2x512x32xf32, #tpu.memory_space<vmem>> -> memref<1x512x32xf32, #tpu.memory_space<vmem>>
      %dma_wait3A_698 = tpu.memref_squeeze %dma_wait3A_697 : memref<1x512x32xf32, #tpu.memory_space<vmem>> -> memref<512x32xf32, #tpu.memory_space<vmem>>
      %dma_wait3A_699 = arith.constant 0 : i32
      %dma_wait3A_700 = arith.constant 0 : i32
      %dma_wait3A_701 = tpu.memref_slice %arg11[%dma_wait3A_699, %dma_wait3A_700] : memref<409600x32xf32, #tpu.memory_space<hbm>> -> memref<512x32xf32, #tpu.memory_space<hbm>>
      %dma_wait3A_702 = arith.constant 0 : i32
      %dma_wait3A_703 = arith.constant 0 : i32
      %dma_wait3A_704 = tpu.memref_slice %arg20[%dma_wait3A_694, %dma_wait3A_702, %dma_wait3A_703] : memref<2x512x32xf32, #tpu.memory_space<vmem>> -> memref<1x512x32xf32, #tpu.memory_space<vmem>>
      %dma_wait3A_705 = tpu.memref_squeeze %dma_wait3A_704 : memref<1x512x32xf32, #tpu.memory_space<vmem>> -> memref<512x32xf32, #tpu.memory_space<vmem>>
      %dma_wait3A_706 = arith.constant 0 : i32
      %dma_wait3A_707 = arith.constant 0 : i32
      %dma_wait3A_708 = tpu.memref_slice %arg11[%dma_wait3A_706, %dma_wait3A_707] : memref<409600x32xf32, #tpu.memory_space<hbm>> -> memref<512x32xf32, #tpu.memory_space<hbm>>
      tpu.wait_dma2 semaphore(%arg24 : memref<!tpu.dma_semaphore, #tpu.memory_space<semaphore_mem>>) src(%dma_wait3A_708 : memref<512x32xf32, #tpu.memory_space<hbm>>) dst(%dma_wait3A_705 : memref<512x32xf32, #tpu.memory_space<vmem>>)
      %ge3A = arith.constant 1 : i32
      %ge3A_709 = arith.cmpi sge, %add3A_678, %ge3A : i32
      %convert_element_type3A = arith.extui %ge3A_709 : i1 to i32
      %cond3A = arith.constant 0 : i32
      %cond3A_710 = arith.cmpi ne, %convert_element_type3A, %cond3A : i32
      scf.if %cond3A_710 {
        %dma_wait3A_1072 = arith.constant 1 : i32
        %dma_wait3A_1073 = arith.constant 0 : i32
        %dma_wait3A_1074 = arith.constant 0 : i32
        %dma_wait3A_1075 = tpu.memref_slice %arg19[%dma_wait3A_1072, %dma_wait3A_1073, %dma_wait3A_1074] : memref<2x512x32xf32, #tpu.memory_space<vmem>> -> memref<1x512x32xf32, #tpu.memory_space<vmem>>
        %dma_wait3A_1076 = tpu.memref_squeeze %dma_wait3A_1075 : memref<1x512x32xf32, #tpu.memory_space<vmem>> -> memref<512x32xf32, #tpu.memory_space<vmem>>
        %dma_wait3A_1077 = arith.constant 0 : i32
        %dma_wait3A_1078 = arith.constant 0 : i32
        %dma_wait3A_1079 = tpu.memref_slice %arg11[%dma_wait3A_1077, %dma_wait3A_1078] : memref<409600x32xf32, #tpu.memory_space<hbm>> -> memref<512x32xf32, #tpu.memory_space<hbm>>
        %dma_wait3A_1080 = arith.constant 0 : i32
        %dma_wait3A_1081 = arith.constant 0 : i32
        %dma_wait3A_1082 = tpu.memref_slice %arg19[%dma_wait3A_1072, %dma_wait3A_1080, %dma_wait3A_1081] : memref<2x512x32xf32, #tpu.memory_space<vmem>> -> memref<1x512x32xf32, #tpu.memory_space<vmem>>
        %dma_wait3A_1083 = tpu.memref_squeeze %dma_wait3A_1082 : memref<1x512x32xf32, #tpu.memory_space<vmem>> -> memref<512x32xf32, #tpu.memory_space<vmem>>
        %dma_wait3A_1084 = arith.constant 0 : i32
        %dma_wait3A_1085 = arith.constant 0 : i32
        %dma_wait3A_1086 = tpu.memref_slice %arg11[%dma_wait3A_1084, %dma_wait3A_1085] : memref<409600x32xf32, #tpu.memory_space<hbm>> -> memref<512x32xf32, #tpu.memory_space<hbm>>
        tpu.wait_dma2 semaphore(%arg27 : memref<!tpu.dma_semaphore, #tpu.memory_space<semaphore_mem>>) src(%dma_wait3A_1086 : memref<512x32xf32, #tpu.memory_space<hbm>>) dst(%dma_wait3A_1083 : memref<512x32xf32, #tpu.memory_space<vmem>>)
        %dma_wait3A_1087 = arith.constant 1 : i32
        %dma_wait3A_1088 = arith.constant 0 : i32
        %dma_wait3A_1089 = arith.constant 0 : i32
        %dma_wait3A_1090 = tpu.memref_slice %arg20[%dma_wait3A_1087, %dma_wait3A_1088, %dma_wait3A_1089] : memref<2x512x32xf32, #tpu.memory_space<vmem>> -> memref<1x512x32xf32, #tpu.memory_space<vmem>>
        %dma_wait3A_1091 = tpu.memref_squeeze %dma_wait3A_1090 : memref<1x512x32xf32, #tpu.memory_space<vmem>> -> memref<512x32xf32, #tpu.memory_space<vmem>>
        %dma_wait3A_1092 = arith.constant 0 : i32
        %dma_wait3A_1093 = arith.constant 0 : i32
        %dma_wait3A_1094 = tpu.memref_slice %arg11[%dma_wait3A_1092, %dma_wait3A_1093] : memref<409600x32xf32, #tpu.memory_space<hbm>> -> memref<512x32xf32, #tpu.memory_space<hbm>>
        %dma_wait3A_1095 = arith.constant 0 : i32
        %dma_wait3A_1096 = arith.constant 0 : i32
        %dma_wait3A_1097 = tpu.memref_slice %arg20[%dma_wait3A_1087, %dma_wait3A_1095, %dma_wait3A_1096] : memref<2x512x32xf32, #tpu.memory_space<vmem>> -> memref<1x512x32xf32, #tpu.memory_space<vmem>>
        %dma_wait3A_1098 = tpu.memref_squeeze %dma_wait3A_1097 : memref<1x512x32xf32, #tpu.memory_space<vmem>> -> memref<512x32xf32, #tpu.memory_space<vmem>>
        %dma_wait3A_1099 = arith.constant 0 : i32
        %dma_wait3A_1100 = arith.constant 0 : i32
        %dma_wait3A_1101 = tpu.memref_slice %arg11[%dma_wait3A_1099, %dma_wait3A_1100] : memref<409600x32xf32, #tpu.memory_space<hbm>> -> memref<512x32xf32, #tpu.memory_space<hbm>>
        tpu.wait_dma2 semaphore(%arg27 : memref<!tpu.dma_semaphore, #tpu.memory_space<semaphore_mem>>) src(%dma_wait3A_1101 : memref<512x32xf32, #tpu.memory_space<hbm>>) dst(%dma_wait3A_1098 : memref<512x32xf32, #tpu.memory_space<vmem>>)
      } else {
      }
      %add3A_711 = arith.constant 1 : i32
      %add3A_712 = arith.addi %add3A_678, %add3A_711 : i32
      %mul3A_713 = arith.constant 4 : i32
      %mul3A_714 = arith.muli %add3A_712, %mul3A_713 : i32
      %add3A_715 = arith.constant 0 : i32
      %add3A_716 = arith.addi %mul3A_714, %add3A_715 : i32
      %dma_start3A_717 = arith.constant 1 : i32
      %dma_start3A_718 = arith.constant 0 : i32
      %dma_start3A_719 = arith.constant 0 : i32
      %dma_start3A_720 = tpu.memref_slice %arg19[%dma_start3A_717, %dma_start3A_718, %dma_start3A_719] : memref<2x512x32xf32, #tpu.memory_space<vmem>> -> memref<1x512x32xf32, #tpu.memory_space<vmem>>
      %dma_start3A_721 = tpu.memref_squeeze %dma_start3A_720 : memref<1x512x32xf32, #tpu.memory_space<vmem>> -> memref<512x32xf32, #tpu.memory_space<vmem>>
      %dma_start3A_722 = arith.constant 0 : i32
      %dma_start3A_723 = arith.constant 0 : i32
      %dma_start3A_724 = tpu.memref_slice %dma_start3A_721[%dma_start3A_722, %dma_start3A_723] : memref<512x32xf32, #tpu.memory_space<vmem>> -> memref<128x32xf32, #tpu.memory_space<vmem>>
      %dma_start3A_725 = arith.constant 0 : i32
      %dma_start3A_726 = tpu.memref_slice %arg18[%add3A_716, %dma_start3A_725] : memref<100x128xi32, #tpu.memory_space<vmem>> -> memref<1x128xi32, #tpu.memory_space<vmem>>
      %dma_start3A_727 = tpu.memref_squeeze %dma_start3A_726 : memref<1x128xi32, #tpu.memory_space<vmem>> -> memref<128xi32, #tpu.memory_space<vmem>>
      %dma_start3A_728 = arith.constant 0 : i32
      %dma_start3A_729 = arith.constant 0 : i32
      %dma_start3A_730 = tpu.memref_slice %arg8[%dma_start3A_728, %dma_start3A_729] : memref<257x32xf32, #tpu.memory_space<hbm>> -> memref<257x32xf32, #tpu.memory_space<hbm>>
      tpu.enqueue_indirect_dma source(%dma_start3A_730 : memref<257x32xf32, #tpu.memory_space<hbm>>) target(%dma_start3A_724 : memref<128x32xf32, #tpu.memory_space<vmem>>) offsets(%dma_start3A_727 : memref<128xi32, #tpu.memory_space<vmem>>) semaphore(%arg25 : memref<!tpu.dma_semaphore, #tpu.memory_space<semaphore_mem>>)
      %dma_start3A_731 = arith.constant 1 : i32
      %dma_start3A_732 = arith.constant 0 : i32
      %dma_start3A_733 = arith.constant 0 : i32
      %dma_start3A_734 = tpu.memref_slice %arg20[%dma_start3A_731, %dma_start3A_732, %dma_start3A_733] : memref<2x512x32xf32, #tpu.memory_space<vmem>> -> memref<1x512x32xf32, #tpu.memory_space<vmem>>
      %dma_start3A_735 = tpu.memref_squeeze %dma_start3A_734 : memref<1x512x32xf32, #tpu.memory_space<vmem>> -> memref<512x32xf32, #tpu.memory_space<vmem>>
      %dma_start3A_736 = arith.constant 0 : i32
      %dma_start3A_737 = arith.constant 0 : i32
      %dma_start3A_738 = tpu.memref_slice %dma_start3A_735[%dma_start3A_736, %dma_start3A_737] : memref<512x32xf32, #tpu.memory_space<vmem>> -> memref<128x32xf32, #tpu.memory_space<vmem>>
      %dma_start3A_739 = arith.constant 0 : i32
      %dma_start3A_740 = tpu.memref_slice %arg18[%add3A_716, %dma_start3A_739] : memref<100x128xi32, #tpu.memory_space<vmem>> -> memref<1x128xi32, #tpu.memory_space<vmem>>
      %dma_start3A_741 = tpu.memref_squeeze %dma_start3A_740 : memref<1x128xi32, #tpu.memory_space<vmem>> -> memref<128xi32, #tpu.memory_space<vmem>>
      %dma_start3A_742 = arith.constant 0 : i32
      %dma_start3A_743 = arith.constant 0 : i32
      %dma_start3A_744 = tpu.memref_slice %arg9[%dma_start3A_742, %dma_start3A_743] : memref<257x32xf32, #tpu.memory_space<hbm>> -> memref<257x32xf32, #tpu.memory_space<hbm>>
      tpu.enqueue_indirect_dma source(%dma_start3A_744 : memref<257x32xf32, #tpu.memory_space<hbm>>) target(%dma_start3A_738 : memref<128x32xf32, #tpu.memory_space<vmem>>) offsets(%dma_start3A_741 : memref<128xi32, #tpu.memory_space<vmem>>) semaphore(%arg25 : memref<!tpu.dma_semaphore, #tpu.memory_space<semaphore_mem>>)
      %mul3A_745 = arith.constant 4 : i32
      %mul3A_746 = arith.muli %add3A_712, %mul3A_745 : i32
      %add3A_747 = arith.constant 1 : i32
      %add3A_748 = arith.addi %mul3A_746, %add3A_747 : i32
      %dma_start3A_749 = arith.constant 1 : i32
      %dma_start3A_750 = arith.constant 0 : i32
      %dma_start3A_751 = arith.constant 0 : i32
      %dma_start3A_752 = tpu.memref_slice %arg19[%dma_start3A_749, %dma_start3A_750, %dma_start3A_751] : memref<2x512x32xf32, #tpu.memory_space<vmem>> -> memref<1x512x32xf32, #tpu.memory_space<vmem>>
      %dma_start3A_753 = tpu.memref_squeeze %dma_start3A_752 : memref<1x512x32xf32, #tpu.memory_space<vmem>> -> memref<512x32xf32, #tpu.memory_space<vmem>>
      %dma_start3A_754 = arith.constant 128 : i32
      %dma_start3A_755 = arith.constant 0 : i32
      %dma_start3A_756 = tpu.memref_slice %dma_start3A_753[%dma_start3A_754, %dma_start3A_755] : memref<512x32xf32, #tpu.memory_space<vmem>> -> memref<128x32xf32, #tpu.memory_space<vmem>>
      %dma_start3A_757 = arith.constant 0 : i32
      %dma_start3A_758 = tpu.memref_slice %arg18[%add3A_748, %dma_start3A_757] : memref<100x128xi32, #tpu.memory_space<vmem>> -> memref<1x128xi32, #tpu.memory_space<vmem>>
      %dma_start3A_759 = tpu.memref_squeeze %dma_start3A_758 : memref<1x128xi32, #tpu.memory_space<vmem>> -> memref<128xi32, #tpu.memory_space<vmem>>
      %dma_start3A_760 = arith.constant 0 : i32
      %dma_start3A_761 = arith.constant 0 : i32
      %dma_start3A_762 = tpu.memref_slice %arg8[%dma_start3A_760, %dma_start3A_761] : memref<257x32xf32, #tpu.memory_space<hbm>> -> memref<257x32xf32, #tpu.memory_space<hbm>>
      tpu.enqueue_indirect_dma source(%dma_start3A_762 : memref<257x32xf32, #tpu.memory_space<hbm>>) target(%dma_start3A_756 : memref<128x32xf32, #tpu.memory_space<vmem>>) offsets(%dma_start3A_759 : memref<128xi32, #tpu.memory_space<vmem>>) semaphore(%arg25 : memref<!tpu.dma_semaphore, #tpu.memory_space<semaphore_mem>>)
      %dma_start3A_763 = arith.constant 1 : i32
      %dma_start3A_764 = arith.constant 0 : i32
      %dma_start3A_765 = arith.constant 0 : i32
      %dma_start3A_766 = tpu.memref_slice %arg20[%dma_start3A_763, %dma_start3A_764, %dma_start3A_765] : memref<2x512x32xf32, #tpu.memory_space<vmem>> -> memref<1x512x32xf32, #tpu.memory_space<vmem>>
      %dma_start3A_767 = tpu.memref_squeeze %dma_start3A_766 : memref<1x512x32xf32, #tpu.memory_space<vmem>> -> memref<512x32xf32, #tpu.memory_space<vmem>>
      %dma_start3A_768 = arith.constant 128 : i32
      %dma_start3A_769 = arith.constant 0 : i32
      %dma_start3A_770 = tpu.memref_slice %dma_start3A_767[%dma_start3A_768, %dma_start3A_769] : memref<512x32xf32, #tpu.memory_space<vmem>> -> memref<128x32xf32, #tpu.memory_space<vmem>>
      %dma_start3A_771 = arith.constant 0 : i32
      %dma_start3A_772 = tpu.memref_slice %arg18[%add3A_748, %dma_start3A_771] : memref<100x128xi32, #tpu.memory_space<vmem>> -> memref<1x128xi32, #tpu.memory_space<vmem>>
      %dma_start3A_773 = tpu.memref_squeeze %dma_start3A_772 : memref<1x128xi32, #tpu.memory_space<vmem>> -> memref<128xi32, #tpu.memory_space<vmem>>
      %dma_start3A_774 = arith.constant 0 : i32
      %dma_start3A_775 = arith.constant 0 : i32
      %dma_start3A_776 = tpu.memref_slice %arg9[%dma_start3A_774, %dma_start3A_775] : memref<257x32xf32, #tpu.memory_space<hbm>> -> memref<257x32xf32, #tpu.memory_space<hbm>>
      tpu.enqueue_indirect_dma source(%dma_start3A_776 : memref<257x32xf32, #tpu.memory_space<hbm>>) target(%dma_start3A_770 : memref<128x32xf32, #tpu.memory_space<vmem>>) offsets(%dma_start3A_773 : memref<128xi32, #tpu.memory_space<vmem>>) semaphore(%arg25 : memref<!tpu.dma_semaphore, #tpu.memory_space<semaphore_mem>>)
      %mul3A_777 = arith.constant 4 : i32
      %mul3A_778 = arith.muli %add3A_712, %mul3A_777 : i32
      %add3A_779 = arith.constant 2 : i32
      %add3A_780 = arith.addi %mul3A_778, %add3A_779 : i32
      %dma_start3A_781 = arith.constant 1 : i32
      %dma_start3A_782 = arith.constant 0 : i32
      %dma_start3A_783 = arith.constant 0 : i32
      %dma_start3A_784 = tpu.memref_slice %arg19[%dma_start3A_781, %dma_start3A_782, %dma_start3A_783] : memref<2x512x32xf32, #tpu.memory_space<vmem>> -> memref<1x512x32xf32, #tpu.memory_space<vmem>>
      %dma_start3A_785 = tpu.memref_squeeze %dma_start3A_784 : memref<1x512x32xf32, #tpu.memory_space<vmem>> -> memref<512x32xf32, #tpu.memory_space<vmem>>
      %dma_start3A_786 = arith.constant 256 : i32
      %dma_start3A_787 = arith.constant 0 : i32
      %dma_start3A_788 = tpu.memref_slice %dma_start3A_785[%dma_start3A_786, %dma_start3A_787] : memref<512x32xf32, #tpu.memory_space<vmem>> -> memref<128x32xf32, #tpu.memory_space<vmem>>
      %dma_start3A_789 = arith.constant 0 : i32
      %dma_start3A_790 = tpu.memref_slice %arg18[%add3A_780, %dma_start3A_789] : memref<100x128xi32, #tpu.memory_space<vmem>> -> memref<1x128xi32, #tpu.memory_space<vmem>>
      %dma_start3A_791 = tpu.memref_squeeze %dma_start3A_790 : memref<1x128xi32, #tpu.memory_space<vmem>> -> memref<128xi32, #tpu.memory_space<vmem>>
      %dma_start3A_792 = arith.constant 0 : i32
      %dma_start3A_793 = arith.constant 0 : i32
      %dma_start3A_794 = tpu.memref_slice %arg8[%dma_start3A_792, %dma_start3A_793] : memref<257x32xf32, #tpu.memory_space<hbm>> -> memref<257x32xf32, #tpu.memory_space<hbm>>
      tpu.enqueue_indirect_dma source(%dma_start3A_794 : memref<257x32xf32, #tpu.memory_space<hbm>>) target(%dma_start3A_788 : memref<128x32xf32, #tpu.memory_space<vmem>>) offsets(%dma_start3A_791 : memref<128xi32, #tpu.memory_space<vmem>>) semaphore(%arg25 : memref<!tpu.dma_semaphore, #tpu.memory_space<semaphore_mem>>)
      %dma_start3A_795 = arith.constant 1 : i32
      %dma_start3A_796 = arith.constant 0 : i32
      %dma_start3A_797 = arith.constant 0 : i32
      %dma_start3A_798 = tpu.memref_slice %arg20[%dma_start3A_795, %dma_start3A_796, %dma_start3A_797] : memref<2x512x32xf32, #tpu.memory_space<vmem>> -> memref<1x512x32xf32, #tpu.memory_space<vmem>>
      %dma_start3A_799 = tpu.memref_squeeze %dma_start3A_798 : memref<1x512x32xf32, #tpu.memory_space<vmem>> -> memref<512x32xf32, #tpu.memory_space<vmem>>
      %dma_start3A_800 = arith.constant 256 : i32
      %dma_start3A_801 = arith.constant 0 : i32
      %dma_start3A_802 = tpu.memref_slice %dma_start3A_799[%dma_start3A_800, %dma_start3A_801] : memref<512x32xf32, #tpu.memory_space<vmem>> -> memref<128x32xf32, #tpu.memory_space<vmem>>
      %dma_start3A_803 = arith.constant 0 : i32
      %dma_start3A_804 = tpu.memref_slice %arg18[%add3A_780, %dma_start3A_803] : memref<100x128xi32, #tpu.memory_space<vmem>> -> memref<1x128xi32, #tpu.memory_space<vmem>>
      %dma_start3A_805 = tpu.memref_squeeze %dma_start3A_804 : memref<1x128xi32, #tpu.memory_space<vmem>> -> memref<128xi32, #tpu.memory_space<vmem>>
      %dma_start3A_806 = arith.constant 0 : i32
      %dma_start3A_807 = arith.constant 0 : i32
      %dma_start3A_808 = tpu.memref_slice %arg9[%dma_start3A_806, %dma_start3A_807] : memref<257x32xf32, #tpu.memory_space<hbm>> -> memref<257x32xf32, #tpu.memory_space<hbm>>
      tpu.enqueue_indirect_dma source(%dma_start3A_808 : memref<257x32xf32, #tpu.memory_space<hbm>>) target(%dma_start3A_802 : memref<128x32xf32, #tpu.memory_space<vmem>>) offsets(%dma_start3A_805 : memref<128xi32, #tpu.memory_space<vmem>>) semaphore(%arg25 : memref<!tpu.dma_semaphore, #tpu.memory_space<semaphore_mem>>)
      %mul3A_809 = arith.constant 4 : i32
      %mul3A_810 = arith.muli %add3A_712, %mul3A_809 : i32
      %add3A_811 = arith.constant 3 : i32
      %add3A_812 = arith.addi %mul3A_810, %add3A_811 : i32
      %dma_start3A_813 = arith.constant 1 : i32
      %dma_start3A_814 = arith.constant 0 : i32
      %dma_start3A_815 = arith.constant 0 : i32
      %dma_start3A_816 = tpu.memref_slice %arg19[%dma_start3A_813, %dma_start3A_814, %dma_start3A_815] : memref<2x512x32xf32, #tpu.memory_space<vmem>> -> memref<1x512x32xf32, #tpu.memory_space<vmem>>
      %dma_start3A_817 = tpu.memref_squeeze %dma_start3A_816 : memref<1x512x32xf32, #tpu.memory_space<vmem>> -> memref<512x32xf32, #tpu.memory_space<vmem>>
      %dma_start3A_818 = arith.constant 384 : i32
      %dma_start3A_819 = arith.constant 0 : i32
      %dma_start3A_820 = tpu.memref_slice %dma_start3A_817[%dma_start3A_818, %dma_start3A_819] : memref<512x32xf32, #tpu.memory_space<vmem>> -> memref<128x32xf32, #tpu.memory_space<vmem>>
      %dma_start3A_821 = arith.constant 0 : i32
      %dma_start3A_822 = tpu.memref_slice %arg18[%add3A_812, %dma_start3A_821] : memref<100x128xi32, #tpu.memory_space<vmem>> -> memref<1x128xi32, #tpu.memory_space<vmem>>
      %dma_start3A_823 = tpu.memref_squeeze %dma_start3A_822 : memref<1x128xi32, #tpu.memory_space<vmem>> -> memref<128xi32, #tpu.memory_space<vmem>>
      %dma_start3A_824 = arith.constant 0 : i32
      %dma_start3A_825 = arith.constant 0 : i32
      %dma_start3A_826 = tpu.memref_slice %arg8[%dma_start3A_824, %dma_start3A_825] : memref<257x32xf32, #tpu.memory_space<hbm>> -> memref<257x32xf32, #tpu.memory_space<hbm>>
      tpu.enqueue_indirect_dma source(%dma_start3A_826 : memref<257x32xf32, #tpu.memory_space<hbm>>) target(%dma_start3A_820 : memref<128x32xf32, #tpu.memory_space<vmem>>) offsets(%dma_start3A_823 : memref<128xi32, #tpu.memory_space<vmem>>) semaphore(%arg25 : memref<!tpu.dma_semaphore, #tpu.memory_space<semaphore_mem>>)
      %dma_start3A_827 = arith.constant 1 : i32
      %dma_start3A_828 = arith.constant 0 : i32
      %dma_start3A_829 = arith.constant 0 : i32
      %dma_start3A_830 = tpu.memref_slice %arg20[%dma_start3A_827, %dma_start3A_828, %dma_start3A_829] : memref<2x512x32xf32, #tpu.memory_space<vmem>> -> memref<1x512x32xf32, #tpu.memory_space<vmem>>
      %dma_start3A_831 = tpu.memref_squeeze %dma_start3A_830 : memref<1x512x32xf32, #tpu.memory_space<vmem>> -> memref<512x32xf32, #tpu.memory_space<vmem>>
      %dma_start3A_832 = arith.constant 384 : i32
      %dma_start3A_833 = arith.constant 0 : i32
      %dma_start3A_834 = tpu.memref_slice %dma_start3A_831[%dma_start3A_832, %dma_start3A_833] : memref<512x32xf32, #tpu.memory_space<vmem>> -> memref<128x32xf32, #tpu.memory_space<vmem>>
      %dma_start3A_835 = arith.constant 0 : i32
      %dma_start3A_836 = tpu.memref_slice %arg18[%add3A_812, %dma_start3A_835] : memref<100x128xi32, #tpu.memory_space<vmem>> -> memref<1x128xi32, #tpu.memory_space<vmem>>
      %dma_start3A_837 = tpu.memref_squeeze %dma_start3A_836 : memref<1x128xi32, #tpu.memory_space<vmem>> -> memref<128xi32, #tpu.memory_space<vmem>>
      %dma_start3A_838 = arith.constant 0 : i32
      %dma_start3A_839 = arith.constant 0 : i32
      %dma_start3A_840 = tpu.memref_slice %arg9[%dma_start3A_838, %dma_start3A_839] : memref<257x32xf32, #tpu.memory_space<hbm>> -> memref<257x32xf32, #tpu.memory_space<hbm>>
      tpu.enqueue_indirect_dma source(%dma_start3A_840 : memref<257x32xf32, #tpu.memory_space<hbm>>) target(%dma_start3A_834 : memref<128x32xf32, #tpu.memory_space<vmem>>) offsets(%dma_start3A_837 : memref<128xi32, #tpu.memory_space<vmem>>) semaphore(%arg25 : memref<!tpu.dma_semaphore, #tpu.memory_space<semaphore_mem>>)
      %mul3A_841 = arith.constant 12800 : i32
      %mul3A_842 = arith.muli %add3A, %mul3A_841 : i32
      %mul3A_843 = arith.constant 512 : i32
      %mul3A_844 = arith.muli %add3A_678, %mul3A_843 : i32
      %add3A_845 = arith.addi %mul3A_842, %mul3A_844 : i32
      %dma_start3A_846 = arith.constant 0 : i32
      %dma_start3A_847 = arith.constant 0 : i32
      %dma_start3A_848 = arith.constant 0 : i32
      %dma_start3A_849 = tpu.memref_slice %arg19[%dma_start3A_846, %dma_start3A_847, %dma_start3A_848] : memref<2x512x32xf32, #tpu.memory_space<vmem>> -> memref<1x512x32xf32, #tpu.memory_space<vmem>>
      %dma_start3A_850 = tpu.memref_squeeze %dma_start3A_849 : memref<1x512x32xf32, #tpu.memory_space<vmem>> -> memref<512x32xf32, #tpu.memory_space<vmem>>
      %dma_start3A_851 = arith.constant 0 : i32
      %dma_start3A_852 = tpu.memref_slice %arg11[%add3A_845, %dma_start3A_851] : memref<409600x32xf32, #tpu.memory_space<hbm>> -> memref<512x32xf32, #tpu.memory_space<hbm>>
      %dma_start3A_853 = arith.constant 0 : i32
      %dma_start3A_854 = tpu.memref_slice %arg11[%add3A_845, %dma_start3A_853] : memref<409600x32xf32, #tpu.memory_space<hbm>> -> memref<512x32xf32, #tpu.memory_space<hbm>>
      %dma_start3A_855 = arith.constant 0 : i32
      %dma_start3A_856 = arith.constant 0 : i32
      %dma_start3A_857 = tpu.memref_slice %arg19[%dma_start3A_846, %dma_start3A_855, %dma_start3A_856] : memref<2x512x32xf32, #tpu.memory_space<vmem>> -> memref<1x512x32xf32, #tpu.memory_space<vmem>>
      %dma_start3A_858 = tpu.memref_squeeze %dma_start3A_857 : memref<1x512x32xf32, #tpu.memory_space<vmem>> -> memref<512x32xf32, #tpu.memory_space<vmem>>
      tpu.enqueue_dma source(%dma_start3A_858 : memref<512x32xf32, #tpu.memory_space<vmem>>) target(%dma_start3A_854 : memref<512x32xf32, #tpu.memory_space<hbm>>) target_semaphore(%arg26 : memref<!tpu.dma_semaphore, #tpu.memory_space<semaphore_mem>>)
      %dma_start3A_859 = arith.constant 0 : i32
      %dma_start3A_860 = arith.constant 0 : i32
      %dma_start3A_861 = arith.constant 0 : i32
      %dma_start3A_862 = tpu.memref_slice %arg20[%dma_start3A_859, %dma_start3A_860, %dma_start3A_861] : memref<2x512x32xf32, #tpu.memory_space<vmem>> -> memref<1x512x32xf32, #tpu.memory_space<vmem>>
      %dma_start3A_863 = tpu.memref_squeeze %dma_start3A_862 : memref<1x512x32xf32, #tpu.memory_space<vmem>> -> memref<512x32xf32, #tpu.memory_space<vmem>>
      %dma_start3A_864 = arith.constant 0 : i32
      %dma_start3A_865 = tpu.memref_slice %arg12[%add3A_845, %dma_start3A_864] : memref<409600x32xf32, #tpu.memory_space<hbm>> -> memref<512x32xf32, #tpu.memory_space<hbm>>
      %dma_start3A_866 = arith.constant 0 : i32
      %dma_start3A_867 = tpu.memref_slice %arg12[%add3A_845, %dma_start3A_866] : memref<409600x32xf32, #tpu.memory_space<hbm>> -> memref<512x32xf32, #tpu.memory_space<hbm>>
      %dma_start3A_868 = arith.constant 0 : i32
      %dma_start3A_869 = arith.constant 0 : i32
      %dma_start3A_870 = tpu.memref_slice %arg20[%dma_start3A_859, %dma_start3A_868, %dma_start3A_869] : memref<2x512x32xf32, #tpu.memory_space<vmem>> -> memref<1x512x32xf32, #tpu.memory_space<vmem>>
      %dma_start3A_871 = tpu.memref_squeeze %dma_start3A_870 : memref<1x512x32xf32, #tpu.memory_space<vmem>> -> memref<512x32xf32, #tpu.memory_space<vmem>>
      tpu.enqueue_dma source(%dma_start3A_871 : memref<512x32xf32, #tpu.memory_space<vmem>>) target(%dma_start3A_867 : memref<512x32xf32, #tpu.memory_space<hbm>>) target_semaphore(%arg26 : memref<!tpu.dma_semaphore, #tpu.memory_space<semaphore_mem>>)
      %mul3A_872 = arith.constant 2 : i32
      %mul3A_873 = arith.muli %scan3A_674, %mul3A_872 : i32
      %add3A_874 = arith.constant 1 : i32
      %add3A_875 = arith.addi %mul3A_873, %add3A_874 : i32
      %dma_wait3A_876 = arith.constant 1 : i32
      %dma_wait3A_877 = arith.constant 0 : i32
      %dma_wait3A_878 = arith.constant 0 : i32
      %dma_wait3A_879 = tpu.memref_slice %arg19[%dma_wait3A_876, %dma_wait3A_877, %dma_wait3A_878] : memref<2x512x32xf32, #tpu.memory_space<vmem>> -> memref<1x512x32xf32, #tpu.memory_space<vmem>>
      %dma_wait3A_880 = tpu.memref_squeeze %dma_wait3A_879 : memref<1x512x32xf32, #tpu.memory_space<vmem>> -> memref<512x32xf32, #tpu.memory_space<vmem>>
      %dma_wait3A_881 = arith.constant 0 : i32
      %dma_wait3A_882 = arith.constant 0 : i32
      %dma_wait3A_883 = tpu.memref_slice %arg11[%dma_wait3A_881, %dma_wait3A_882] : memref<409600x32xf32, #tpu.memory_space<hbm>> -> memref<512x32xf32, #tpu.memory_space<hbm>>
      %dma_wait3A_884 = arith.constant 0 : i32
      %dma_wait3A_885 = arith.constant 0 : i32
      %dma_wait3A_886 = tpu.memref_slice %arg19[%dma_wait3A_876, %dma_wait3A_884, %dma_wait3A_885] : memref<2x512x32xf32, #tpu.memory_space<vmem>> -> memref<1x512x32xf32, #tpu.memory_space<vmem>>
      %dma_wait3A_887 = tpu.memref_squeeze %dma_wait3A_886 : memref<1x512x32xf32, #tpu.memory_space<vmem>> -> memref<512x32xf32, #tpu.memory_space<vmem>>
      %dma_wait3A_888 = arith.constant 0 : i32
      %dma_wait3A_889 = arith.constant 0 : i32
      %dma_wait3A_890 = tpu.memref_slice %arg11[%dma_wait3A_888, %dma_wait3A_889] : memref<409600x32xf32, #tpu.memory_space<hbm>> -> memref<512x32xf32, #tpu.memory_space<hbm>>
      tpu.wait_dma2 semaphore(%arg25 : memref<!tpu.dma_semaphore, #tpu.memory_space<semaphore_mem>>) src(%dma_wait3A_890 : memref<512x32xf32, #tpu.memory_space<hbm>>) dst(%dma_wait3A_887 : memref<512x32xf32, #tpu.memory_space<vmem>>)
      %dma_wait3A_891 = arith.constant 1 : i32
      %dma_wait3A_892 = arith.constant 0 : i32
      %dma_wait3A_893 = arith.constant 0 : i32
      %dma_wait3A_894 = tpu.memref_slice %arg20[%dma_wait3A_891, %dma_wait3A_892, %dma_wait3A_893] : memref<2x512x32xf32, #tpu.memory_space<vmem>> -> memref<1x512x32xf32, #tpu.memory_space<vmem>>
      %dma_wait3A_895 = tpu.memref_squeeze %dma_wait3A_894 : memref<1x512x32xf32, #tpu.memory_space<vmem>> -> memref<512x32xf32, #tpu.memory_space<vmem>>
      %dma_wait3A_896 = arith.constant 0 : i32
      %dma_wait3A_897 = arith.constant 0 : i32
      %dma_wait3A_898 = tpu.memref_slice %arg11[%dma_wait3A_896, %dma_wait3A_897] : memref<409600x32xf32, #tpu.memory_space<hbm>> -> memref<512x32xf32, #tpu.memory_space<hbm>>
      %dma_wait3A_899 = arith.constant 0 : i32
      %dma_wait3A_900 = arith.constant 0 : i32
      %dma_wait3A_901 = tpu.memref_slice %arg20[%dma_wait3A_891, %dma_wait3A_899, %dma_wait3A_900] : memref<2x512x32xf32, #tpu.memory_space<vmem>> -> memref<1x512x32xf32, #tpu.memory_space<vmem>>
      %dma_wait3A_902 = tpu.memref_squeeze %dma_wait3A_901 : memref<1x512x32xf32, #tpu.memory_space<vmem>> -> memref<512x32xf32, #tpu.memory_space<vmem>>
      %dma_wait3A_903 = arith.constant 0 : i32
      %dma_wait3A_904 = arith.constant 0 : i32
      %dma_wait3A_905 = tpu.memref_slice %arg11[%dma_wait3A_903, %dma_wait3A_904] : memref<409600x32xf32, #tpu.memory_space<hbm>> -> memref<512x32xf32, #tpu.memory_space<hbm>>
      tpu.wait_dma2 semaphore(%arg25 : memref<!tpu.dma_semaphore, #tpu.memory_space<semaphore_mem>>) src(%dma_wait3A_905 : memref<512x32xf32, #tpu.memory_space<hbm>>) dst(%dma_wait3A_902 : memref<512x32xf32, #tpu.memory_space<vmem>>)
      %ge3A_906 = arith.constant 1 : i32
      %ge3A_907 = arith.cmpi sge, %add3A_875, %ge3A_906 : i32
      %convert_element_type3A_908 = arith.extui %ge3A_907 : i1 to i32
      %cond3A_909 = arith.constant 0 : i32
      %cond3A_910 = arith.cmpi ne, %convert_element_type3A_908, %cond3A_909 : i32
      scf.if %cond3A_910 {
        %dma_wait3A_1072 = arith.constant 0 : i32
        %dma_wait3A_1073 = arith.constant 0 : i32
        %dma_wait3A_1074 = arith.constant 0 : i32
        %dma_wait3A_1075 = tpu.memref_slice %arg19[%dma_wait3A_1072, %dma_wait3A_1073, %dma_wait3A_1074] : memref<2x512x32xf32, #tpu.memory_space<vmem>> -> memref<1x512x32xf32, #tpu.memory_space<vmem>>
        %dma_wait3A_1076 = tpu.memref_squeeze %dma_wait3A_1075 : memref<1x512x32xf32, #tpu.memory_space<vmem>> -> memref<512x32xf32, #tpu.memory_space<vmem>>
        %dma_wait3A_1077 = arith.constant 0 : i32
        %dma_wait3A_1078 = arith.constant 0 : i32
        %dma_wait3A_1079 = tpu.memref_slice %arg11[%dma_wait3A_1077, %dma_wait3A_1078] : memref<409600x32xf32, #tpu.memory_space<hbm>> -> memref<512x32xf32, #tpu.memory_space<hbm>>
        %dma_wait3A_1080 = arith.constant 0 : i32
        %dma_wait3A_1081 = arith.constant 0 : i32
        %dma_wait3A_1082 = tpu.memref_slice %arg19[%dma_wait3A_1072, %dma_wait3A_1080, %dma_wait3A_1081] : memref<2x512x32xf32, #tpu.memory_space<vmem>> -> memref<1x512x32xf32, #tpu.memory_space<vmem>>
        %dma_wait3A_1083 = tpu.memref_squeeze %dma_wait3A_1082 : memref<1x512x32xf32, #tpu.memory_space<vmem>> -> memref<512x32xf32, #tpu.memory_space<vmem>>
        %dma_wait3A_1084 = arith.constant 0 : i32
        %dma_wait3A_1085 = arith.constant 0 : i32
        %dma_wait3A_1086 = tpu.memref_slice %arg11[%dma_wait3A_1084, %dma_wait3A_1085] : memref<409600x32xf32, #tpu.memory_space<hbm>> -> memref<512x32xf32, #tpu.memory_space<hbm>>
        tpu.wait_dma2 semaphore(%arg26 : memref<!tpu.dma_semaphore, #tpu.memory_space<semaphore_mem>>) src(%dma_wait3A_1086 : memref<512x32xf32, #tpu.memory_space<hbm>>) dst(%dma_wait3A_1083 : memref<512x32xf32, #tpu.memory_space<vmem>>)
        %dma_wait3A_1087 = arith.constant 0 : i32
        %dma_wait3A_1088 = arith.constant 0 : i32
        %dma_wait3A_1089 = arith.constant 0 : i32
        %dma_wait3A_1090 = tpu.memref_slice %arg20[%dma_wait3A_1087, %dma_wait3A_1088, %dma_wait3A_1089] : memref<2x512x32xf32, #tpu.memory_space<vmem>> -> memref<1x512x32xf32, #tpu.memory_space<vmem>>
        %dma_wait3A_1091 = tpu.memref_squeeze %dma_wait3A_1090 : memref<1x512x32xf32, #tpu.memory_space<vmem>> -> memref<512x32xf32, #tpu.memory_space<vmem>>
        %dma_wait3A_1092 = arith.constant 0 : i32
        %dma_wait3A_1093 = arith.constant 0 : i32
        %dma_wait3A_1094 = tpu.memref_slice %arg11[%dma_wait3A_1092, %dma_wait3A_1093] : memref<409600x32xf32, #tpu.memory_space<hbm>> -> memref<512x32xf32, #tpu.memory_space<hbm>>
        %dma_wait3A_1095 = arith.constant 0 : i32
        %dma_wait3A_1096 = arith.constant 0 : i32
        %dma_wait3A_1097 = tpu.memref_slice %arg20[%dma_wait3A_1087, %dma_wait3A_1095, %dma_wait3A_1096] : memref<2x512x32xf32, #tpu.memory_space<vmem>> -> memref<1x512x32xf32, #tpu.memory_space<vmem>>
        %dma_wait3A_1098 = tpu.memref_squeeze %dma_wait3A_1097 : memref<1x512x32xf32, #tpu.memory_space<vmem>> -> memref<512x32xf32, #tpu.memory_space<vmem>>
        %dma_wait3A_1099 = arith.constant 0 : i32
        %dma_wait3A_1100 = arith.constant 0 : i32
        %dma_wait3A_1101 = tpu.memref_slice %arg11[%dma_wait3A_1099, %dma_wait3A_1100] : memref<409600x32xf32, #tpu.memory_space<hbm>> -> memref<512x32xf32, #tpu.memory_space<hbm>>
        tpu.wait_dma2 semaphore(%arg26 : memref<!tpu.dma_semaphore, #tpu.memory_space<semaphore_mem>>) src(%dma_wait3A_1101 : memref<512x32xf32, #tpu.memory_space<hbm>>) dst(%dma_wait3A_1098 : memref<512x32xf32, #tpu.memory_space<vmem>>)
      } else {
      }
      %add3A_911 = arith.constant 1 : i32
      %add3A_912 = arith.addi %add3A_875, %add3A_911 : i32
      %mul3A_913 = arith.constant 4 : i32
      %mul3A_914 = arith.muli %add3A_912, %mul3A_913 : i32
      %add3A_915 = arith.constant 0 : i32
      %add3A_916 = arith.addi %mul3A_914, %add3A_915 : i32
      %dma_start3A_917 = arith.constant 0 : i32
      %dma_start3A_918 = arith.constant 0 : i32
      %dma_start3A_919 = arith.constant 0 : i32
      %dma_start3A_920 = tpu.memref_slice %arg19[%dma_start3A_917, %dma_start3A_918, %dma_start3A_919] : memref<2x512x32xf32, #tpu.memory_space<vmem>> -> memref<1x512x32xf32, #tpu.memory_space<vmem>>
      %dma_start3A_921 = tpu.memref_squeeze %dma_start3A_920 : memref<1x512x32xf32, #tpu.memory_space<vmem>> -> memref<512x32xf32, #tpu.memory_space<vmem>>
      %dma_start3A_922 = arith.constant 0 : i32
      %dma_start3A_923 = arith.constant 0 : i32
      %dma_start3A_924 = tpu.memref_slice %dma_start3A_921[%dma_start3A_922, %dma_start3A_923] : memref<512x32xf32, #tpu.memory_space<vmem>> -> memref<128x32xf32, #tpu.memory_space<vmem>>
      %dma_start3A_925 = arith.constant 0 : i32
      %dma_start3A_926 = tpu.memref_slice %arg18[%add3A_916, %dma_start3A_925] : memref<100x128xi32, #tpu.memory_space<vmem>> -> memref<1x128xi32, #tpu.memory_space<vmem>>
      %dma_start3A_927 = tpu.memref_squeeze %dma_start3A_926 : memref<1x128xi32, #tpu.memory_space<vmem>> -> memref<128xi32, #tpu.memory_space<vmem>>
      %dma_start3A_928 = arith.constant 0 : i32
      %dma_start3A_929 = arith.constant 0 : i32
      %dma_start3A_930 = tpu.memref_slice %arg8[%dma_start3A_928, %dma_start3A_929] : memref<257x32xf32, #tpu.memory_space<hbm>> -> memref<257x32xf32, #tpu.memory_space<hbm>>
      tpu.enqueue_indirect_dma source(%dma_start3A_930 : memref<257x32xf32, #tpu.memory_space<hbm>>) target(%dma_start3A_924 : memref<128x32xf32, #tpu.memory_space<vmem>>) offsets(%dma_start3A_927 : memref<128xi32, #tpu.memory_space<vmem>>) semaphore(%arg24 : memref<!tpu.dma_semaphore, #tpu.memory_space<semaphore_mem>>)
      %dma_start3A_931 = arith.constant 0 : i32
      %dma_start3A_932 = arith.constant 0 : i32
      %dma_start3A_933 = arith.constant 0 : i32
      %dma_start3A_934 = tpu.memref_slice %arg20[%dma_start3A_931, %dma_start3A_932, %dma_start3A_933] : memref<2x512x32xf32, #tpu.memory_space<vmem>> -> memref<1x512x32xf32, #tpu.memory_space<vmem>>
      %dma_start3A_935 = tpu.memref_squeeze %dma_start3A_934 : memref<1x512x32xf32, #tpu.memory_space<vmem>> -> memref<512x32xf32, #tpu.memory_space<vmem>>
      %dma_start3A_936 = arith.constant 0 : i32
      %dma_start3A_937 = arith.constant 0 : i32
      %dma_start3A_938 = tpu.memref_slice %dma_start3A_935[%dma_start3A_936, %dma_start3A_937] : memref<512x32xf32, #tpu.memory_space<vmem>> -> memref<128x32xf32, #tpu.memory_space<vmem>>
      %dma_start3A_939 = arith.constant 0 : i32
      %dma_start3A_940 = tpu.memref_slice %arg18[%add3A_916, %dma_start3A_939] : memref<100x128xi32, #tpu.memory_space<vmem>> -> memref<1x128xi32, #tpu.memory_space<vmem>>
      %dma_start3A_941 = tpu.memref_squeeze %dma_start3A_940 : memref<1x128xi32, #tpu.memory_space<vmem>> -> memref<128xi32, #tpu.memory_space<vmem>>
      %dma_start3A_942 = arith.constant 0 : i32
      %dma_start3A_943 = arith.constant 0 : i32
      %dma_start3A_944 = tpu.memref_slice %arg9[%dma_start3A_942, %dma_start3A_943] : memref<257x32xf32, #tpu.memory_space<hbm>> -> memref<257x32xf32, #tpu.memory_space<hbm>>
      tpu.enqueue_indirect_dma source(%dma_start3A_944 : memref<257x32xf32, #tpu.memory_space<hbm>>) target(%dma_start3A_938 : memref<128x32xf32, #tpu.memory_space<vmem>>) offsets(%dma_start3A_941 : memref<128xi32, #tpu.memory_space<vmem>>) semaphore(%arg24 : memref<!tpu.dma_semaphore, #tpu.memory_space<semaphore_mem>>)
      %mul3A_945 = arith.constant 4 : i32
      %mul3A_946 = arith.muli %add3A_912, %mul3A_945 : i32
      %add3A_947 = arith.constant 1 : i32
      %add3A_948 = arith.addi %mul3A_946, %add3A_947 : i32
      %dma_start3A_949 = arith.constant 0 : i32
      %dma_start3A_950 = arith.constant 0 : i32
      %dma_start3A_951 = arith.constant 0 : i32
      %dma_start3A_952 = tpu.memref_slice %arg19[%dma_start3A_949, %dma_start3A_950, %dma_start3A_951] : memref<2x512x32xf32, #tpu.memory_space<vmem>> -> memref<1x512x32xf32, #tpu.memory_space<vmem>>
      %dma_start3A_953 = tpu.memref_squeeze %dma_start3A_952 : memref<1x512x32xf32, #tpu.memory_space<vmem>> -> memref<512x32xf32, #tpu.memory_space<vmem>>
      %dma_start3A_954 = arith.constant 128 : i32
      %dma_start3A_955 = arith.constant 0 : i32
      %dma_start3A_956 = tpu.memref_slice %dma_start3A_953[%dma_start3A_954, %dma_start3A_955] : memref<512x32xf32, #tpu.memory_space<vmem>> -> memref<128x32xf32, #tpu.memory_space<vmem>>
      %dma_start3A_957 = arith.constant 0 : i32
      %dma_start3A_958 = tpu.memref_slice %arg18[%add3A_948, %dma_start3A_957] : memref<100x128xi32, #tpu.memory_space<vmem>> -> memref<1x128xi32, #tpu.memory_space<vmem>>
      %dma_start3A_959 = tpu.memref_squeeze %dma_start3A_958 : memref<1x128xi32, #tpu.memory_space<vmem>> -> memref<128xi32, #tpu.memory_space<vmem>>
      %dma_start3A_960 = arith.constant 0 : i32
      %dma_start3A_961 = arith.constant 0 : i32
      %dma_start3A_962 = tpu.memref_slice %arg8[%dma_start3A_960, %dma_start3A_961] : memref<257x32xf32, #tpu.memory_space<hbm>> -> memref<257x32xf32, #tpu.memory_space<hbm>>
      tpu.enqueue_indirect_dma source(%dma_start3A_962 : memref<257x32xf32, #tpu.memory_space<hbm>>) target(%dma_start3A_956 : memref<128x32xf32, #tpu.memory_space<vmem>>) offsets(%dma_start3A_959 : memref<128xi32, #tpu.memory_space<vmem>>) semaphore(%arg24 : memref<!tpu.dma_semaphore, #tpu.memory_space<semaphore_mem>>)
      %dma_start3A_963 = arith.constant 0 : i32
      %dma_start3A_964 = arith.constant 0 : i32
      %dma_start3A_965 = arith.constant 0 : i32
      %dma_start3A_966 = tpu.memref_slice %arg20[%dma_start3A_963, %dma_start3A_964, %dma_start3A_965] : memref<2x512x32xf32, #tpu.memory_space<vmem>> -> memref<1x512x32xf32, #tpu.memory_space<vmem>>
      %dma_start3A_967 = tpu.memref_squeeze %dma_start3A_966 : memref<1x512x32xf32, #tpu.memory_space<vmem>> -> memref<512x32xf32, #tpu.memory_space<vmem>>
      %dma_start3A_968 = arith.constant 128 : i32
      %dma_start3A_969 = arith.constant 0 : i32
      %dma_start3A_970 = tpu.memref_slice %dma_start3A_967[%dma_start3A_968, %dma_start3A_969] : memref<512x32xf32, #tpu.memory_space<vmem>> -> memref<128x32xf32, #tpu.memory_space<vmem>>
      %dma_start3A_971 = arith.constant 0 : i32
      %dma_start3A_972 = tpu.memref_slice %arg18[%add3A_948, %dma_start3A_971] : memref<100x128xi32, #tpu.memory_space<vmem>> -> memref<1x128xi32, #tpu.memory_space<vmem>>
      %dma_start3A_973 = tpu.memref_squeeze %dma_start3A_972 : memref<1x128xi32, #tpu.memory_space<vmem>> -> memref<128xi32, #tpu.memory_space<vmem>>
      %dma_start3A_974 = arith.constant 0 : i32
      %dma_start3A_975 = arith.constant 0 : i32
      %dma_start3A_976 = tpu.memref_slice %arg9[%dma_start3A_974, %dma_start3A_975] : memref<257x32xf32, #tpu.memory_space<hbm>> -> memref<257x32xf32, #tpu.memory_space<hbm>>
      tpu.enqueue_indirect_dma source(%dma_start3A_976 : memref<257x32xf32, #tpu.memory_space<hbm>>) target(%dma_start3A_970 : memref<128x32xf32, #tpu.memory_space<vmem>>) offsets(%dma_start3A_973 : memref<128xi32, #tpu.memory_space<vmem>>) semaphore(%arg24 : memref<!tpu.dma_semaphore, #tpu.memory_space<semaphore_mem>>)
      %mul3A_977 = arith.constant 4 : i32
      %mul3A_978 = arith.muli %add3A_912, %mul3A_977 : i32
      %add3A_979 = arith.constant 2 : i32
      %add3A_980 = arith.addi %mul3A_978, %add3A_979 : i32
      %dma_start3A_981 = arith.constant 0 : i32
      %dma_start3A_982 = arith.constant 0 : i32
      %dma_start3A_983 = arith.constant 0 : i32
      %dma_start3A_984 = tpu.memref_slice %arg19[%dma_start3A_981, %dma_start3A_982, %dma_start3A_983] : memref<2x512x32xf32, #tpu.memory_space<vmem>> -> memref<1x512x32xf32, #tpu.memory_space<vmem>>
      %dma_start3A_985 = tpu.memref_squeeze %dma_start3A_984 : memref<1x512x32xf32, #tpu.memory_space<vmem>> -> memref<512x32xf32, #tpu.memory_space<vmem>>
      %dma_start3A_986 = arith.constant 256 : i32
      %dma_start3A_987 = arith.constant 0 : i32
      %dma_start3A_988 = tpu.memref_slice %dma_start3A_985[%dma_start3A_986, %dma_start3A_987] : memref<512x32xf32, #tpu.memory_space<vmem>> -> memref<128x32xf32, #tpu.memory_space<vmem>>
      %dma_start3A_989 = arith.constant 0 : i32
      %dma_start3A_990 = tpu.memref_slice %arg18[%add3A_980, %dma_start3A_989] : memref<100x128xi32, #tpu.memory_space<vmem>> -> memref<1x128xi32, #tpu.memory_space<vmem>>
      %dma_start3A_991 = tpu.memref_squeeze %dma_start3A_990 : memref<1x128xi32, #tpu.memory_space<vmem>> -> memref<128xi32, #tpu.memory_space<vmem>>
      %dma_start3A_992 = arith.constant 0 : i32
      %dma_start3A_993 = arith.constant 0 : i32
      %dma_start3A_994 = tpu.memref_slice %arg8[%dma_start3A_992, %dma_start3A_993] : memref<257x32xf32, #tpu.memory_space<hbm>> -> memref<257x32xf32, #tpu.memory_space<hbm>>
      tpu.enqueue_indirect_dma source(%dma_start3A_994 : memref<257x32xf32, #tpu.memory_space<hbm>>) target(%dma_start3A_988 : memref<128x32xf32, #tpu.memory_space<vmem>>) offsets(%dma_start3A_991 : memref<128xi32, #tpu.memory_space<vmem>>) semaphore(%arg24 : memref<!tpu.dma_semaphore, #tpu.memory_space<semaphore_mem>>)
      %dma_start3A_995 = arith.constant 0 : i32
      %dma_start3A_996 = arith.constant 0 : i32
      %dma_start3A_997 = arith.constant 0 : i32
      %dma_start3A_998 = tpu.memref_slice %arg20[%dma_start3A_995, %dma_start3A_996, %dma_start3A_997] : memref<2x512x32xf32, #tpu.memory_space<vmem>> -> memref<1x512x32xf32, #tpu.memory_space<vmem>>
      %dma_start3A_999 = tpu.memref_squeeze %dma_start3A_998 : memref<1x512x32xf32, #tpu.memory_space<vmem>> -> memref<512x32xf32, #tpu.memory_space<vmem>>
      %dma_start3A_1000 = arith.constant 256 : i32
      %dma_start3A_1001 = arith.constant 0 : i32
      %dma_start3A_1002 = tpu.memref_slice %dma_start3A_999[%dma_start3A_1000, %dma_start3A_1001] : memref<512x32xf32, #tpu.memory_space<vmem>> -> memref<128x32xf32, #tpu.memory_space<vmem>>
      %dma_start3A_1003 = arith.constant 0 : i32
      %dma_start3A_1004 = tpu.memref_slice %arg18[%add3A_980, %dma_start3A_1003] : memref<100x128xi32, #tpu.memory_space<vmem>> -> memref<1x128xi32, #tpu.memory_space<vmem>>
      %dma_start3A_1005 = tpu.memref_squeeze %dma_start3A_1004 : memref<1x128xi32, #tpu.memory_space<vmem>> -> memref<128xi32, #tpu.memory_space<vmem>>
      %dma_start3A_1006 = arith.constant 0 : i32
      %dma_start3A_1007 = arith.constant 0 : i32
      %dma_start3A_1008 = tpu.memref_slice %arg9[%dma_start3A_1006, %dma_start3A_1007] : memref<257x32xf32, #tpu.memory_space<hbm>> -> memref<257x32xf32, #tpu.memory_space<hbm>>
      tpu.enqueue_indirect_dma source(%dma_start3A_1008 : memref<257x32xf32, #tpu.memory_space<hbm>>) target(%dma_start3A_1002 : memref<128x32xf32, #tpu.memory_space<vmem>>) offsets(%dma_start3A_1005 : memref<128xi32, #tpu.memory_space<vmem>>) semaphore(%arg24 : memref<!tpu.dma_semaphore, #tpu.memory_space<semaphore_mem>>)
      %mul3A_1009 = arith.constant 4 : i32
      %mul3A_1010 = arith.muli %add3A_912, %mul3A_1009 : i32
      %add3A_1011 = arith.constant 3 : i32
      %add3A_1012 = arith.addi %mul3A_1010, %add3A_1011 : i32
      %dma_start3A_1013 = arith.constant 0 : i32
      %dma_start3A_1014 = arith.constant 0 : i32
      %dma_start3A_1015 = arith.constant 0 : i32
      %dma_start3A_1016 = tpu.memref_slice %arg19[%dma_start3A_1013, %dma_start3A_1014, %dma_start3A_1015] : memref<2x512x32xf32, #tpu.memory_space<vmem>> -> memref<1x512x32xf32, #tpu.memory_space<vmem>>
      %dma_start3A_1017 = tpu.memref_squeeze %dma_start3A_1016 : memref<1x512x32xf32, #tpu.memory_space<vmem>> -> memref<512x32xf32, #tpu.memory_space<vmem>>
      %dma_start3A_1018 = arith.constant 384 : i32
      %dma_start3A_1019 = arith.constant 0 : i32
      %dma_start3A_1020 = tpu.memref_slice %dma_start3A_1017[%dma_start3A_1018, %dma_start3A_1019] : memref<512x32xf32, #tpu.memory_space<vmem>> -> memref<128x32xf32, #tpu.memory_space<vmem>>
      %dma_start3A_1021 = arith.constant 0 : i32
      %dma_start3A_1022 = tpu.memref_slice %arg18[%add3A_1012, %dma_start3A_1021] : memref<100x128xi32, #tpu.memory_space<vmem>> -> memref<1x128xi32, #tpu.memory_space<vmem>>
      %dma_start3A_1023 = tpu.memref_squeeze %dma_start3A_1022 : memref<1x128xi32, #tpu.memory_space<vmem>> -> memref<128xi32, #tpu.memory_space<vmem>>
      %dma_start3A_1024 = arith.constant 0 : i32
      %dma_start3A_1025 = arith.constant 0 : i32
      %dma_start3A_1026 = tpu.memref_slice %arg8[%dma_start3A_1024, %dma_start3A_1025] : memref<257x32xf32, #tpu.memory_space<hbm>> -> memref<257x32xf32, #tpu.memory_space<hbm>>
      tpu.enqueue_indirect_dma source(%dma_start3A_1026 : memref<257x32xf32, #tpu.memory_space<hbm>>) target(%dma_start3A_1020 : memref<128x32xf32, #tpu.memory_space<vmem>>) offsets(%dma_start3A_1023 : memref<128xi32, #tpu.memory_space<vmem>>) semaphore(%arg24 : memref<!tpu.dma_semaphore, #tpu.memory_space<semaphore_mem>>)
      %dma_start3A_1027 = arith.constant 0 : i32
      %dma_start3A_1028 = arith.constant 0 : i32
      %dma_start3A_1029 = arith.constant 0 : i32
      %dma_start3A_1030 = tpu.memref_slice %arg20[%dma_start3A_1027, %dma_start3A_1028, %dma_start3A_1029] : memref<2x512x32xf32, #tpu.memory_space<vmem>> -> memref<1x512x32xf32, #tpu.memory_space<vmem>>
      %dma_start3A_1031 = tpu.memref_squeeze %dma_start3A_1030 : memref<1x512x32xf32, #tpu.memory_space<vmem>> -> memref<512x32xf32, #tpu.memory_space<vmem>>
      %dma_start3A_1032 = arith.constant 384 : i32
      %dma_start3A_1033 = arith.constant 0 : i32
      %dma_start3A_1034 = tpu.memref_slice %dma_start3A_1031[%dma_start3A_1032, %dma_start3A_1033] : memref<512x32xf32, #tpu.memory_space<vmem>> -> memref<128x32xf32, #tpu.memory_space<vmem>>
      %dma_start3A_1035 = arith.constant 0 : i32
      %dma_start3A_1036 = tpu.memref_slice %arg18[%add3A_1012, %dma_start3A_1035] : memref<100x128xi32, #tpu.memory_space<vmem>> -> memref<1x128xi32, #tpu.memory_space<vmem>>
      %dma_start3A_1037 = tpu.memref_squeeze %dma_start3A_1036 : memref<1x128xi32, #tpu.memory_space<vmem>> -> memref<128xi32, #tpu.memory_space<vmem>>
      %dma_start3A_1038 = arith.constant 0 : i32
      %dma_start3A_1039 = arith.constant 0 : i32
      %dma_start3A_1040 = tpu.memref_slice %arg9[%dma_start3A_1038, %dma_start3A_1039] : memref<257x32xf32, #tpu.memory_space<hbm>> -> memref<257x32xf32, #tpu.memory_space<hbm>>
      tpu.enqueue_indirect_dma source(%dma_start3A_1040 : memref<257x32xf32, #tpu.memory_space<hbm>>) target(%dma_start3A_1034 : memref<128x32xf32, #tpu.memory_space<vmem>>) offsets(%dma_start3A_1037 : memref<128xi32, #tpu.memory_space<vmem>>) semaphore(%arg24 : memref<!tpu.dma_semaphore, #tpu.memory_space<semaphore_mem>>)
      %mul3A_1041 = arith.constant 12800 : i32
      %mul3A_1042 = arith.muli %add3A, %mul3A_1041 : i32
      %mul3A_1043 = arith.constant 512 : i32
      %mul3A_1044 = arith.muli %add3A_875, %mul3A_1043 : i32
      %add3A_1045 = arith.addi %mul3A_1042, %mul3A_1044 : i32
      %dma_start3A_1046 = arith.constant 1 : i32
      %dma_start3A_1047 = arith.constant 0 : i32
      %dma_start3A_1048 = arith.constant 0 : i32
      %dma_start3A_1049 = tpu.memref_slice %arg19[%dma_start3A_1046, %dma_start3A_1047, %dma_start3A_1048] : memref<2x512x32xf32, #tpu.memory_space<vmem>> -> memref<1x512x32xf32, #tpu.memory_space<vmem>>
      %dma_start3A_1050 = tpu.memref_squeeze %dma_start3A_1049 : memref<1x512x32xf32, #tpu.memory_space<vmem>> -> memref<512x32xf32, #tpu.memory_space<vmem>>
      %dma_start3A_1051 = arith.constant 0 : i32
      %dma_start3A_1052 = tpu.memref_slice %arg11[%add3A_1045, %dma_start3A_1051] : memref<409600x32xf32, #tpu.memory_space<hbm>> -> memref<512x32xf32, #tpu.memory_space<hbm>>
      %dma_start3A_1053 = arith.constant 0 : i32
      %dma_start3A_1054 = tpu.memref_slice %arg11[%add3A_1045, %dma_start3A_1053] : memref<409600x32xf32, #tpu.memory_space<hbm>> -> memref<512x32xf32, #tpu.memory_space<hbm>>
      %dma_start3A_1055 = arith.constant 0 : i32
      %dma_start3A_1056 = arith.constant 0 : i32
      %dma_start3A_1057 = tpu.memref_slice %arg19[%dma_start3A_1046, %dma_start3A_1055, %dma_start3A_1056] : memref<2x512x32xf32, #tpu.memory_space<vmem>> -> memref<1x512x32xf32, #tpu.memory_space<vmem>>
      %dma_start3A_1058 = tpu.memref_squeeze %dma_start3A_1057 : memref<1x512x32xf32, #tpu.memory_space<vmem>> -> memref<512x32xf32, #tpu.memory_space<vmem>>
      tpu.enqueue_dma source(%dma_start3A_1058 : memref<512x32xf32, #tpu.memory_space<vmem>>) target(%dma_start3A_1054 : memref<512x32xf32, #tpu.memory_space<hbm>>) target_semaphore(%arg27 : memref<!tpu.dma_semaphore, #tpu.memory_space<semaphore_mem>>)
      %dma_start3A_1059 = arith.constant 1 : i32
      %dma_start3A_1060 = arith.constant 0 : i32
      %dma_start3A_1061 = arith.constant 0 : i32
      %dma_start3A_1062 = tpu.memref_slice %arg20[%dma_start3A_1059, %dma_start3A_1060, %dma_start3A_1061] : memref<2x512x32xf32, #tpu.memory_space<vmem>> -> memref<1x512x32xf32, #tpu.memory_space<vmem>>
      %dma_start3A_1063 = tpu.memref_squeeze %dma_start3A_1062 : memref<1x512x32xf32, #tpu.memory_space<vmem>> -> memref<512x32xf32, #tpu.memory_space<vmem>>
      %dma_start3A_1064 = arith.constant 0 : i32
      %dma_start3A_1065 = tpu.memref_slice %arg12[%add3A_1045, %dma_start3A_1064] : memref<409600x32xf32, #tpu.memory_space<hbm>> -> memref<512x32xf32, #tpu.memory_space<hbm>>
      %dma_start3A_1066 = arith.constant 0 : i32
      %dma_start3A_1067 = tpu.memref_slice %arg12[%add3A_1045, %dma_start3A_1066] : memref<409600x32xf32, #tpu.memory_space<hbm>> -> memref<512x32xf32, #tpu.memory_space<hbm>>
      %dma_start3A_1068 = arith.constant 0 : i32
      %dma_start3A_1069 = arith.constant 0 : i32
      %dma_start3A_1070 = tpu.memref_slice %arg20[%dma_start3A_1059, %dma_start3A_1068, %dma_start3A_1069] : memref<2x512x32xf32, #tpu.memory_space<vmem>> -> memref<1x512x32xf32, #tpu.memory_space<vmem>>
      %dma_start3A_1071 = tpu.memref_squeeze %dma_start3A_1070 : memref<1x512x32xf32, #tpu.memory_space<vmem>> -> memref<512x32xf32, #tpu.memory_space<vmem>>
      tpu.enqueue_dma source(%dma_start3A_1071 : memref<512x32xf32, #tpu.memory_space<vmem>>) target(%dma_start3A_1067 : memref<512x32xf32, #tpu.memory_space<hbm>>) target_semaphore(%arg27 : memref<!tpu.dma_semaphore, #tpu.memory_space<semaphore_mem>>)
    }
    %scan3A_427 = arith.constant 12 : i32
    %dma_wait3A_428 = arith.constant 0 : i32
    %dma_wait3A_429 = arith.constant 0 : i32
    %dma_wait3A_430 = arith.constant 0 : i32
    %dma_wait3A_431 = tpu.memref_slice %arg19[%dma_wait3A_428, %dma_wait3A_429, %dma_wait3A_430] : memref<2x512x32xf32, #tpu.memory_space<vmem>> -> memref<1x512x32xf32, #tpu.memory_space<vmem>>
    %dma_wait3A_432 = tpu.memref_squeeze %dma_wait3A_431 : memref<1x512x32xf32, #tpu.memory_space<vmem>> -> memref<512x32xf32, #tpu.memory_space<vmem>>
    %dma_wait3A_433 = arith.constant 0 : i32
    %dma_wait3A_434 = arith.constant 0 : i32
    %dma_wait3A_435 = tpu.memref_slice %arg11[%dma_wait3A_433, %dma_wait3A_434] : memref<409600x32xf32, #tpu.memory_space<hbm>> -> memref<512x32xf32, #tpu.memory_space<hbm>>
    %dma_wait3A_436 = arith.constant 0 : i32
    %dma_wait3A_437 = arith.constant 0 : i32
    %dma_wait3A_438 = tpu.memref_slice %arg19[%dma_wait3A_428, %dma_wait3A_436, %dma_wait3A_437] : memref<2x512x32xf32, #tpu.memory_space<vmem>> -> memref<1x512x32xf32, #tpu.memory_space<vmem>>
    %dma_wait3A_439 = tpu.memref_squeeze %dma_wait3A_438 : memref<1x512x32xf32, #tpu.memory_space<vmem>> -> memref<512x32xf32, #tpu.memory_space<vmem>>
    %dma_wait3A_440 = arith.constant 0 : i32
    %dma_wait3A_441 = arith.constant 0 : i32
    %dma_wait3A_442 = tpu.memref_slice %arg11[%dma_wait3A_440, %dma_wait3A_441] : memref<409600x32xf32, #tpu.memory_space<hbm>> -> memref<512x32xf32, #tpu.memory_space<hbm>>
    tpu.wait_dma2 semaphore(%arg24 : memref<!tpu.dma_semaphore, #tpu.memory_space<semaphore_mem>>) src(%dma_wait3A_442 : memref<512x32xf32, #tpu.memory_space<hbm>>) dst(%dma_wait3A_439 : memref<512x32xf32, #tpu.memory_space<vmem>>)
    %dma_wait3A_443 = arith.constant 0 : i32
    %dma_wait3A_444 = arith.constant 0 : i32
    %dma_wait3A_445 = arith.constant 0 : i32
    %dma_wait3A_446 = tpu.memref_slice %arg20[%dma_wait3A_443, %dma_wait3A_444, %dma_wait3A_445] : memref<2x512x32xf32, #tpu.memory_space<vmem>> -> memref<1x512x32xf32, #tpu.memory_space<vmem>>
    %dma_wait3A_447 = tpu.memref_squeeze %dma_wait3A_446 : memref<1x512x32xf32, #tpu.memory_space<vmem>> -> memref<512x32xf32, #tpu.memory_space<vmem>>
    %dma_wait3A_448 = arith.constant 0 : i32
    %dma_wait3A_449 = arith.constant 0 : i32
    %dma_wait3A_450 = tpu.memref_slice %arg11[%dma_wait3A_448, %dma_wait3A_449] : memref<409600x32xf32, #tpu.memory_space<hbm>> -> memref<512x32xf32, #tpu.memory_space<hbm>>
    %dma_wait3A_451 = arith.constant 0 : i32
    %dma_wait3A_452 = arith.constant 0 : i32
    %dma_wait3A_453 = tpu.memref_slice %arg20[%dma_wait3A_443, %dma_wait3A_451, %dma_wait3A_452] : memref<2x512x32xf32, #tpu.memory_space<vmem>> -> memref<1x512x32xf32, #tpu.memory_space<vmem>>
    %dma_wait3A_454 = tpu.memref_squeeze %dma_wait3A_453 : memref<1x512x32xf32, #tpu.memory_space<vmem>> -> memref<512x32xf32, #tpu.memory_space<vmem>>
    %dma_wait3A_455 = arith.constant 0 : i32
    %dma_wait3A_456 = arith.constant 0 : i32
    %dma_wait3A_457 = tpu.memref_slice %arg11[%dma_wait3A_455, %dma_wait3A_456] : memref<409600x32xf32, #tpu.memory_space<hbm>> -> memref<512x32xf32, #tpu.memory_space<hbm>>
    tpu.wait_dma2 semaphore(%arg24 : memref<!tpu.dma_semaphore, #tpu.memory_space<semaphore_mem>>) src(%dma_wait3A_457 : memref<512x32xf32, #tpu.memory_space<hbm>>) dst(%dma_wait3A_454 : memref<512x32xf32, #tpu.memory_space<vmem>>)
    %dma_wait3A_458 = arith.constant 1 : i32
    %dma_wait3A_459 = arith.constant 0 : i32
    %dma_wait3A_460 = arith.constant 0 : i32
    %dma_wait3A_461 = tpu.memref_slice %arg19[%dma_wait3A_458, %dma_wait3A_459, %dma_wait3A_460] : memref<2x512x32xf32, #tpu.memory_space<vmem>> -> memref<1x512x32xf32, #tpu.memory_space<vmem>>
    %dma_wait3A_462 = tpu.memref_squeeze %dma_wait3A_461 : memref<1x512x32xf32, #tpu.memory_space<vmem>> -> memref<512x32xf32, #tpu.memory_space<vmem>>
    %dma_wait3A_463 = arith.constant 0 : i32
    %dma_wait3A_464 = arith.constant 0 : i32
    %dma_wait3A_465 = tpu.memref_slice %arg11[%dma_wait3A_463, %dma_wait3A_464] : memref<409600x32xf32, #tpu.memory_space<hbm>> -> memref<512x32xf32, #tpu.memory_space<hbm>>
    %dma_wait3A_466 = arith.constant 0 : i32
    %dma_wait3A_467 = arith.constant 0 : i32
    %dma_wait3A_468 = tpu.memref_slice %arg19[%dma_wait3A_458, %dma_wait3A_466, %dma_wait3A_467] : memref<2x512x32xf32, #tpu.memory_space<vmem>> -> memref<1x512x32xf32, #tpu.memory_space<vmem>>
    %dma_wait3A_469 = tpu.memref_squeeze %dma_wait3A_468 : memref<1x512x32xf32, #tpu.memory_space<vmem>> -> memref<512x32xf32, #tpu.memory_space<vmem>>
    %dma_wait3A_470 = arith.constant 0 : i32
    %dma_wait3A_471 = arith.constant 0 : i32
    %dma_wait3A_472 = tpu.memref_slice %arg11[%dma_wait3A_470, %dma_wait3A_471] : memref<409600x32xf32, #tpu.memory_space<hbm>> -> memref<512x32xf32, #tpu.memory_space<hbm>>
    tpu.wait_dma2 semaphore(%arg27 : memref<!tpu.dma_semaphore, #tpu.memory_space<semaphore_mem>>) src(%dma_wait3A_472 : memref<512x32xf32, #tpu.memory_space<hbm>>) dst(%dma_wait3A_469 : memref<512x32xf32, #tpu.memory_space<vmem>>)
    %dma_wait3A_473 = arith.constant 1 : i32
    %dma_wait3A_474 = arith.constant 0 : i32
    %dma_wait3A_475 = arith.constant 0 : i32
    %dma_wait3A_476 = tpu.memref_slice %arg20[%dma_wait3A_473, %dma_wait3A_474, %dma_wait3A_475] : memref<2x512x32xf32, #tpu.memory_space<vmem>> -> memref<1x512x32xf32, #tpu.memory_space<vmem>>
    %dma_wait3A_477 = tpu.memref_squeeze %dma_wait3A_476 : memref<1x512x32xf32, #tpu.memory_space<vmem>> -> memref<512x32xf32, #tpu.memory_space<vmem>>
    %dma_wait3A_478 = arith.constant 0 : i32
    %dma_wait3A_479 = arith.constant 0 : i32
    %dma_wait3A_480 = tpu.memref_slice %arg11[%dma_wait3A_478, %dma_wait3A_479] : memref<409600x32xf32, #tpu.memory_space<hbm>> -> memref<512x32xf32, #tpu.memory_space<hbm>>
    %dma_wait3A_481 = arith.constant 0 : i32
    %dma_wait3A_482 = arith.constant 0 : i32
    %dma_wait3A_483 = tpu.memref_slice %arg20[%dma_wait3A_473, %dma_wait3A_481, %dma_wait3A_482] : memref<2x512x32xf32, #tpu.memory_space<vmem>> -> memref<1x512x32xf32, #tpu.memory_space<vmem>>
    %dma_wait3A_484 = tpu.memref_squeeze %dma_wait3A_483 : memref<1x512x32xf32, #tpu.memory_space<vmem>> -> memref<512x32xf32, #tpu.memory_space<vmem>>
    %dma_wait3A_485 = arith.constant 0 : i32
    %dma_wait3A_486 = arith.constant 0 : i32
    %dma_wait3A_487 = tpu.memref_slice %arg11[%dma_wait3A_485, %dma_wait3A_486] : memref<409600x32xf32, #tpu.memory_space<hbm>> -> memref<512x32xf32, #tpu.memory_space<hbm>>
    tpu.wait_dma2 semaphore(%arg27 : memref<!tpu.dma_semaphore, #tpu.memory_space<semaphore_mem>>) src(%dma_wait3A_487 : memref<512x32xf32, #tpu.memory_space<hbm>>) dst(%dma_wait3A_484 : memref<512x32xf32, #tpu.memory_space<vmem>>)
    %mul3A_488 = arith.constant 12800 : i32
    %mul3A_489 = arith.muli %add3A, %mul3A_488 : i32
    %add3A_490 = arith.constant 12288 : i32
    %add3A_491 = arith.addi %mul3A_489, %add3A_490 : i32
    %dma_start3A_492 = arith.constant 0 : i32
    %dma_start3A_493 = arith.constant 0 : i32
    %dma_start3A_494 = arith.constant 0 : i32
    %dma_start3A_495 = tpu.memref_slice %arg19[%dma_start3A_492, %dma_start3A_493, %dma_start3A_494] : memref<2x512x32xf32, #tpu.memory_space<vmem>> -> memref<1x512x32xf32, #tpu.memory_space<vmem>>
    %dma_start3A_496 = tpu.memref_squeeze %dma_start3A_495 : memref<1x512x32xf32, #tpu.memory_space<vmem>> -> memref<512x32xf32, #tpu.memory_space<vmem>>
    %dma_start3A_497 = arith.constant 0 : i32
    %dma_start3A_498 = tpu.memref_slice %arg11[%add3A_491, %dma_start3A_497] : memref<409600x32xf32, #tpu.memory_space<hbm>> -> memref<512x32xf32, #tpu.memory_space<hbm>>
    %dma_start3A_499 = arith.constant 0 : i32
    %dma_start3A_500 = tpu.memref_slice %arg11[%add3A_491, %dma_start3A_499] : memref<409600x32xf32, #tpu.memory_space<hbm>> -> memref<512x32xf32, #tpu.memory_space<hbm>>
    %dma_start3A_501 = arith.constant 0 : i32
    %dma_start3A_502 = arith.constant 0 : i32
    %dma_start3A_503 = tpu.memref_slice %arg19[%dma_start3A_492, %dma_start3A_501, %dma_start3A_502] : memref<2x512x32xf32, #tpu.memory_space<vmem>> -> memref<1x512x32xf32, #tpu.memory_space<vmem>>
    %dma_start3A_504 = tpu.memref_squeeze %dma_start3A_503 : memref<1x512x32xf32, #tpu.memory_space<vmem>> -> memref<512x32xf32, #tpu.memory_space<vmem>>
    tpu.enqueue_dma source(%dma_start3A_504 : memref<512x32xf32, #tpu.memory_space<vmem>>) target(%dma_start3A_500 : memref<512x32xf32, #tpu.memory_space<hbm>>) target_semaphore(%arg26 : memref<!tpu.dma_semaphore, #tpu.memory_space<semaphore_mem>>)
    %dma_start3A_505 = arith.constant 0 : i32
    %dma_start3A_506 = arith.constant 0 : i32
    %dma_start3A_507 = arith.constant 0 : i32
    %dma_start3A_508 = tpu.memref_slice %arg20[%dma_start3A_505, %dma_start3A_506, %dma_start3A_507] : memref<2x512x32xf32, #tpu.memory_space<vmem>> -> memref<1x512x32xf32, #tpu.memory_space<vmem>>
    %dma_start3A_509 = tpu.memref_squeeze %dma_start3A_508 : memref<1x512x32xf32, #tpu.memory_space<vmem>> -> memref<512x32xf32, #tpu.memory_space<vmem>>
    %dma_start3A_510 = arith.constant 0 : i32
    %dma_start3A_511 = tpu.memref_slice %arg12[%add3A_491, %dma_start3A_510] : memref<409600x32xf32, #tpu.memory_space<hbm>> -> memref<512x32xf32, #tpu.memory_space<hbm>>
    %dma_start3A_512 = arith.constant 0 : i32
    %dma_start3A_513 = tpu.memref_slice %arg12[%add3A_491, %dma_start3A_512] : memref<409600x32xf32, #tpu.memory_space<hbm>> -> memref<512x32xf32, #tpu.memory_space<hbm>>
    %dma_start3A_514 = arith.constant 0 : i32
    %dma_start3A_515 = arith.constant 0 : i32
    %dma_start3A_516 = tpu.memref_slice %arg20[%dma_start3A_505, %dma_start3A_514, %dma_start3A_515] : memref<2x512x32xf32, #tpu.memory_space<vmem>> -> memref<1x512x32xf32, #tpu.memory_space<vmem>>
    %dma_start3A_517 = tpu.memref_squeeze %dma_start3A_516 : memref<1x512x32xf32, #tpu.memory_space<vmem>> -> memref<512x32xf32, #tpu.memory_space<vmem>>
    tpu.enqueue_dma source(%dma_start3A_517 : memref<512x32xf32, #tpu.memory_space<vmem>>) target(%dma_start3A_513 : memref<512x32xf32, #tpu.memory_space<hbm>>) target_semaphore(%arg26 : memref<!tpu.dma_semaphore, #tpu.memory_space<semaphore_mem>>)
    %dma_wait3A_518 = arith.constant 0 : i32
    %dma_wait3A_519 = arith.constant 0 : i32
    %dma_wait3A_520 = tpu.memref_slice %arg21[%dma_wait3A_518, %dma_wait3A_519] : memref<640x32xf32, #tpu.memory_space<vmem>> -> memref<128x32xf32, #tpu.memory_space<vmem>>
    %dma_wait3A_521 = arith.constant 0 : i32
    %dma_wait3A_522 = arith.constant 0 : i32
    %dma_wait3A_523 = tpu.memref_slice %arg5[%dma_wait3A_521, %dma_wait3A_522] : memref<1000001x32xf32, #tpu.memory_space<hbm>> -> memref<128x32xf32, #tpu.memory_space<hbm>>
    %dma_wait3A_524 = arith.constant 0 : i32
    %dma_wait3A_525 = arith.constant 0 : i32
    %dma_wait3A_526 = tpu.memref_slice %arg21[%dma_wait3A_524, %dma_wait3A_525] : memref<640x32xf32, #tpu.memory_space<vmem>> -> memref<128x32xf32, #tpu.memory_space<vmem>>
    %dma_wait3A_527 = arith.constant 0 : i32
    %dma_wait3A_528 = arith.constant 0 : i32
    %dma_wait3A_529 = tpu.memref_slice %arg5[%dma_wait3A_527, %dma_wait3A_528] : memref<1000001x32xf32, #tpu.memory_space<hbm>> -> memref<128x32xf32, #tpu.memory_space<hbm>>
    tpu.wait_dma2 semaphore(%arg28 : memref<!tpu.dma_semaphore, #tpu.memory_space<semaphore_mem>>) src(%dma_wait3A_529 : memref<128x32xf32, #tpu.memory_space<hbm>>) dst(%dma_wait3A_526 : memref<128x32xf32, #tpu.memory_space<vmem>>)
    %dma_wait3A_530 = arith.constant 128 : i32
    %dma_wait3A_531 = arith.constant 0 : i32
    %dma_wait3A_532 = tpu.memref_slice %arg21[%dma_wait3A_530, %dma_wait3A_531] : memref<640x32xf32, #tpu.memory_space<vmem>> -> memref<128x32xf32, #tpu.memory_space<vmem>>
    %dma_wait3A_533 = arith.constant 0 : i32
    %dma_wait3A_534 = arith.constant 0 : i32
    %dma_wait3A_535 = tpu.memref_slice %arg5[%dma_wait3A_533, %dma_wait3A_534] : memref<1000001x32xf32, #tpu.memory_space<hbm>> -> memref<128x32xf32, #tpu.memory_space<hbm>>
    %dma_wait3A_536 = arith.constant 128 : i32
    %dma_wait3A_537 = arith.constant 0 : i32
    %dma_wait3A_538 = tpu.memref_slice %arg21[%dma_wait3A_536, %dma_wait3A_537] : memref<640x32xf32, #tpu.memory_space<vmem>> -> memref<128x32xf32, #tpu.memory_space<vmem>>
    %dma_wait3A_539 = arith.constant 0 : i32
    %dma_wait3A_540 = arith.constant 0 : i32
    %dma_wait3A_541 = tpu.memref_slice %arg5[%dma_wait3A_539, %dma_wait3A_540] : memref<1000001x32xf32, #tpu.memory_space<hbm>> -> memref<128x32xf32, #tpu.memory_space<hbm>>
    tpu.wait_dma2 semaphore(%arg28 : memref<!tpu.dma_semaphore, #tpu.memory_space<semaphore_mem>>) src(%dma_wait3A_541 : memref<128x32xf32, #tpu.memory_space<hbm>>) dst(%dma_wait3A_538 : memref<128x32xf32, #tpu.memory_space<vmem>>)
    %dma_wait3A_542 = arith.constant 256 : i32
    %dma_wait3A_543 = arith.constant 0 : i32
    %dma_wait3A_544 = tpu.memref_slice %arg21[%dma_wait3A_542, %dma_wait3A_543] : memref<640x32xf32, #tpu.memory_space<vmem>> -> memref<128x32xf32, #tpu.memory_space<vmem>>
    %dma_wait3A_545 = arith.constant 0 : i32
    %dma_wait3A_546 = arith.constant 0 : i32
    %dma_wait3A_547 = tpu.memref_slice %arg5[%dma_wait3A_545, %dma_wait3A_546] : memref<1000001x32xf32, #tpu.memory_space<hbm>> -> memref<128x32xf32, #tpu.memory_space<hbm>>
    %dma_wait3A_548 = arith.constant 256 : i32
    %dma_wait3A_549 = arith.constant 0 : i32
    %dma_wait3A_550 = tpu.memref_slice %arg21[%dma_wait3A_548, %dma_wait3A_549] : memref<640x32xf32, #tpu.memory_space<vmem>> -> memref<128x32xf32, #tpu.memory_space<vmem>>
    %dma_wait3A_551 = arith.constant 0 : i32
    %dma_wait3A_552 = arith.constant 0 : i32
    %dma_wait3A_553 = tpu.memref_slice %arg5[%dma_wait3A_551, %dma_wait3A_552] : memref<1000001x32xf32, #tpu.memory_space<hbm>> -> memref<128x32xf32, #tpu.memory_space<hbm>>
    tpu.wait_dma2 semaphore(%arg28 : memref<!tpu.dma_semaphore, #tpu.memory_space<semaphore_mem>>) src(%dma_wait3A_553 : memref<128x32xf32, #tpu.memory_space<hbm>>) dst(%dma_wait3A_550 : memref<128x32xf32, #tpu.memory_space<vmem>>)
    %dma_wait3A_554 = arith.constant 384 : i32
    %dma_wait3A_555 = arith.constant 0 : i32
    %dma_wait3A_556 = tpu.memref_slice %arg21[%dma_wait3A_554, %dma_wait3A_555] : memref<640x32xf32, #tpu.memory_space<vmem>> -> memref<128x32xf32, #tpu.memory_space<vmem>>
    %dma_wait3A_557 = arith.constant 0 : i32
    %dma_wait3A_558 = arith.constant 0 : i32
    %dma_wait3A_559 = tpu.memref_slice %arg5[%dma_wait3A_557, %dma_wait3A_558] : memref<1000001x32xf32, #tpu.memory_space<hbm>> -> memref<128x32xf32, #tpu.memory_space<hbm>>
    %dma_wait3A_560 = arith.constant 384 : i32
    %dma_wait3A_561 = arith.constant 0 : i32
    %dma_wait3A_562 = tpu.memref_slice %arg21[%dma_wait3A_560, %dma_wait3A_561] : memref<640x32xf32, #tpu.memory_space<vmem>> -> memref<128x32xf32, #tpu.memory_space<vmem>>
    %dma_wait3A_563 = arith.constant 0 : i32
    %dma_wait3A_564 = arith.constant 0 : i32
    %dma_wait3A_565 = tpu.memref_slice %arg5[%dma_wait3A_563, %dma_wait3A_564] : memref<1000001x32xf32, #tpu.memory_space<hbm>> -> memref<128x32xf32, #tpu.memory_space<hbm>>
    tpu.wait_dma2 semaphore(%arg28 : memref<!tpu.dma_semaphore, #tpu.memory_space<semaphore_mem>>) src(%dma_wait3A_565 : memref<128x32xf32, #tpu.memory_space<hbm>>) dst(%dma_wait3A_562 : memref<128x32xf32, #tpu.memory_space<vmem>>)
    %dma_wait3A_566 = arith.constant 512 : i32
    %dma_wait3A_567 = arith.constant 0 : i32
    %dma_wait3A_568 = tpu.memref_slice %arg21[%dma_wait3A_566, %dma_wait3A_567] : memref<640x32xf32, #tpu.memory_space<vmem>> -> memref<128x32xf32, #tpu.memory_space<vmem>>
    %dma_wait3A_569 = arith.constant 0 : i32
    %dma_wait3A_570 = arith.constant 0 : i32
    %dma_wait3A_571 = tpu.memref_slice %arg5[%dma_wait3A_569, %dma_wait3A_570] : memref<1000001x32xf32, #tpu.memory_space<hbm>> -> memref<128x32xf32, #tpu.memory_space<hbm>>
    %dma_wait3A_572 = arith.constant 512 : i32
    %dma_wait3A_573 = arith.constant 0 : i32
    %dma_wait3A_574 = tpu.memref_slice %arg21[%dma_wait3A_572, %dma_wait3A_573] : memref<640x32xf32, #tpu.memory_space<vmem>> -> memref<128x32xf32, #tpu.memory_space<vmem>>
    %dma_wait3A_575 = arith.constant 0 : i32
    %dma_wait3A_576 = arith.constant 0 : i32
    %dma_wait3A_577 = tpu.memref_slice %arg5[%dma_wait3A_575, %dma_wait3A_576] : memref<1000001x32xf32, #tpu.memory_space<hbm>> -> memref<128x32xf32, #tpu.memory_space<hbm>>
    tpu.wait_dma2 semaphore(%arg28 : memref<!tpu.dma_semaphore, #tpu.memory_space<semaphore_mem>>) src(%dma_wait3A_577 : memref<128x32xf32, #tpu.memory_space<hbm>>) dst(%dma_wait3A_574 : memref<128x32xf32, #tpu.memory_space<vmem>>)
    %scan3A_578 = arith.constant 0 : i32
    %scan3A_579 = arith.constant 0 : i32
    %scan3A_580 = arith.constant 1280 : i32
    %scan3A_581 = arith.addi %scan3A_579, %scan3A_580 : i32
    %scan3A_582 = arith.constant 1 : i32
    scf.for %scan3A_674 = %scan3A_579 to %scan3A_581 step %scan3A_582  : i32 {
      %shift_right_arithmetic3A = arith.constant 1 : i32
      %shift_right_arithmetic3A_675 = arith.shrsi %scan3A_674, %shift_right_arithmetic3A : i32
      %and3A = arith.constant 1 : i32
      %and3A_676 = arith.andi %scan3A_674, %and3A : i32
      %mul3A_677 = arith.constant 16 : i32
      %mul3A_678 = arith.muli %and3A_676, %mul3A_677 : i32
      %broadcast_in_dim3A = vector.broadcast %shift_right_arithmetic3A_675 : i32 to vector<16xi32>
      %gather3A = tpu.vector_load_idx %arg17[%broadcast_in_dim3A] : memref<640xf32, #tpu.memory_space<vmem>>[vector<16xi32>], vector<16xf32>,
      %get3A = arith.index_cast %shift_right_arithmetic3A_675 : i32 to index
      %get3A_679 = arith.index_cast %mul3A_678 : i32 to index
      %get3A_680 = tpu.vector_load %arg21[%get3A, %get3A_679] {strides = array<i32>} : memref<640x32xf32, #tpu.memory_space<vmem>>, vector<16xf32>,
      %mul3A_681 = arith.mulf %get3A_680, %gather3A : vector<16xf32>
      %swap3A = arith.index_cast %shift_right_arithmetic3A_675 : i32 to index
      %swap3A_682 = arith.index_cast %mul3A_678 : i32 to index
      %swap3A_683 = tpu.vector_load %arg21[%swap3A, %swap3A_682] {strides = array<i32>} : memref<640x32xf32, #tpu.memory_space<vmem>>, vector<16xf32>,
      tpu.vector_store %arg21[%swap3A, %swap3A_682], %mul3A_681 {strides = array<i32>} : memref<640x32xf32, #tpu.memory_space<vmem>>, vector<16xf32>,
    }
    %scan3A_583 = arith.constant 1280 : i32
    %mul3A_584 = arith.constant 640 : i32
    %mul3A_585 = arith.muli %add3A, %mul3A_584 : i32
    %dma_start3A_586 = arith.constant 0 : i32
    %dma_start3A_587 = tpu.memref_slice %arg10[%mul3A_585, %dma_start3A_586] : memref<20480x32xf32, #tpu.memory_space<hbm>> -> memref<640x32xf32, #tpu.memory_space<hbm>>
    %dma_start3A_588 = arith.constant 0 : i32
    %dma_start3A_589 = tpu.memref_slice %arg10[%mul3A_585, %dma_start3A_588] : memref<20480x32xf32, #tpu.memory_space<hbm>> -> memref<640x32xf32, #tpu.memory_space<hbm>>
    tpu.enqueue_dma source(%arg21 : memref<640x32xf32, #tpu.memory_space<vmem>>) target(%dma_start3A_589 : memref<640x32xf32, #tpu.memory_space<hbm>>) target_semaphore(%arg28 : memref<!tpu.dma_semaphore, #tpu.memory_space<semaphore_mem>>)
    %dma_wait3A_590 = arith.constant 0 : i32
    %dma_wait3A_591 = arith.constant 0 : i32
    %dma_wait3A_592 = arith.constant 0 : i32
    %dma_wait3A_593 = tpu.memref_slice %arg19[%dma_wait3A_590, %dma_wait3A_591, %dma_wait3A_592] : memref<2x512x32xf32, #tpu.memory_space<vmem>> -> memref<1x512x32xf32, #tpu.memory_space<vmem>>
    %dma_wait3A_594 = tpu.memref_squeeze %dma_wait3A_593 : memref<1x512x32xf32, #tpu.memory_space<vmem>> -> memref<512x32xf32, #tpu.memory_space<vmem>>
    %dma_wait3A_595 = arith.constant 0 : i32
    %dma_wait3A_596 = arith.constant 0 : i32
    %dma_wait3A_597 = tpu.memref_slice %arg11[%dma_wait3A_595, %dma_wait3A_596] : memref<409600x32xf32, #tpu.memory_space<hbm>> -> memref<512x32xf32, #tpu.memory_space<hbm>>
    %dma_wait3A_598 = arith.constant 0 : i32
    %dma_wait3A_599 = arith.constant 0 : i32
    %dma_wait3A_600 = tpu.memref_slice %arg19[%dma_wait3A_590, %dma_wait3A_598, %dma_wait3A_599] : memref<2x512x32xf32, #tpu.memory_space<vmem>> -> memref<1x512x32xf32, #tpu.memory_space<vmem>>
    %dma_wait3A_601 = tpu.memref_squeeze %dma_wait3A_600 : memref<1x512x32xf32, #tpu.memory_space<vmem>> -> memref<512x32xf32, #tpu.memory_space<vmem>>
    %dma_wait3A_602 = arith.constant 0 : i32
    %dma_wait3A_603 = arith.constant 0 : i32
    %dma_wait3A_604 = tpu.memref_slice %arg11[%dma_wait3A_602, %dma_wait3A_603] : memref<409600x32xf32, #tpu.memory_space<hbm>> -> memref<512x32xf32, #tpu.memory_space<hbm>>
    tpu.wait_dma2 semaphore(%arg26 : memref<!tpu.dma_semaphore, #tpu.memory_space<semaphore_mem>>) src(%dma_wait3A_604 : memref<512x32xf32, #tpu.memory_space<hbm>>) dst(%dma_wait3A_601 : memref<512x32xf32, #tpu.memory_space<vmem>>)
    %dma_wait3A_605 = arith.constant 0 : i32
    %dma_wait3A_606 = arith.constant 0 : i32
    %dma_wait3A_607 = arith.constant 0 : i32
    %dma_wait3A_608 = tpu.memref_slice %arg20[%dma_wait3A_605, %dma_wait3A_606, %dma_wait3A_607] : memref<2x512x32xf32, #tpu.memory_space<vmem>> -> memref<1x512x32xf32, #tpu.memory_space<vmem>>
    %dma_wait3A_609 = tpu.memref_squeeze %dma_wait3A_608 : memref<1x512x32xf32, #tpu.memory_space<vmem>> -> memref<512x32xf32, #tpu.memory_space<vmem>>
    %dma_wait3A_610 = arith.constant 0 : i32
    %dma_wait3A_611 = arith.constant 0 : i32
    %dma_wait3A_612 = tpu.memref_slice %arg11[%dma_wait3A_610, %dma_wait3A_611] : memref<409600x32xf32, #tpu.memory_space<hbm>> -> memref<512x32xf32, #tpu.memory_space<hbm>>
    %dma_wait3A_613 = arith.constant 0 : i32
    %dma_wait3A_614 = arith.constant 0 : i32
    %dma_wait3A_615 = tpu.memref_slice %arg20[%dma_wait3A_605, %dma_wait3A_613, %dma_wait3A_614] : memref<2x512x32xf32, #tpu.memory_space<vmem>> -> memref<1x512x32xf32, #tpu.memory_space<vmem>>
    %dma_wait3A_616 = tpu.memref_squeeze %dma_wait3A_615 : memref<1x512x32xf32, #tpu.memory_space<vmem>> -> memref<512x32xf32, #tpu.memory_space<vmem>>
    %dma_wait3A_617 = arith.constant 0 : i32
    %dma_wait3A_618 = arith.constant 0 : i32
    %dma_wait3A_619 = tpu.memref_slice %arg11[%dma_wait3A_617, %dma_wait3A_618] : memref<409600x32xf32, #tpu.memory_space<hbm>> -> memref<512x32xf32, #tpu.memory_space<hbm>>
    tpu.wait_dma2 semaphore(%arg26 : memref<!tpu.dma_semaphore, #tpu.memory_space<semaphore_mem>>) src(%dma_wait3A_619 : memref<512x32xf32, #tpu.memory_space<hbm>>) dst(%dma_wait3A_616 : memref<512x32xf32, #tpu.memory_space<vmem>>)
    %dma_wait3A_620 = arith.constant 0 : i32
    %dma_wait3A_621 = arith.constant 0 : i32
    %dma_wait3A_622 = tpu.memref_slice %arg5[%dma_wait3A_620, %dma_wait3A_621] : memref<1000001x32xf32, #tpu.memory_space<hbm>> -> memref<640x32xf32, #tpu.memory_space<hbm>>
    %dma_wait3A_623 = arith.constant 0 : i32
    %dma_wait3A_624 = arith.constant 0 : i32
    %dma_wait3A_625 = tpu.memref_slice %arg5[%dma_wait3A_623, %dma_wait3A_624] : memref<1000001x32xf32, #tpu.memory_space<hbm>> -> memref<640x32xf32, #tpu.memory_space<hbm>>
    tpu.wait_dma2 semaphore(%arg28 : memref<!tpu.dma_semaphore, #tpu.memory_space<semaphore_mem>>) src(%dma_wait3A_625 : memref<640x32xf32, #tpu.memory_space<hbm>>) dst(%arg21 : memref<640x32xf32, #tpu.memory_space<vmem>>)
    %dma_wait3A_626 = arith.constant 0 : i32
    %dma_wait3A_627 = arith.constant 0 : i32
    %dma_wait3A_628 = tpu.memref_slice %arg13[%dma_wait3A_626, %dma_wait3A_627] : memref<20480x32xf32, #tpu.memory_space<hbm>> -> memref<160x32xf32, #tpu.memory_space<hbm>>
    %dma_wait3A_629 = arith.constant 0 : i32
    %dma_wait3A_630 = arith.constant 0 : i32
    %dma_wait3A_631 = tpu.memref_slice %arg13[%dma_wait3A_629, %dma_wait3A_630] : memref<20480x32xf32, #tpu.memory_space<hbm>> -> memref<160x32xf32, #tpu.memory_space<hbm>>
    tpu.wait_dma2 semaphore(%arg29 : memref<!tpu.dma_semaphore, #tpu.memory_space<semaphore_mem>>) src(%arg22 : memref<160x32xf32, #tpu.memory_space<vmem>>) dst(%dma_wait3A_631 : memref<160x32xf32, #tpu.memory_space<hbm>>)
    %dma_wait3A_632 = arith.constant 0 : i32
    %dma_wait3A_633 = arith.constant 0 : i32
    %dma_wait3A_634 = tpu.memref_slice %arg14[%dma_wait3A_632, %dma_wait3A_633] : memref<20480x32xf32, #tpu.memory_space<hbm>> -> memref<160x32xf32, #tpu.memory_space<hbm>>
    %dma_wait3A_635 = arith.constant 0 : i32
    %dma_wait3A_636 = arith.constant 0 : i32
    %dma_wait3A_637 = tpu.memref_slice %arg14[%dma_wait3A_635, %dma_wait3A_636] : memref<20480x32xf32, #tpu.memory_space<hbm>> -> memref<160x32xf32, #tpu.memory_space<hbm>>
    tpu.wait_dma2 semaphore(%arg29 : memref<!tpu.dma_semaphore, #tpu.memory_space<semaphore_mem>>) src(%arg23 : memref<160x32xf32, #tpu.memory_space<vmem>>) dst(%dma_wait3A_637 : memref<160x32xf32, #tpu.memory_space<hbm>>)
    %dma_wait3A_638 = arith.constant 0 : i32
    %dma_wait3A_639 = arith.constant 0 : i32
    %dma_wait3A_640 = tpu.memref_slice %arg13[%dma_wait3A_638, %dma_wait3A_639] : memref<20480x32xf32, #tpu.memory_space<hbm>> -> memref<160x32xf32, #tpu.memory_space<hbm>>
    %dma_wait3A_641 = arith.constant 0 : i32
    %dma_wait3A_642 = arith.constant 0 : i32
    %dma_wait3A_643 = tpu.memref_slice %arg13[%dma_wait3A_641, %dma_wait3A_642] : memref<20480x32xf32, #tpu.memory_space<hbm>> -> memref<160x32xf32, #tpu.memory_space<hbm>>
    tpu.wait_dma2 semaphore(%arg29 : memref<!tpu.dma_semaphore, #tpu.memory_space<semaphore_mem>>) src(%arg22 : memref<160x32xf32, #tpu.memory_space<vmem>>) dst(%dma_wait3A_643 : memref<160x32xf32, #tpu.memory_space<hbm>>)
    %dma_wait3A_644 = arith.constant 0 : i32
    %dma_wait3A_645 = arith.constant 0 : i32
    %dma_wait3A_646 = tpu.memref_slice %arg14[%dma_wait3A_644, %dma_wait3A_645] : memref<20480x32xf32, #tpu.memory_space<hbm>> -> memref<160x32xf32, #tpu.memory_space<hbm>>
    %dma_wait3A_647 = arith.constant 0 : i32
    %dma_wait3A_648 = arith.constant 0 : i32
    %dma_wait3A_649 = tpu.memref_slice %arg14[%dma_wait3A_647, %dma_wait3A_648] : memref<20480x32xf32, #tpu.memory_space<hbm>> -> memref<160x32xf32, #tpu.memory_space<hbm>>
    tpu.wait_dma2 semaphore(%arg29 : memref<!tpu.dma_semaphore, #tpu.memory_space<semaphore_mem>>) src(%arg23 : memref<160x32xf32, #tpu.memory_space<vmem>>) dst(%dma_wait3A_649 : memref<160x32xf32, #tpu.memory_space<hbm>>)
    %dma_wait3A_650 = arith.constant 0 : i32
    %dma_wait3A_651 = arith.constant 0 : i32
    %dma_wait3A_652 = tpu.memref_slice %arg13[%dma_wait3A_650, %dma_wait3A_651] : memref<20480x32xf32, #tpu.memory_space<hbm>> -> memref<160x32xf32, #tpu.memory_space<hbm>>
    %dma_wait3A_653 = arith.constant 0 : i32
    %dma_wait3A_654 = arith.constant 0 : i32
    %dma_wait3A_655 = tpu.memref_slice %arg13[%dma_wait3A_653, %dma_wait3A_654] : memref<20480x32xf32, #tpu.memory_space<hbm>> -> memref<160x32xf32, #tpu.memory_space<hbm>>
    tpu.wait_dma2 semaphore(%arg29 : memref<!tpu.dma_semaphore, #tpu.memory_space<semaphore_mem>>) src(%arg22 : memref<160x32xf32, #tpu.memory_space<vmem>>) dst(%dma_wait3A_655 : memref<160x32xf32, #tpu.memory_space<hbm>>)
    %dma_wait3A_656 = arith.constant 0 : i32
    %dma_wait3A_657 = arith.constant 0 : i32
    %dma_wait3A_658 = tpu.memref_slice %arg14[%dma_wait3A_656, %dma_wait3A_657] : memref<20480x32xf32, #tpu.memory_space<hbm>> -> memref<160x32xf32, #tpu.memory_space<hbm>>
    %dma_wait3A_659 = arith.constant 0 : i32
    %dma_wait3A_660 = arith.constant 0 : i32
    %dma_wait3A_661 = tpu.memref_slice %arg14[%dma_wait3A_659, %dma_wait3A_660] : memref<20480x32xf32, #tpu.memory_space<hbm>> -> memref<160x32xf32, #tpu.memory_space<hbm>>
    tpu.wait_dma2 semaphore(%arg29 : memref<!tpu.dma_semaphore, #tpu.memory_space<semaphore_mem>>) src(%arg23 : memref<160x32xf32, #tpu.memory_space<vmem>>) dst(%dma_wait3A_661 : memref<160x32xf32, #tpu.memory_space<hbm>>)
    %dma_wait3A_662 = arith.constant 0 : i32
    %dma_wait3A_663 = arith.constant 0 : i32
    %dma_wait3A_664 = tpu.memref_slice %arg13[%dma_wait3A_662, %dma_wait3A_663] : memref<20480x32xf32, #tpu.memory_space<hbm>> -> memref<160x32xf32, #tpu.memory_space<hbm>>
    %dma_wait3A_665 = arith.constant 0 : i32
    %dma_wait3A_666 = arith.constant 0 : i32
    %dma_wait3A_667 = tpu.memref_slice %arg13[%dma_wait3A_665, %dma_wait3A_666] : memref<20480x32xf32, #tpu.memory_space<hbm>> -> memref<160x32xf32, #tpu.memory_space<hbm>>
    tpu.wait_dma2 semaphore(%arg29 : memref<!tpu.dma_semaphore, #tpu.memory_space<semaphore_mem>>) src(%arg22 : memref<160x32xf32, #tpu.memory_space<vmem>>) dst(%dma_wait3A_667 : memref<160x32xf32, #tpu.memory_space<hbm>>)
    %dma_wait3A_668 = arith.constant 0 : i32
    %dma_wait3A_669 = arith.constant 0 : i32
    %dma_wait3A_670 = tpu.memref_slice %arg14[%dma_wait3A_668, %dma_wait3A_669] : memref<20480x32xf32, #tpu.memory_space<hbm>> -> memref<160x32xf32, #tpu.memory_space<hbm>>
    %dma_wait3A_671 = arith.constant 0 : i32
    %dma_wait3A_672 = arith.constant 0 : i32
    %dma_wait3A_673 = tpu.memref_slice %arg14[%dma_wait3A_671, %dma_wait3A_672] : memref<20480x32xf32, #tpu.memory_space<hbm>> -> memref<160x32xf32, #tpu.memory_space<hbm>>
    tpu.wait_dma2 semaphore(%arg29 : memref<!tpu.dma_semaphore, #tpu.memory_space<semaphore_mem>>) src(%arg23 : memref<160x32xf32, #tpu.memory_space<vmem>>) dst(%dma_wait3A_673 : memref<160x32xf32, #tpu.memory_space<hbm>>)
    return
  }
}

</mosaic_0001>

<sc_bundles>
// kernel: kernel.3.cloned.1.call-start
scs
__scs_entry_jumppad:
0x0: {  	(pc) =	sbr.rel $0x88, $3  }
0x1: {  	(tag) =	ssettag $0x0;
	lr =	simm.s32 $0x1  }
0x2: {  	[smem:$0x3F99] =	sst lr;
	_ =	strace $0xD0000000  }
0x3: {  	_ = 	snop  }
0x4: {  	_ = 	snop  }
0x5: {  	_ = 	snop  }
0x6: {  	_ = 	snop  }
0x7: {  	_ = 	snop  }
__scs_overlays_trampoline_lowered:
0x8: {  	[smem:$0x3FA8] =	sst s0  }
0x9: {  	[smem:$0x3FA9] =	sst s1  }
0xa: {  	[smem:$0x3FAA] =	sst s2  }
0xb: {  	[smem:$0x3FAB] =	sst s3  }
0xc: {  	[smem:$0x3FAC] =	sst s4  }
0xd: {  	[smem:$0x3FAD] =	sst s5  }
0xe: {  	[smem:$0x3FAE] =	sst s6  }
0xf: {  	[smem:$0x3FAF] =	sst s7  }
0x10: {  	[smem:$0x3FB0] =	sst s8  }
0x11: {  	[smem:$0x3FB1] =	sst s9;
	s0 =	simm.s32 @!p0 $0x0  }
0x12: {  	s1 =	sld [smem:$0x3F97];
	s0 =	simm.s32 @p0 $0x1  }
0x13: {  	[smem:$0x3FB2] =	sst s0;
	s0 =	simm.s32 @!p1 $0x0  }
0x14: {  	s2 =	sld [smem:$0x3F96];
	s0 =	simm.s32 @p1 $0x1  }
0x15: {  	[smem:$0x3FB3] =	sst s0;
	s0 =	simm.s32 @!p2 $0x0  }
0x16: {  	s3 =	sld [smem:$0x3FDB];
	s0 =	simm.s32 @p2 $0x1  }
0x17: {  	s4 =	simm.s32 $0x1BF5;
	[smem:$0x3FB5] =	sst s0  }
0x18: {  	s0 =	sld [smem:$0x3F98];
	_ =	swait.ge [sflag:s4], $0x0  }
0x19: {  	s7 =	sld [smem:$0x3F99]  }
0x1a: {  	s8 =	sadd.s32 $0xFFFFE003, lr  }
0x1b: {  	s9 =	sadd.s32 $0xFFFFFEF7, lr;
	s5 =	simm.s32 $0xFFFFFFFF;
	p2 =	slt.u32 s8, $0xFFFFF086  }
0x1c: {  	p1 =	slt.u32 s9, $0xF7A;
	s5 =	simm.s32 @!p2 $0x0  }
0x1d: {  	s5 =	simm.s32 @p1 $0x1;
	p0 =	seq.s32 s7, s2  }
0x1e: {  	s7 =	smul.u32 @!p0 $0xF7A, s2;
	p2 =	seq.s32 @!p0 s5, $0x0  }
0x1f: {  	s9 =	smul.u32 $0xF7A, s1;
	s8 =	simm.s32 @!p0 $0x1BF5;
	p2 =	por !p2, p0  }
0x20: {  	[sflag:s8] =	ssyncset.s32 @!p0 $0xFFFFF086;
	s6 =	sadd.s32 @!p0 s3, s7;
	s7 =	simm.s32 @!p0 $0x108  }
0x21: {  	s3 =	sadd.s32 s3, s9;
	s6 =	sadd.s32 @!p0 $0x88, s6;
	s7 =	simm.s32 @p2 $0x1082  }
0x22: {  	[simem:s7], [sflag:s8] =	dma.local @!p0 [hbm:s6], $0xF7A  }
0x23: {  	s9 =	sor.u32 $0xD0000000, s2;
	s6 =	simm.s32 $0x108;
	_ =	swait.ge @!p0 [sflag:s8], $0x0  }
0x24: {  	s3 =	sadd.s32 $0x88, s3;
	s6 =	simm.s32 @!p1 $0x1082;
	[sflag:s4] =	ssyncset.s32 $0xFFFFF086  }
0x25: {  	[simem:s6], [sflag:s4] =	dma.local [hbm:s3], $0xF7A  }
0x26: {  	[smem:$0x3F99] =	sst s1;
	(tag) =	ssettag s2;
	_ =	strace s9  }
0x27: {  	s1 =	sld [smem:$0x3FA9]  }
0x28: {  	s2 =	sld [smem:$0x3FAA]  }
0x29: {  	s4 =	sld [smem:$0x3FAC]  }
0x2a: {  	p0 =	seq.s32 s5, $0x0;
	s5 =	sld [smem:$0x3FAD]  }
0x2b: {  	s6 =	sld [smem:$0x3FAE]  }
0x2c: {  	s7 =	sld [smem:$0x3FAF]  }
0x2d: {  	s3 =	simm.s32 $0x108;
	s8 =	sld [smem:$0x3FB0]  }
0x2e: {  	s3 =	simm.s32 @!p0 $0x1082;
	s9 =	sld [smem:$0x3FB1]  }
0x2f: {  	lr =	sadd.s32 s0, s3;
	s0 =	sld [smem:$0x3FA8]  }
0x30: {  	s3 =	sld [smem:$0x3FAB]  }
0x31: {  	[smem:$0x3FB4] =	sst s10  }
0x32: {  	s10 =	sld [smem:$0x3FB2];
	_ =	sdelay $0x3  }
0x33: {  	p0 =	seq.s32 s10, $0x1;
	s10 =	sld [smem:$0x3FB4];
	_ =	sdelay $0x3  }
0x34: {  	[smem:$0x3FB4] =	sst s10  }
0x35: {  	s10 =	sld [smem:$0x3FB3];
	_ =	sdelay $0x3  }
0x36: {  	p1 =	seq.s32 s10, $0x1;
	s10 =	sld [smem:$0x3FB4];
	_ =	sdelay $0x3  }
0x37: {  	[smem:$0x3FB4] =	sst s10  }
0x38: {  	s10 =	sld [smem:$0x3FB5]  }
0x39: {  	_ = 	snop;
	(pc) =	sbr.ind lr, $3  }
0x3a: {  	_ = 	snop  }
0x3b: {  	_ = 	snop  }
0x3c: {  	p2 =	seq.s32 s10, $0x1;
	s10 =	sld [smem:$0x3FB4]  }
0x3d: {  	_ =	shalt  }
0x3e: {  	_ =	shalt  }
0x3f: {  	_ =	shalt  }
0x40: {  	_ =	shalt  }
0x41: {  	_ =	shalt  }
0x42: {  	_ =	shalt  }
0x43: {  	_ =	shalt  }
0x44: {  	_ =	shalt  }
0x45: {  	_ =	shalt  }
0x46: {  	_ =	shalt  }
0x47: {  	_ =	shalt  }
0x48: {  	_ =	shalt  }
0x49: {  	_ =	shalt  }
0x4a: {  	_ =	shalt  }
0x4b: {  	_ =	shalt  }
0x4c: {  	_ =	shalt  }
0x4d: {  	_ =	shalt  }
0x4e: {  	_ =	shalt  }
0x4f: {  	_ =	shalt  }
0x50: {  	_ =	shalt  }
0x51: {  	_ =	shalt  }
0x52: {  	_ =	shalt  }
0x53: {  	_ =	shalt  }
0x54: {  	_ =	shalt  }
0x55: {  	_ =	shalt  }
0x56: {  	_ =	shalt  }
0x57: {  	_ =	shalt  }
0x58: {  	_ =	shalt  }
0x59: {  	_ =	shalt  }
0x5a: {  	_ =	shalt  }
0x5b: {  	_ =	shalt  }
0x5c: {  	_ =	shalt  }
0x5d: {  	_ =	shalt  }
0x5e: {  	_ =	shalt  }
0x5f: {  	_ =	shalt  }
0x60: {  	_ =	shalt  }
0x61: {  	_ =	shalt  }
0x62: {  	_ =	shalt  }
0x63: {  	_ =	shalt  }
0x64: {  	_ =	shalt  }
0x65: {  	_ =	shalt  }
0x66: {  	_ =	shalt  }
0x67: {  	_ =	shalt  }
0x68: {  	_ =	shalt  }
0x69: {  	_ =	shalt  }
0x6a: {  	_ =	shalt  }
0x6b: {  	_ =	shalt  }
0x6c: {  	_ =	shalt  }
0x6d: {  	_ =	shalt  }
0x6e: {  	_ =	shalt  }
0x6f: {  	_ =	shalt  }
0x70: {  	_ =	shalt  }
0x71: {  	_ =	shalt  }
0x72: {  	_ =	shalt  }
0x73: {  	_ =	shalt  }
0x74: {  	_ =	shalt  }
0x75: {  	_ =	shalt  }
0x76: {  	_ =	shalt  }
0x77: {  	_ =	shalt  }
0x78: {  	_ =	shalt  }
0x79: {  	_ =	shalt  }
0x7a: {  	_ =	shalt  }
0x7b: {  	_ =	shalt  }
0x7c: {  	_ =	shalt  }
0x7d: {  	_ =	shalt  }
0x7e: {  	_ =	shalt  }
0x7f: {  	_ =	shalt  }
0x80: {  	_ =	shalt  }
0x81: {  	_ =	shalt  }
0x82: {  	_ =	shalt  }
0x83: {  	_ =	shalt  }
0x84: {  	_ =	shalt  }
0x85: {  	_ =	shalt  }
0x86: {  	_ =	shalt  }
0x87: {  	_ =	shalt  }
.Lfunc_end0:
.L_simem_size_0:
called_computation.2_lowered:
.L_overlay_start_0:
0x88: {  	s2 =	sld [smem:$0x3FD9]  }
0x89: {  	s3 =	sld [smem:$0x3FFE];
	_ =	sdelay $0x1  }
0x8a: {  	s1 =	srdreg.scid  }
0x8b: {  	s0 =	sand.u32 $0x1, s1  }
0x8c: {  	s14 =	sshll.u32 s0, $0xA;
	s2 =	sadd.s32 s3, s2  }
0x8d: {  	s2 =	sadd.s32 s2, s14  }
0x8e: {  	[smem:$0x3FC0] =	sst s2  }
0x8f: {  	_ = 	snop  }
0x90: {  	s2 =	sld [smem:$0x3FD0];
	_ =	sdelay $0x2  }
0x91: {  	s15 =	simm.s32 $0xB;
	s4 =	simm.s32 $0x10  }
0x92: {  	[smem:s4], [sflag:s15] =	dma.local [hbm:s2], $0x1  }
0x93: {  	_ =	swait.eq [sflag:s15], $0x1  }
0x94: {  	s16 =	sld [smem:$0x10]  }
0x95: {  	s17 =	sld [smem:$0x11]  }
0x96: {  	s5 =	sld [smem:$0x12];
	[sflag:s15] =	ssyncset.done $0x0  }
0x97: {  	s6 =	sld [smem:$0x13];
	[sflag:s15] =	ssyncadd.s32 $0xFFFFFFFF  }
0x98: {  	s18 =	sld [smem:$0x14];
	(tm) =	ssettm $0x1  }
0x99: {  	s7 =	sld [smem:$0x3FFB];
	_ =	sdelay $0x3  }
0x9a: {  	_ =	strace s7  }
0x9b: {  	s7 =	sld [smem:$0x3FFC];
	_ =	sdelay $0x3  }
0x9c: {  	_ =	strace s7  }
0x9d: {  	s7 =	sld [smem:$0x3FFD];
	_ =	sdelay $0x3  }
0x9e: {  	_ =	strace s7  }
0x9f: {  	_ =	strace $0x8FFFFFFF  }
0xa0: {  	s19 =	sld [smem:$0x3FDB];
	_ =	sdelay $0x1  }
0xa1: {  	s8 =	simm.s32 $_scs_section_size  }
0xa2: {  	s9 =	simm.s32 $_size__tile_overlayer_lowered;
	s10 =	simm.s32 $_tile_overlayer_lowered  }
0xa3: {  	s22 =	simm.s32 $0x1BFF;
	s21 =	sshll.u32 s10, $0x1;
	s7 =	sadd.s32 s8, s19  }
0xa4: {  	s11 =	simm.s32 $0x0;
	s20 =	sshll.u32 s9, $0x1;
	s9 =	sadd.s32 s21, s7  }
0xa5: {  	[timem:s11], [sflag:s22] =	dma.local [hbm:s9], s20  }
0xa6: {  	_ =	swait.ge [sflag:s22], s20  }
0xa7: {  	s8 =	ssub.s32 $0x0, s20;
	[sflag:s22] =	ssyncset.done $0x0  }
0xa8: {  	[sflag:s22] =	ssyncadd.s32 s8;
	_ =	sdelay $0x1  }
0xa9: {  	s23 =	simm.s32 $0x1B8B  }
0xaa: {  	_ =	swait.ge [sflag:s23], $0x1  }
0xab: {  	[sflag:s23] =	ssyncset.done $0x0  }
0xac: {  	s25 =	simm.s32 $0x1B8E;
	s24 =	sld [smem:$0x3FFE];
	[sflag:s23] =	ssyncadd.s32 $0xFFFFFFFF  }
0xad: {  	s26 =	simm.s32 $execute0_lowered;
	[smem:$0x3FD2] =	sst s25  }
0xae: {  	s9 =	sshll.u32 s26, $0x1;
	_ =	strace $0x80000046;
	[dreg:$0x1] =	wrdreg $0xFFFFFFFF  }
0xaf: {  	s28 =	simm.s32 $_size_execute0_lowered;
	s7 =	sadd.s32 s7, s9;
	[dreg:$0x0] =	wrdreg $0x0  }
0xb0: {  	s9 =	sshll.u32 s28, $0x1;
	[dreg:$0x2] =	wrdreg s7  }
0xb1: {  	[dreg:$0x3] =	wrdreg s9  }
0xb2: {  	[dreg:$0x4] =	wrdreg $0xC0  }
0xb3: {  	_ =	task [dreg:s11], $0x5FFFF  }
0xb4: {  	[dreg:$0x1] =	wrdreg $0xFFFFFFFF  }
0xb5: {  	[dreg:$0x0] =	wrdreg $0x60  }
0xb6: {  	[dreg:$0x2] =	wrdreg s24  }
0xb7: {  	[dreg:$0x3] =	wrdreg s16  }
0xb8: {  	[dreg:$0x4] =	wrdreg s18  }
0xb9: {  	[dreg:$0x5] =	wrdreg s17  }
0xba: {  	[dreg:$0x6] =	wrdreg s5  }
0xbb: {  	[dreg:$0x7] =	wrdreg s6  }
0xbc: {  	[dreg:$0x8] =	wrdreg $0x9  }
0xbd: {  	_ =	task.clear_ibuf [dreg:s11], $0x9FFFF;
	_ =	strace $0x90000046  }
0xbe: {  	s29 =	simm.s32 $0x9;
	_ =	strace $0x80000048  }
0xbf: {  	_ =	swait.ge [sflag:s29], $0x1  }
0xc0: {  	[sflag:s29] =	ssyncadd.s32 $0xFFFFFFFF  }
0xc1: {  	_ =	strace $0x90000048  }
0xc2: {  	_ =	sfence  }
0xc3: {  	s30 =	sld [smem:$0x0];
	_ =	sdelay $0x2  }
0xc4: {  	s31 =	sshll.u32 s1, $0xD;
	s1 =	sshrl.u32 s1, $0x2  }
0xc5: {  	s3 =	sand.u32 $0x4000, s31;
	s1 =	sadd.s32 s1, s30  }
0xc6: {  	s0 =	sor.u32 s3, s0;
	s1 =	sshll.u32 s1, $0x11  }
0xc7: {  	s0 =	sor.u32 s1, s0  }
0xc8: {  	s0 =	sadd.s32 $0x8F2B, s0  }
0xc9: {  	[sflag:s0] =	ssyncadd.remote.s32 $0x1  }
0xca: {  	_ =	sfence.sel $0xFFFF  }
0xcb: {  	[dreg:$0x0] =	wrdreg $0xFFFFFFFF;
	(pc) =	sbr.abs _section_cstart, $3  }
0xcc: {  	[dreg:$0x1] =	wrdreg $0xFFFFFFFF  }
0xcd: {  	_ =	task.clear_ibuf [dreg:s11], $0x2FFFF;
	_ =	strace $0x9FFFFFFF  }
0xce: {  	(tm) =	ssettm $0x7FFFFFFF  }
0xcf: {  	_ =	shalt  }
tec
execute0_lowered:
.L_overlay_start_1:
0x0: {  	(tag) =	ssettag $0x1  }
0x1: {  	s8 =	rddreg [dreg:$0x0]  }
0x2: {  	s9 =	rddreg [dreg:$0x1]  }
0x3: {  	s0 =	rddreg [dreg:$0x2]  }
0x4: {  	s10 =	rddreg [dreg:$0x3]  }
0x5: {  	s1 =	rddreg [dreg:$0x4];
	s2 =	srdreg.scid  }
0x6: {  	s19 =	stileid.u32;
	s11 =	rddreg [dreg:$0x5];
	s28 =	simm.s32 $0x300  }
0x7: {  	s30 =	simm.s32 $0x18A00;
	s29 =	simm.s32 $0x80;
	s31 =	simm.s32 $0x6  }
0x8: {  	s12 =	sand.u32 $0x1, s2;
	s3 =	sshll.u32 s19, $0x1;
	s19 =	smul.u32 $0xC8000, s19  }
0x9: {  	s2 =	simm.s32 $0x0;
	s13 =	sor.u32 s12, s3;
	s23 =	smul.u32 $0x64000, s12  }
0xa: {  	s4 =	sadd.s32 $0x4600, s8;
	s5 =	sadd.s32 $0x4400, s8;
	s3 =	smul.u32 $0x50, s13  }
0xb: {  	s6 =	sadd.s32 $0x3E00, s8;
	s7 =	sadd.s32 $0x3800, s8;
	s15 =	smul.u32 $0x60, s13  }
0xc: {  	[smem:$0x7FF] =	sst s2;
	s16 =	ssub.s32 $0x2, s12;
	s17 =	smul.u32 $0x5000, s13  }
0xd: {  	_ =	strace $0x80000047;
	s18 =	sshrl.u32 s16, $0x1;
	s12 =	smul.u32 $0xA00, s13  }
0xe: {  	s16 =	ssub.s32 s16, s18;
	s14 =	sadd.s32 s3, s8;
	s9 =	sadd.s32 s9, s15  }
0xf: {  	s3 =	sadd.s32 $0xF44A00, s8;
	s26 =	sadd.s32 s11, s12;
	[dreg:$0x11] =	wrdreg s9  }
0x10: {  	s8 =	sadd.s32 $0x4800, s8;
	s0 =	sadd.s32 s0, s12;
	[dreg:$0x14] =	wrdreg s26  }
0x11: {  	s15 =	sshrl.u32 s17, $0x3;
	s24 =	sadd.s32 $0x2E00, s14;
	[dreg:$0x1e] =	wrdreg s0  }
0x12: {  	s14 =	sadd.s32 $0x2400, s14;
	s25 =	sadd.s32 $0x280, s15;
	[dreg:$0x12] =	wrdreg s24  }
0x13: {  	s9 =	sadd.s32 s23, s19;
	[dreg:$0x13] =	wrdreg s14;
	s18 =	sadd.s32 s11, s25  }
0x14: {  	s22 =	sadd.s32 $0x500, s15;
	s14 =	sadd.s32 s8, s25;
	[dreg:$0x15] =	wrdreg s18  }
0x15: {  	s0 =	simm.s32 $0x5;
	s24 =	sadd.s32 s11, s22;
	[dreg:$0x16] =	wrdreg s14  }
0x16: {  	s19 =	sshrl.u32 s9, $0x3;
	s26 =	sadd.s32 s8, s22;
	[dreg:$0x17] =	wrdreg s24  }
0x17: {  	s9 =	sadd.s32 $0x4000, s9;
	s22 =	simm.s32 $0x9A00;
	[dreg:$0x18] =	wrdreg s26  }
0x18: {  	s25 =	sadd.s32 $0x780, s15;
	s20 =	sadd.s32 s19, s1;
	[dreg:$0xd] =	wrdreg s22  }
0x19: {  	s15 =	smul.u32 $0x64000, s13;
	s21 =	sadd.s32 s19, s10;
	[dreg:$0x7] =	wrdreg s20  }
0x1a: {  	s9 =	sshrl.u32 s9, $0x3;
	s11 =	sadd.s32 s11, s25;
	[dreg:$0x8] =	wrdreg s21  }
0x1b: {  	s17 =	sadd.s32 s8, s25;
	s8 =	sadd.s32 s8, s12;
	[dreg:$0x19] =	wrdreg s11  }
0x1c: {  	s24 =	simm.s32 $0xAA00;
	s25 =	smax.u32 s16, $0x1;
	[dreg:$0x1a] =	wrdreg s17  }
0x1d: {  	s26 =	simm.s32 $0x12A00;
	s12 =	simm.s32 $0xCA00;
	[dreg:$0x1b] =	wrdreg s8  }
0x1e: {  	s14 =	simm.s32 $0x5A00;
	s22 =	simm.s32 $0x3;
	[dreg:$0x1f] =	wrdreg s25  }
0x1f: {  	s23 =	sadd.s32 s9, s1;
	s18 =	sadd.s32 s9, s10;
	[dreg:$0xf] =	wrdreg s24  }
0x20: {  	s19 =	sshrl.u32 s15, $0x3;
	s20 =	simm.s32 $0x8A00;
	[dreg:$0x10] =	wrdreg s26  }
0x21: {  	s21 =	simm.s32 $0x10A00;
	s25 =	simm.s32 $0x580;
	[dreg:$0x9] =	wrdreg s23  }
0x22: {  	s8 =	simm.s32 $0x3A00;
	s11 =	simm.s32 $0x4A00;
	[dreg:$0xa] =	wrdreg s18  }
0x23: {  	s15 =	simm.s32 $0xDA00;
	s17 =	simm.s32 $0x6A00;
	[dreg:$0xb] =	wrdreg s20  }
0x24: {  	s24 =	simm.s32 $0xFA00;
	s9 =	sadd.s32 $0xC000, s19;
	[dreg:$0xc] =	wrdreg s21  }
0x25: {  	s23 =	simm.s32 $0x11A00;
	s18 =	simm.s32 $0xEA00;
	s19 =	simm.s32 $0x1  }
0x26: {  	s20 =	simm.s32 $0x7A00;
	s10 =	sadd.s32 s10, s9;
	[dreg:$0xe] =	wrdreg s23  }
0x27: {  	s21 =	simm.s32 $0x2;
	s1 =	sadd.s32 s1, s9;
	[dreg:$0x1c] =	wrdreg s10  }
0x28: {  	v0 =	vlaneseq.u32;
	s9 =	simm.s32 $0xBA00;
	[dreg:$0x1d] =	wrdreg s1;
	s1 =	simm.s32 $0x0  }
.LBB2_1:
0x29: {  	s10 =	rddreg [dreg:$0x11];
	s26 =	simm.s32 $0x7  }
0x2a: {  	[tilespmem:s2], [sflag:$0x7] =	stream.linear.gather [hbm4b:s10+s2], $0x300, $0x38;
	[tilespmem:$0x1B200] =	vst v63  }
0x2b: {  	_ =	swait.ge [sflag:s26], $0x300  }
0x2c: {  	[sflag:s26] =	ssyncset.done $0x0  }
0x2d: {  	s13 =	rddreg [dreg:$0x12];
	[sflag:s26] =	ssyncadd.s32 $0xFFFFFD00  }
0x2e: {  	[tilespmem:s28], [sflag:$0x5] =	stream.linear.gather [hbm4b:s13+s2], $0x280, $0x38;
	[tilespmem:$0x1B200] =	vst v63  }
0x2f: {  	s16 =	rddreg [dreg:$0x13]  }
0x30: {  	[tilespmem:s25], [sflag:$0x5] =	stream.linear.gather [hbm4b:s16+s2], $0x280, $0x38;
	[tilespmem:$0x1B200] =	vst v63  }
0x31: {  	_ = 	snop  }
0x32: {  	[tilespmem:s30], [sflag:$0x6] =	stream.linear.gather [hbm4b:s4+s2], $0x280, $0x38;
	[tilespmem:$0x1B200] =	vst v63  }
0x33: {  	s23 =	simm.s32 $0x19E00  }
0x34: {  	[tilespmem:s23], [sflag:$0x6] =	stream.linear.gather [hbm4b:s5+s2], $0x280, $0x38;
	[tilespmem:$0x1B200] =	vst v63  }
0x35: {  	s26 =	simm.s32 $0x18C80  }
0x36: {  	[tilespmem:s26], [sflag:$0x6] =	stream.linear.gather [hbm4b:s4+s2], $0x280, $0x38;
	[tilespmem:$0x1B200] =	vst v63  }
0x37: {  	s13 =	simm.s32 $0x1A080  }
0x38: {  	[tilespmem:s13], [sflag:$0x6] =	stream.linear.gather [hbm4b:s5+s2], $0x280, $0x38;
	[tilespmem:$0x1B200] =	vst v63  }
0x39: {  	s16 =	simm.s32 $0x18F00  }
0x3a: {  	[tilespmem:s16], [sflag:$0x6] =	stream.linear.gather [hbm4b:s4+s2], $0x280, $0x38;
	[tilespmem:$0x1B200] =	vst v63  }
0x3b: {  	s23 =	simm.s32 $0x1A300  }
0x3c: {  	[tilespmem:s23], [sflag:$0x6] =	stream.linear.gather [hbm4b:s5+s2], $0x280, $0x38;
	[tilespmem:$0x1B200] =	vst v63  }
0x3d: {  	v1 =	vor.u32 s2, v0;
	s26 =	simm.s32 $0x19180  }
0x3e: {  	v2 =	vmul.u32 $0x147B, v1;
	[tilespmem:s26], [sflag:$0x6] =	stream.linear.gather [hbm4b:s4+s2], $0x280, $0x38;
	[tilespmem:$0x1B200] =	vst v63  }
0x3f: {  	s13 =	simm.s32 $0x1A580  }
0x40: {  	v2 =	vshrl.u32 v2, $0x15;
	[tilespmem:s13], [sflag:$0x6] =	stream.linear.gather [hbm4b:s5+s2], $0x280, $0x38;
	[tilespmem:$0x1B200] =	vst v63  }
0x41: {  	v3 =	vmul.u32 $0xFFFFFE70, v2;
	s16 =	simm.s32 $0x19400  }
0x42: {  	[tilespmem:s16], [sflag:$0x6] =	stream.linear.gather [hbm4b:s4+s2], $0x280, $0x38;
	[tilespmem:$0x1B200] =	vst v63  }
0x43: {  	v1 =	vadd.s32 v1, v3;
	s23 =	simm.s32 $0x1A800  }
0x44: {  	v3 =	vmul.u32 $0xCCD, v1;
	[tilespmem:s23], [sflag:$0x6] =	stream.linear.gather [hbm4b:s5+s2], $0x280, $0x38;
	[tilespmem:$0x1B200] =	vst v63  }
0x45: {  	s26 =	simm.s32 $0x19680  }
0x46: {  	v3 =	vshra.s32 v3, $0x10;
	[tilespmem:s26], [sflag:$0x6] =	stream.linear.gather [hbm4b:s4+s2], $0x280, $0x38;
	[tilespmem:$0x1B200] =	vst v63  }
0x47: {  	s10 =	simm.s32 $0x10;
	v4 =	vmul.u32 $0xFFFFFFEC, v3;
	s13 =	simm.s32 $0x1AA80  }
0x48: {  	[tilespmem:s13], [sflag:$0x6] =	stream.linear.gather [hbm4b:s5+s2], $0x280, $0x38;
	[tilespmem:$0x1B200] =	vst v63  }
0x49: {  	v5 =	vor.u32 s10, v0;
	v2 =	vmul.u32 $0x18, v2;
	v1 =	vadd.s32 v1, v4;
	s13 =	simm.s32 $0x19900  }
0x4a: {  	v6 =	vand.u32 $0xFFFFFFF8, v3;
	v4 =	vmul.u32 $0x147B, v5;
	v7 =	vand.u32 $0xFFFFFFF8, v1;
	[tilespmem:s13], [sflag:$0x6] =	stream.linear.gather [hbm4b:s4+s2], $0x280, $0x38;
	[tilespmem:$0x1B200] =	vst v63  }
0x4b: {  	v3 =	vand.u32 $0x7, v3;
	v1 =	vand.u32 $0x7, v1;
	v7 =	vadd.s32 v2, v7;
	s16 =	simm.s32 $0x1AD00  }
0x4c: {  	v2 =	vadd.s32 v2, v6;
	v4 =	vshrl.u32 v4, $0x15;
	v1 =	vor.u32 v1, v7;
	[tilespmem:s16], [sflag:$0x6] =	stream.linear.gather [hbm4b:s5+s2], $0x280, $0x38;
	[tilespmem:$0x1B200] =	vst v63  }
0x4d: {  	v2 =	vor.u32 v3, v2;
	v3 =	vmul.u32 $0xFFFFFE70, v4;
	s23 =	simm.s32 $0x19B80  }
0x4e: {  	[tilespmem:s23], [sflag:$0x6] =	stream.linear.gather [hbm4b:s4+s2], $0x280, $0x38;
	[tilespmem:$0x1B200] =	vst v63  }
0x4f: {  	v3 =	vadd.s32 v5, v3;
	s26 =	simm.s32 $0x1AF80  }
0x50: {  	v5 =	vmul.u32 $0xCCD, v3;
	[tilespmem:s26], [sflag:$0x6] =	stream.linear.gather [hbm4b:s5+s2], $0x280, $0x38;
	[tilespmem:$0x1B200] =	vst v63  }
0x51: {  	v6 =	vld.idx.msk [tilespmem:v1+s2+$0x0], $0xffff  }
0x52: {  	v7 =	vshra.s32 v5, $0x10;
	v9 =	vld.idx.msk [tilespmem:v2+s2+$0x0], $0xffff  }
0x53: {  	v5 =	vmul.u32 $0xFFFFFFEC, v7  }
0x54: {  	v4 =	vmul.u32 $0x18, v4  }
0x55: {  	v8 =	vadd.s32 v3, v5;
	v5 =	vand.u32 $0xFFFFFFF8, v7;
	v3 =	vand.u32 $0x7, v7;
	s13 =	simm.s32 $0x20  }
0x56: {  	v10 =	vand.u32 $0xFFFFFFF8, v8;
	v7 =	vand.u32 $0x7, v8;
	v1 =	vor.u32 s13, v0  }
0x57: {  	v8 =	vadd.s32 v4, v10;
	s16 =	simm.s32 $0x0;
	s23 =	simm.s32 $0x30;
	v2 =	vmul.u32 $0x147B, v1;
	v6 =	vsub.s32 v9, v6  }
.LBB2_2:
0x58: {  	p0 =	sne.s32 s23, $0x31F0;
	v4 =	vadd.s32 v4, v5;
	v5 =	vor.u32 v7, v8;
	v7 =	vsub.s32 $0x0, v6  }
0x59: {  	v8 =	vshrl.u32 v2, $0x15;
	v2 =	vor.u32 v3, v4;
	v3 =	vmin.u32 v6, v7  }
0x5a: {  	v4 =	vmul.u32 $0xFFFFFE70, v8;
	vm0 =	vlt.s32 v3, $0x100  }
0x5b: {  	s26 =	sand.u32 $0x3FF0, s16;
	s16 =	smov.u32 s10;
	s10 =	smov.u32 s13;
	v3 =	vnsel vm0, $0x100, v3  }
0x5c: {  	s13 =	smov.u32 s23;
	v4 =	vadd.s32 v1, v4;
	[tilespmem:s26+$0x800] =	vst v3  }
0x5d: {  	v1 =	vmul.u32 $0xCCD, v4;
	v6 =	vld.idx.msk [tilespmem:v5+s2+$0x0], $0xffff  }
0x5e: {  	v9 =	vld.idx.msk [tilespmem:v2+s2+$0x0], $0xffff  }
0x5f: {  	v3 =	vshra.s32 v1, $0x10  }
.Ltmp0:
0x60: {  	v5 =	vmul.u32 $0xFFFFFFEC, v3;
	(pc) =	sbr.rel @p0 .LBB2_2-.Ltmp0, $4  }
0x61: {  	v1 =	vor.u32 s23, v0  }
0x62: {  	v2 =	vmul.u32 $0x147B, v1;
	v7 =	vadd.s32 v4, v5;
	v4 =	vmul.u32 $0x18, v8  }
0x63: {  	v5 =	vand.u32 $0xFFFFFFF8, v3;
	v3 =	vand.u32 $0x7, v3;
	v8 =	vand.u32 $0xFFFFFFF8, v7  }
0x64: {  	s23 =	sadd.s32 $0x10, s23;
	v7 =	vand.u32 $0x7, v7;
	v8 =	vadd.s32 v4, v8;
	v6 =	vsub.s32 v9, v6  }
0x65: {  	v4 =	vadd.s32 v4, v5  }
0x66: {  	v56 =	vor.u32 v7, v8;
	v57 =	vsub.s32 $0x0, v6;
	v2 =	vshrl.u32 v2, $0x15  }
0x67: {  	v3 =	vor.u32 v3, v4;
	v58 =	vmin.u32 v6, v57;
	v59 =	vmul.u32 $0xFFFFFE70, v2  }
0x68: {  	vm0 =	vlt.s32 v58, $0x100  }
0x69: {  	s16 =	sand.u32 $0x3FF0, s16;
	v4 =	vnsel vm0, $0x100, v58;
	v1 =	vadd.s32 v1, v59  }
0x6a: {  	[tilespmem:s16+$0x800] =	vst v4;
	v60 =	vmul.u32 $0xCCD, v1  }
0x6b: {  	v5 =	vld.idx.msk [tilespmem:v56+s2+$0x0], $0xffff  }
0x6c: {  	v3 =	vld.idx.msk [tilespmem:v3+s2+$0x0], $0xffff;
	v4 =	vshra.s32 v60, $0x10  }
0x6d: {  	v61 =	vmul.u32 $0xFFFFFFEC, v4;
	_ =	sdelay $0x1  }
0x6e: {  	v2 =	vmul.u32 $0x18, v2;
	v1 =	vadd.s32 v1, v61  }
0x6f: {  	v62 =	vand.u32 $0xFFFFFFF8, v4;
	v4 =	vand.u32 $0x7, v4;
	v63 =	vand.u32 $0xFFFFFFF8, v1  }
0x70: {  	v1 =	vand.u32 $0x7, v1;
	v7 =	vadd.s32 v2, v63;
	v3 =	vsub.s32 v3, v5  }
0x71: {  	v2 =	vadd.s32 v2, v62;
	v1 =	vor.u32 v1, v7;
	v5 =	vsub.s32 $0x0, v3  }
0x72: {  	v2 =	vor.u32 v4, v2;
	v3 =	vmin.u32 v3, v5  }
0x73: {  	vm14 =	vlt.s32 v3, $0x100  }
0x74: {  	s10 =	sand.u32 $0x3FF0, s10;
	v3 =	vnsel vm14, $0x100, v3  }
0x75: {  	[tilespmem:s10+$0x800] =	vst v3  }
0x76: {  	v1 =	vld.idx.msk [tilespmem:v1+s2+$0x0], $0xffff  }
0x77: {  	v2 =	vld.idx.msk [tilespmem:v2+s2+$0x0], $0xffff;
	_ =	sdelay $0x4  }
0x78: {  	v1 =	vsub.s32 v2, v1  }
0x79: {  	v2 =	vsub.s32 $0x0, v1  }
0x7a: {  	v1 =	vmin.u32 v1, v2  }
0x7b: {  	vm15 =	vlt.s32 v1, $0x100  }
0x7c: {  	s16 =	sand.u32 $0x3FF0, s13;
	v1 =	vnsel vm15, $0x100, v1  }
0x7d: {  	[tilespmem:s16+$0x800] =	vst v1  }
0x7e: {  	_ =	swait.ge [sflag:s0], $0x280  }
0x7f: {  	[sflag:s0] =	ssyncset.done $0x0  }
0x80: {  	[sflag:s0] =	ssyncadd.s32 $0xFFFFFD80  }
0x81: {  	_ =	swait.ge [sflag:s0], $0x280  }
0x82: {  	[sflag:s0] =	ssyncset.done $0x0  }
0x83: {  	s23 =	simm.s32 $0x13A00;
	[sflag:s0] =	ssyncadd.s32 $0xFFFFFD80  }
0x84: {  	[tilespmem:s23], [sflag:$0x5] =	stream.indirect.gather [hbm4b:s3+s29], $0x20, s28, s29, $0xb8;
	[tilespmem:$0x1B200] =	vst v63  }
0x85: {  	s26 =	simm.s32 $0x380;
	s28 =	simm.s32 $0x14A00  }
0x86: {  	[tilespmem:s28], [sflag:$0x5] =	stream.indirect.gather [hbm4b:s3+s29], $0x20, s26, s29, $0xb8;
	[tilespmem:$0x1B200] =	vst v63  }
0x87: {  	s16 =	simm.s32 $0x400;
	s23 =	simm.s32 $0x15A00  }
0x88: {  	[tilespmem:s23], [sflag:$0x5] =	stream.indirect.gather [hbm4b:s3+s29], $0x20, s16, s29, $0xb8;
	[tilespmem:$0x1B200] =	vst v63  }
0x89: {  	s26 =	simm.s32 $0x480;
	s28 =	simm.s32 $0x16A00  }
0x8a: {  	[tilespmem:s28], [sflag:$0x5] =	stream.indirect.gather [hbm4b:s3+s29], $0x20, s26, s29, $0xb8;
	[tilespmem:$0x1B200] =	vst v63  }
0x8b: {  	s13 =	simm.s32 $0x500;
	s16 =	simm.s32 $0x17A00  }
0x8c: {  	[tilespmem:s16], [sflag:$0x5] =	stream.indirect.gather [hbm4b:s3+s29], $0x20, s13, s29, $0xb8;
	[tilespmem:$0x1B200] =	vst v63  }
0x8d: {  	_ =	swait.ge [sflag:s31], $0x280  }
0x8e: {  	[sflag:s31] =	ssyncset.done $0x0  }
0x8f: {  	[sflag:s31] =	ssyncadd.s32 $0xFFFFFD80  }
0x90: {  	_ =	swait.ge [sflag:s31], $0x280  }
0x91: {  	[sflag:s31] =	ssyncset.done $0x0  }
0x92: {  	[sflag:s31] =	ssyncadd.s32 $0xFFFFFD80  }
0x93: {  	_ =	swait.ge [sflag:s31], $0x280  }
0x94: {  	[sflag:s31] =	ssyncset.done $0x0  }
0x95: {  	[sflag:s31] =	ssyncadd.s32 $0xFFFFFD80  }
0x96: {  	_ =	swait.ge [sflag:s31], $0x280  }
0x97: {  	[sflag:s31] =	ssyncset.done $0x0  }
0x98: {  	[sflag:s31] =	ssyncadd.s32 $0xFFFFFD80  }
0x99: {  	_ =	swait.ge [sflag:s31], $0x280  }
0x9a: {  	[sflag:s31] =	ssyncset.done $0x0  }
0x9b: {  	[sflag:s31] =	ssyncadd.s32 $0xFFFFFD80  }
0x9c: {  	_ =	swait.ge [sflag:s31], $0x280  }
0x9d: {  	[sflag:s31] =	ssyncset.done $0x0  }
0x9e: {  	[sflag:s31] =	ssyncadd.s32 $0xFFFFFD80  }
0x9f: {  	_ =	swait.ge [sflag:s31], $0x280  }
0xa0: {  	[sflag:s31] =	ssyncset.done $0x0  }
0xa1: {  	[sflag:s31] =	ssyncadd.s32 $0xFFFFFD80  }
0xa2: {  	_ =	swait.ge [sflag:s31], $0x280  }
0xa3: {  	[sflag:s31] =	ssyncset.done $0x0  }
0xa4: {  	[sflag:s31] =	ssyncadd.s32 $0xFFFFFD80  }
0xa5: {  	_ =	swait.ge [sflag:s31], $0x280  }
0xa6: {  	[sflag:s31] =	ssyncset.done $0x0  }
0xa7: {  	[sflag:s31] =	ssyncadd.s32 $0xFFFFFD80  }
0xa8: {  	_ =	swait.ge [sflag:s31], $0x280  }
0xa9: {  	[sflag:s31] =	ssyncset.done $0x0  }
0xaa: {  	[sflag:s31] =	ssyncadd.s32 $0xFFFFFD80  }
0xab: {  	_ =	swait.ge [sflag:s31], $0x280  }
0xac: {  	[sflag:s31] =	ssyncset.done $0x0  }
0xad: {  	[sflag:s31] =	ssyncadd.s32 $0xFFFFFD80  }
0xae: {  	_ =	swait.ge [sflag:s31], $0x280  }
0xaf: {  	[sflag:s31] =	ssyncset.done $0x0  }
0xb0: {  	[sflag:s31] =	ssyncadd.s32 $0xFFFFFD80  }
0xb1: {  	_ =	swait.ge [sflag:s31], $0x280  }
0xb2: {  	[sflag:s31] =	ssyncset.done $0x0  }
0xb3: {  	[sflag:s31] =	ssyncadd.s32 $0xFFFFFD80  }
0xb4: {  	_ =	swait.ge [sflag:s31], $0x280  }
0xb5: {  	[sflag:s31] =	ssyncset.done $0x0  }
0xb6: {  	[sflag:s31] =	ssyncadd.s32 $0xFFFFFD80  }
0xb7: {  	_ =	swait.ge [sflag:s31], $0x280  }
0xb8: {  	[sflag:s31] =	ssyncset.done $0x0  }
0xb9: {  	[sflag:s31] =	ssyncadd.s32 $0xFFFFFD80  }
0xba: {  	_ =	swait.ge [sflag:s31], $0x280  }
0xbb: {  	[sflag:s31] =	ssyncset.done $0x0  }
0xbc: {  	s10 =	simm.s32 $0x0;
	s23 =	rddreg [dreg:$0x14];
	[sflag:s31] =	ssyncadd.s32 $0xFFFFFD80  }
0xbd: {  	[hbm4b:s23+s10] =	stream.linear.scatter [tilespmem:s30], [sflag:$0x6], $0x1400, $0x38;
	[tilespmem:$0x1B200] =	vst v63  }
0xbe: {  	s16 =	simm.s32 $0x19E00;
	s26 =	rddreg [dreg:$0x1b]  }
0xbf: {  	[hbm4b:s26+s10] =	stream.linear.scatter [tilespmem:s16], [sflag:$0x6], $0x1400, $0x38;
	[tilespmem:$0x1B200] =	vst v63  }
0xc0: {  	s28 =	rddreg [dreg:$0x15]  }
0xc1: {  	[hbm4b:s28+s10] =	stream.linear.scatter [tilespmem:s30], [sflag:$0x6], $0x1400, $0x38;
	[tilespmem:$0x1B200] =	vst v63  }
0xc2: {  	s23 =	rddreg [dreg:$0x16]  }
0xc3: {  	[hbm4b:s23+s10] =	stream.linear.scatter [tilespmem:s16], [sflag:$0x6], $0x1400, $0x38;
	[tilespmem:$0x1B200] =	vst v63  }
0xc4: {  	s26 =	rddreg [dreg:$0x17]  }
0xc5: {  	[hbm4b:s26+s10] =	stream.linear.scatter [tilespmem:s30], [sflag:$0x6], $0x1400, $0x38;
	[tilespmem:$0x1B200] =	vst v63  }
0xc6: {  	s28 =	rddreg [dreg:$0x18]  }
0xc7: {  	[hbm4b:s28+s10] =	stream.linear.scatter [tilespmem:s16], [sflag:$0x6], $0x1400, $0x38;
	[tilespmem:$0x1B200] =	vst v63  }
0xc8: {  	s23 =	rddreg [dreg:$0x19]  }
0xc9: {  	[hbm4b:s23+s10] =	stream.linear.scatter [tilespmem:s30], [sflag:$0x6], $0x1400, $0x38;
	[tilespmem:$0x1B200] =	vst v63  }
0xca: {  	s26 =	rddreg [dreg:$0x1a]  }
0xcb: {  	[hbm4b:s26+s10] =	stream.linear.scatter [tilespmem:s16], [sflag:$0x6], $0x1400, $0x38;
	[tilespmem:$0x1B200] =	vst v63  }
0xcc: {  	s28 =	simm.s32 $0x800  }
0xcd: {  	[tilespmem:s8], [sflag:$0x1] =	stream.indirect.gather [hbm4b:s6+s29], $0x20, s28, s29, $0xb8;
	[tilespmem:$0x1B200] =	vst v63  }
0xce: {  	_ = 	snop  }
0xcf: {  	[tilespmem:s9], [sflag:$0x1] =	stream.indirect.gather [hbm4b:s7+s29], $0x20, s28, s29, $0xb8;
	[tilespmem:$0x1B200] =	vst v63  }
0xd0: {  	s30 =	simm.s32 $0x880  }
0xd1: {  	[tilespmem:s11], [sflag:$0x1] =	stream.indirect.gather [hbm4b:s6+s29], $0x20, s30, s29, $0xb8;
	[tilespmem:$0x1B200] =	vst v63  }
0xd2: {  	_ = 	snop  }
0xd3: {  	[tilespmem:s12], [sflag:$0x1] =	stream.indirect.gather [hbm4b:s7+s29], $0x20, s30, s29, $0xb8;
	[tilespmem:$0x1B200] =	vst v63  }
0xd4: {  	s13 =	simm.s32 $0x900  }
0xd5: {  	[tilespmem:s14], [sflag:$0x1] =	stream.indirect.gather [hbm4b:s6+s29], $0x20, s13, s29, $0xb8;
	[tilespmem:$0x1B200] =	vst v63  }
0xd6: {  	_ = 	snop  }
0xd7: {  	[tilespmem:s15], [sflag:$0x1] =	stream.indirect.gather [hbm4b:s7+s29], $0x20, s13, s29, $0xb8;
	[tilespmem:$0x1B200] =	vst v63  }
0xd8: {  	s16 =	simm.s32 $0x980  }
0xd9: {  	[tilespmem:s17], [sflag:$0x1] =	stream.indirect.gather [hbm4b:s6+s29], $0x20, s16, s29, $0xb8;
	[tilespmem:$0x1B200] =	vst v63  }
0xda: {  	_ = 	snop  }
0xdb: {  	[tilespmem:s18], [sflag:$0x1] =	stream.indirect.gather [hbm4b:s7+s29], $0x20, s16, s29, $0xb8;
	[tilespmem:$0x1B200] =	vst v63  }
0xdc: {  	_ =	swait.ge [sflag:s19], $0x4000  }
0xdd: {  	[sflag:s19] =	ssyncset.done $0x0  }
0xde: {  	[sflag:s19] =	ssyncadd.s32 $0xFFFFC000  }
0xdf: {  	_ =	swait.ge [sflag:s19], $0x4000  }
0xe0: {  	p0 =	por $0x1, $0x1;
	[sflag:s19] =	ssyncset.done $0x0  }
0xe1: {  	s10 =	simm.s32 @!p0 $0x4;
	[sflag:s19] =	ssyncadd.s32 $0xFFFFC000  }
0xe2: {  	_ =	swait.ge @!p0 [sflag:s10], $0x4000  }
0xe3: {  	[sflag:s10] =	ssyncset.done @!p0 $0x0  }
0xe4: {  	[sflag:s10] =	ssyncadd.s32 @!p0 $0xFFFFC000  }
0xe5: {  	_ =	swait.ge @!p0 [sflag:s10], $0x4000  }
0xe6: {  	[sflag:s10] =	ssyncset.done @!p0 $0x0  }
0xe7: {  	s23 =	simm.s32 $0xA00;
	[sflag:s10] =	ssyncadd.s32 @!p0 $0xFFFFC000  }
0xe8: {  	[tilespmem:s20], [sflag:$0x2] =	stream.indirect.gather [hbm4b:s6+s29], $0x20, s23, s29, $0xb8;
	[tilespmem:$0x1B200] =	vst v63  }
0xe9: {  	s26 =	rddreg [dreg:$0xb]  }
0xea: {  	[tilespmem:s24], [sflag:$0x2] =	stream.indirect.gather [hbm4b:s7+s29], $0x20, s23, s29, $0xb8;
	[tilespmem:$0x1B200] =	vst v63  }
0xeb: {  	s28 =	simm.s32 $0xA80;
	s30 =	rddreg [dreg:$0xc]  }
0xec: {  	[tilespmem:s26], [sflag:$0x2] =	stream.indirect.gather [hbm4b:s6+s29], $0x20, s28, s29, $0xb8;
	[tilespmem:$0x1B200] =	vst v63  }
0xed: {  	s23 =	rddreg [dreg:$0xd]  }
0xee: {  	[tilespmem:s30], [sflag:$0x2] =	stream.indirect.gather [hbm4b:s7+s29], $0x20, s28, s29, $0xb8;
	[tilespmem:$0x1B200] =	vst v63  }
0xef: {  	s26 =	simm.s32 $0xB00;
	s28 =	rddreg [dreg:$0xe]  }
0xf0: {  	[tilespmem:s23], [sflag:$0x2] =	stream.indirect.gather [hbm4b:s6+s29], $0x20, s26, s29, $0xb8;
	[tilespmem:$0x1B200] =	vst v63  }
0xf1: {  	s30 =	rddreg [dreg:$0xf]  }
0xf2: {  	[tilespmem:s28], [sflag:$0x2] =	stream.indirect.gather [hbm4b:s7+s29], $0x20, s26, s29, $0xb8;
	[tilespmem:$0x1B200] =	vst v63  }
0xf3: {  	s23 =	simm.s32 $0xB80;
	s26 =	rddreg [dreg:$0x10]  }
0xf4: {  	[tilespmem:s30], [sflag:$0x2] =	stream.indirect.gather [hbm4b:s6+s29], $0x20, s23, s29, $0xb8;
	[tilespmem:$0x1B200] =	vst v63  }
0xf5: {  	s28 =	rddreg [dreg:$0x8]  }
0xf6: {  	[tilespmem:s26], [sflag:$0x2] =	stream.indirect.gather [hbm4b:s7+s29], $0x20, s23, s29, $0xb8;
	[tilespmem:$0x1B200] =	vst v63  }
0xf7: {  	s13 =	sadd.s32 $0x0, s28;
	s30 =	rddreg [dreg:$0x7]  }
0xf8: {  	[hbm4b:s13+s2] =	stream.linear.scatter [tilespmem:s8], [sflag:$0x3], $0x4000, $0x38;
	[tilespmem:$0x1B200] =	vst v63  }
0xf9: {  	s10 =	sadd.s32 $0x0, s30  }
0xfa: {  	[hbm4b:s10+s2] =	stream.linear.scatter [tilespmem:s9], [sflag:$0x3], $0x4000, $0x38;
	[tilespmem:$0x1B200] =	vst v63  }
0xfb: {  	_ =	swait.ge [sflag:s21], $0x4000  }
0xfc: {  	[sflag:s21] =	ssyncset.done $0x0  }
0xfd: {  	[sflag:s21] =	ssyncadd.s32 $0xFFFFC000  }
0xfe: {  	_ =	swait.ge [sflag:s21], $0x4000  }
0xff: {  	[sflag:s21] =	ssyncset.done $0x0  }
0x100: {  	[sflag:s21] =	ssyncadd.s32 $0xFFFFC000  }
0x101: {  	_ =	swait.ge [sflag:s22], $0x4000  }
0x102: {  	[sflag:s22] =	ssyncset.done $0x0  }
0x103: {  	[sflag:s22] =	ssyncadd.s32 $0xFFFFC000  }
0x104: {  	_ =	swait.ge [sflag:s22], $0x4000  }
0x105: {  	[sflag:s22] =	ssyncset.done $0x0  }
0x106: {  	s13 =	simm.s32 $0xC00;
	[sflag:s22] =	ssyncadd.s32 $0xFFFFC000  }
0x107: {  	[tilespmem:s8], [sflag:$0x1] =	stream.indirect.gather [hbm4b:s6+s29], $0x20, s13, s29, $0xb8;
	[tilespmem:$0x1B200] =	vst v63  }
0x108: {  	_ = 	snop  }
0x109: {  	[tilespmem:s9], [sflag:$0x1] =	stream.indirect.gather [hbm4b:s7+s29], $0x20, s13, s29, $0xb8;
	[tilespmem:$0x1B200] =	vst v63  }
0x10a: {  	s16 =	simm.s32 $0xC80  }
0x10b: {  	[tilespmem:s11], [sflag:$0x1] =	stream.indirect.gather [hbm4b:s6+s29], $0x20, s16, s29, $0xb8;
	[tilespmem:$0x1B200] =	vst v63  }
0x10c: {  	_ = 	snop  }
0x10d: {  	[tilespmem:s12], [sflag:$0x1] =	stream.indirect.gather [hbm4b:s7+s29], $0x20, s16, s29, $0xb8;
	[tilespmem:$0x1B200] =	vst v63  }
0x10e: {  	s23 =	simm.s32 $0xD00  }
0x10f: {  	[tilespmem:s14], [sflag:$0x1] =	stream.indirect.gather [hbm4b:s6+s29], $0x20, s23, s29, $0xb8;
	[tilespmem:$0x1B200] =	vst v63  }
0x110: {  	_ = 	snop  }
0x111: {  	[tilespmem:s15], [sflag:$0x1] =	stream.indirect.gather [hbm4b:s7+s29], $0x20, s23, s29, $0xb8;
	[tilespmem:$0x1B200] =	vst v63  }
0x112: {  	s28 =	simm.s32 $0xD80  }
0x113: {  	[tilespmem:s17], [sflag:$0x1] =	stream.indirect.gather [hbm4b:s6+s29], $0x20, s28, s29, $0xb8;
	[tilespmem:$0x1B200] =	vst v63  }
0x114: {  	s26 =	rddreg [dreg:$0xa]  }
0x115: {  	[tilespmem:s18], [sflag:$0x1] =	stream.indirect.gather [hbm4b:s7+s29], $0x20, s28, s29, $0xb8;
	[tilespmem:$0x1B200] =	vst v63  }
0x116: {  	s30 =	rddreg [dreg:$0x9];
	s10 =	sadd.s32 $0x0, s26  }
0x117: {  	[hbm4b:s10+s2] =	stream.linear.scatter [tilespmem:s20], [sflag:$0x4], $0x4000, $0x38;
	[tilespmem:$0x1B200] =	vst v63  }
0x118: {  	s13 =	sadd.s32 $0x0, s30;
	s10 =	simm.s32 $0x1000  }
.LBB2_4:
0x119: {  	[hbm4b:s13+s2] =	stream.linear.scatter [tilespmem:s24], [sflag:$0x4], $0x4000, $0x38;
	[tilespmem:$0x1B200] =	vst v63  }
0x11a: {  	_ =	swait.ge [sflag:s19], $0x4000  }
0x11b: {  	[sflag:s19] =	ssyncset.done $0x0  }
0x11c: {  	[sflag:s19] =	ssyncadd.s32 $0xFFFFC000  }
0x11d: {  	s13 =	smov.u32 s10;
	_ =	swait.ge [sflag:s19], $0x4000  }
0x11e: {  	p1 =	seq.s32 s13, $0x0;
	[sflag:s19] =	ssyncset.done $0x0  }
0x11f: {  	s23 =	simm.s32 @!p1 $0x4;
	[sflag:s19] =	ssyncadd.s32 $0xFFFFC000  }
0x120: {  	_ =	swait.ge @!p1 [sflag:s23], $0x4000  }
0x121: {  	[sflag:s23] =	ssyncset.done @!p1 $0x0  }
0x122: {  	[sflag:s23] =	ssyncadd.s32 @!p1 $0xFFFFC000  }
0x123: {  	_ =	swait.ge @!p1 [sflag:s23], $0x4000  }
0x124: {  	s16 =	sshra.s32 s13, $0x2;
	[sflag:s23] =	ssyncset.done @!p1 $0x0  }
0x125: {  	s30 =	sadd.s32 $0xA00, s16;
	[sflag:s23] =	ssyncadd.s32 @!p1 $0xFFFFC000  }
0x126: {  	[tilespmem:s20], [sflag:$0x2] =	stream.indirect.gather [hbm4b:s6+s29], $0x20, s30, s29, $0xb8;
	[tilespmem:$0x1B200] =	vst v63  }
0x127: {  	s26 =	rddreg [dreg:$0x8]  }
0x128: {  	[tilespmem:s24], [sflag:$0x2] =	stream.indirect.gather [hbm4b:s7+s29], $0x20, s30, s29, $0xb8;
	[tilespmem:$0x1B200] =	vst v63  }
0x129: {  	s28 =	rddreg [dreg:$0xb];
	s23 =	sadd.s32 $0xA80, s16  }
0x12a: {  	[tilespmem:s28], [sflag:$0x2] =	stream.indirect.gather [hbm4b:s6+s29], $0x20, s23, s29, $0xb8;
	[tilespmem:$0x1B200] =	vst v63  }
0x12b: {  	s30 =	rddreg [dreg:$0xc]  }
0x12c: {  	[tilespmem:s30], [sflag:$0x2] =	stream.indirect.gather [hbm4b:s7+s29], $0x20, s23, s29, $0xb8;
	[tilespmem:$0x1B200] =	vst v63  }
0x12d: {  	s28 =	rddreg [dreg:$0xd];
	s23 =	sadd.s32 $0xB00, s16  }
0x12e: {  	[tilespmem:s28], [sflag:$0x2] =	stream.indirect.gather [hbm4b:s6+s29], $0x20, s23, s29, $0xb8;
	[tilespmem:$0x1B200] =	vst v63  }
0x12f: {  	s30 =	rddreg [dreg:$0xe]  }
0x130: {  	[tilespmem:s30], [sflag:$0x2] =	stream.indirect.gather [hbm4b:s7+s29], $0x20, s23, s29, $0xb8;
	[tilespmem:$0x1B200] =	vst v63  }
0x131: {  	s28 =	rddreg [dreg:$0xf];
	s23 =	sadd.s32 $0xB80, s16  }
0x132: {  	[tilespmem:s28], [sflag:$0x2] =	stream.indirect.gather [hbm4b:s6+s29], $0x20, s23, s29, $0xb8;
	[tilespmem:$0x1B200] =	vst v63  }
0x133: {  	s30 =	rddreg [dreg:$0x10]  }
0x134: {  	[tilespmem:s30], [sflag:$0x2] =	stream.indirect.gather [hbm4b:s7+s29], $0x20, s23, s29, $0xb8;
	[tilespmem:$0x1B200] =	vst v63  }
0x135: {  	s26 =	sadd.s32 s13, s26;
	s28 =	rddreg [dreg:$0x7]  }
0x136: {  	[hbm4b:s26+s2] =	stream.linear.scatter [tilespmem:s8], [sflag:$0x3], $0x4000, $0x38;
	[tilespmem:$0x1B200] =	vst v63  }
0x137: {  	s28 =	sadd.s32 s13, s28  }
0x138: {  	[hbm4b:s28+s2] =	stream.linear.scatter [tilespmem:s9], [sflag:$0x3], $0x4000, $0x38;
	[tilespmem:$0x1B200] =	vst v63  }
0x139: {  	_ =	swait.ge [sflag:s21], $0x4000  }
0x13a: {  	[sflag:s21] =	ssyncset.done $0x0  }
0x13b: {  	[sflag:s21] =	ssyncadd.s32 $0xFFFFC000  }
0x13c: {  	_ =	swait.ge [sflag:s21], $0x4000  }
0x13d: {  	[sflag:s21] =	ssyncset.done $0x0  }
0x13e: {  	[sflag:s21] =	ssyncadd.s32 $0xFFFFC000  }
0x13f: {  	_ =	swait.ge [sflag:s22], $0x4000  }
0x140: {  	[sflag:s22] =	ssyncset.done $0x0  }
0x141: {  	[sflag:s22] =	ssyncadd.s32 $0xFFFFC000  }
0x142: {  	_ =	swait.ge [sflag:s22], $0x4000  }
0x143: {  	[sflag:s22] =	ssyncset.done $0x0  }
0x144: {  	s30 =	sadd.s32 $0xC00, s16;
	[sflag:s22] =	ssyncadd.s32 $0xFFFFC000  }
0x145: {  	[tilespmem:s8], [sflag:$0x1] =	stream.indirect.gather [hbm4b:s6+s29], $0x20, s30, s29, $0xb8;
	[tilespmem:$0x1B200] =	vst v63  }
0x146: {  	_ = 	snop  }
0x147: {  	[tilespmem:s9], [sflag:$0x1] =	stream.indirect.gather [hbm4b:s7+s29], $0x20, s30, s29, $0xb8;
	[tilespmem:$0x1B200] =	vst v63  }
0x148: {  	s30 =	sadd.s32 $0xC80, s16  }
0x149: {  	[tilespmem:s11], [sflag:$0x1] =	stream.indirect.gather [hbm4b:s6+s29], $0x20, s30, s29, $0xb8;
	[tilespmem:$0x1B200] =	vst v63  }
0x14a: {  	_ = 	snop  }
0x14b: {  	[tilespmem:s12], [sflag:$0x1] =	stream.indirect.gather [hbm4b:s7+s29], $0x20, s30, s29, $0xb8;
	[tilespmem:$0x1B200] =	vst v63  }
0x14c: {  	s30 =	sadd.s32 $0xD00, s16  }
0x14d: {  	[tilespmem:s14], [sflag:$0x1] =	stream.indirect.gather [hbm4b:s6+s29], $0x20, s30, s29, $0xb8;
	[tilespmem:$0x1B200] =	vst v63  }
0x14e: {  	s10 =	sadd.s32 $0x1000, s10  }
0x14f: {  	[tilespmem:s15], [sflag:$0x1] =	stream.indirect.gather [hbm4b:s7+s29], $0x20, s30, s29, $0xb8;
	[tilespmem:$0x1B200] =	vst v63  }
0x150: {  	p0 =	sne.s32 s10, $0xC000;
	s16 =	sadd.s32 $0xD80, s16  }
0x151: {  	[tilespmem:s17], [sflag:$0x1] =	stream.indirect.gather [hbm4b:s6+s29], $0x20, s16, s29, $0xb8;
	[tilespmem:$0x1B200] =	vst v63  }
.Ltmp1:
0x152: {  	s23 =	rddreg [dreg:$0xa];
	(pc) =	sbr.rel @p0 .LBB2_4-.Ltmp1, $4  }
0x153: {  	s28 =	rddreg [dreg:$0x9]  }
0x154: {  	[tilespmem:s18], [sflag:$0x1] =	stream.indirect.gather [hbm4b:s7+s29], $0x20, s16, s29, $0xb8;
	[tilespmem:$0x1B200] =	vst v63  }
0x155: {  	s30 =	sadd.s32 s13, s23;
	s13 =	sadd.s32 s13, s28  }
0x156: {  	[hbm4b:s30+s2] =	stream.linear.scatter [tilespmem:s20], [sflag:$0x4], $0x4000, $0x38;
	[tilespmem:$0x1B200] =	vst v63  }
0x157: {  	[hbm4b:s13+s2] =	stream.linear.scatter [tilespmem:s24], [sflag:$0x4], $0x4000, $0x38;
	[tilespmem:$0x1B200] =	vst v63  }
0x158: {  	_ =	swait.ge [sflag:s19], $0x4000  }
0x159: {  	[sflag:s19] =	ssyncset.done $0x0  }
0x15a: {  	[sflag:s19] =	ssyncadd.s32 $0xFFFFC000  }
0x15b: {  	_ =	swait.ge [sflag:s19], $0x4000  }
0x15c: {  	[sflag:s19] =	ssyncset.done $0x0  }
0x15d: {  	s10 =	simm.s32 $0x4;
	[sflag:s19] =	ssyncadd.s32 $0xFFFFC000  }
0x15e: {  	_ =	swait.ge [sflag:s10], $0x4000  }
0x15f: {  	[sflag:s10] =	ssyncset.done $0x0  }
0x160: {  	[sflag:s10] =	ssyncadd.s32 $0xFFFFC000  }
0x161: {  	_ =	swait.ge [sflag:s10], $0x4000  }
0x162: {  	[sflag:s10] =	ssyncset.done $0x0  }
0x163: {  	s23 =	rddreg [dreg:$0x1c];
	[sflag:s10] =	ssyncadd.s32 $0xFFFFC000;
	s10 =	simm.s32 $0x0  }
0x164: {  	[hbm4b:s23+s10] =	stream.linear.scatter [tilespmem:s8], [sflag:$0x3], $0x4000, $0x38;
	[tilespmem:$0x1B200] =	vst v63  }
0x165: {  	s26 =	rddreg [dreg:$0x1d]  }
0x166: {  	[hbm4b:s26+s10] =	stream.linear.scatter [tilespmem:s9], [sflag:$0x3], $0x4000, $0x38;
	[tilespmem:$0x1B200] =	vst v63  }
0x167: {  	_ =	swait.ge [sflag:s0], $0x1000  }
0x168: {  	[sflag:s0] =	ssyncset.done $0x0  }
0x169: {  	[sflag:s0] =	ssyncadd.s32 $0xFFFFF000  }
0x16a: {  	_ =	swait.ge [sflag:s0], $0x1000  }
0x16b: {  	[sflag:s0] =	ssyncset.done $0x0  }
0x16c: {  	[sflag:s0] =	ssyncadd.s32 $0xFFFFF000  }
0x16d: {  	_ =	swait.ge [sflag:s0], $0x1000  }
0x16e: {  	[sflag:s0] =	ssyncset.done $0x0  }
0x16f: {  	[sflag:s0] =	ssyncadd.s32 $0xFFFFF000  }
0x170: {  	s28 =	simm.s32 $0x0;
	_ =	swait.ge [sflag:s0], $0x1000  }
0x171: {  	v1 =	vmov s28;
	[sflag:s0] =	ssyncset.done $0x0  }
0x172: {  	[sflag:s0] =	ssyncadd.s32 $0xFFFFF000  }
0x173: {  	_ =	swait.ge [sflag:s0], $0x1000  }
0x174: {  	s30 =	simm.s32 $0x0;
	[sflag:s0] =	ssyncset.done $0x0  }
0x175: {  	s13 =	sand.u32 $0x3FFFFFE0, s30;
	s16 =	sand.u32 $0x10, s10;
	[sflag:s0] =	ssyncadd.s32 $0xFFFFF000  }
0x176: {  	s13 =	sor.u32 s16, s13;
	v1 =	vld.idx.msk [tilespmem:v1+s25+$0x0], $0xffff  }
0x177: {  	v2 =	vld [tilespmem:s13+$0x13A00];
	_ =	sdelay $0x1  }
0x178: {  	s23 =	simm.s32 $0x2;
	s16 =	simm.s32 $0x1;
	s26 =	simm.s32 $0x0  }
.LBB2_6:
0x179: {  	p0 =	sne.s32 s23, $0x4FF;
	v3 =	vmov s26;
	_ =	sdelay $0x1  }
0x17a: {  	v1 =	vmul.f32 v2, v1  }
0x17b: {  	s26 =	sshll.u32 s16, $0x4;
	s10 =	sadd.s32 $0x10, s10;
	s16 =	smov.u32 s23  }
.Ltmp2:
0x17c: {  	s28 =	sand.u32 $0x10, s10;
	s26 =	sand.u32 $0x3FFFFFE0, s26;
	[tilespmem:s13+$0x13A00] =	vst v1;
	(pc) =	sbr.rel @p0 .LBB2_6-.Ltmp2, $3  }
0x17d: {  	s13 =	sor.u32 s28, s26;
	v1 =	vld.idx.msk [tilespmem:v3+s25+$0x0], $0xffff  }
0x17e: {  	v2 =	vld [tilespmem:s13+$0x13A00];
	_ =	sdelay $0x1  }
0x17f: {  	s23 =	sadd.s32 $0x1, s23;
	s26 =	sshrl.u32 s16, $0x1  }
0x180: {  	v3 =	vmov s26;
	_ =	sdelay $0x1  }
0x181: {  	v1 =	vmul.f32 v2, v1  }
0x182: {  	s16 =	sshll.u32 s16, $0x4;
	s10 =	sadd.s32 $0x10, s10  }
0x183: {  	s10 =	sand.u32 $0x10, s10;
	s16 =	sand.u32 $0x3FFFFFE0, s16;
	[tilespmem:s13+$0x13A00] =	vst v1  }
0x184: {  	s10 =	sor.u32 s10, s16;
	v1 =	vld.idx.msk [tilespmem:v3+s25+$0x0], $0xffff  }
0x185: {  	v2 =	vld [tilespmem:s10+$0x13A00];
	_ =	sdelay $0x4  }
0x186: {  	v1 =	vmul.f32 v2, v1;
	_ =	sdelay $0x1  }
0x187: {  	s23 =	simm.s32 $0x13A00;
	s16 =	rddreg [dreg:$0x1e];
	[tilespmem:s10+$0x13A00] =	vst v1  }
0x188: {  	[hbm4b:s16+s2] =	stream.linear.scatter [tilespmem:s23], [sflag:$0x5], $0x5000, $0x38;
	[tilespmem:$0x1B200] =	vst v63  }
0x189: {  	_ =	swait.ge [sflag:s22], $0x4000  }
0x18a: {  	[sflag:s22] =	ssyncset.done $0x0  }
0x18b: {  	[sflag:s22] =	ssyncadd.s32 $0xFFFFC000  }
0x18c: {  	_ =	swait.ge [sflag:s22], $0x4000  }
0x18d: {  	[sflag:s22] =	ssyncset.done $0x0  }
0x18e: {  	[sflag:s22] =	ssyncadd.s32 $0xFFFFC000  }
0x18f: {  	_ =	swait.ge [sflag:s0], $0x5000  }
0x190: {  	[sflag:s0] =	ssyncset.done $0x0  }
0x191: {  	[sflag:s0] =	ssyncadd.s32 $0xFFFFB000  }
0x192: {  	_ =	swait.ge [sflag:s31], $0x1400  }
0x193: {  	[sflag:s31] =	ssyncset.done $0x0  }
0x194: {  	[sflag:s31] =	ssyncadd.s32 $0xFFFFEC00  }
0x195: {  	_ =	swait.ge [sflag:s31], $0x1400  }
0x196: {  	[sflag:s31] =	ssyncset.done $0x0  }
0x197: {  	[sflag:s31] =	ssyncadd.s32 $0xFFFFEC00  }
0x198: {  	_ =	swait.ge [sflag:s31], $0x1400  }
0x199: {  	[sflag:s31] =	ssyncset.done $0x0  }
0x19a: {  	[sflag:s31] =	ssyncadd.s32 $0xFFFFEC00  }
0x19b: {  	_ =	swait.ge [sflag:s31], $0x1400  }
0x19c: {  	[sflag:s31] =	ssyncset.done $0x0  }
0x19d: {  	[sflag:s31] =	ssyncadd.s32 $0xFFFFEC00  }
0x19e: {  	_ =	swait.ge [sflag:s31], $0x1400  }
0x19f: {  	[sflag:s31] =	ssyncset.done $0x0  }
0x1a0: {  	[sflag:s31] =	ssyncadd.s32 $0xFFFFEC00  }
0x1a1: {  	_ =	swait.ge [sflag:s31], $0x1400  }
0x1a2: {  	[sflag:s31] =	ssyncset.done $0x0  }
0x1a3: {  	[sflag:s31] =	ssyncadd.s32 $0xFFFFEC00  }
0x1a4: {  	_ =	swait.ge [sflag:s31], $0x1400  }
0x1a5: {  	[sflag:s31] =	ssyncset.done $0x0  }
0x1a6: {  	[sflag:s31] =	ssyncadd.s32 $0xFFFFEC00  }
0x1a7: {  	_ =	swait.ge [sflag:s31], $0x1400  }
0x1a8: {  	s1 =	sadd.s32 $0x1, s1;
	s26 =	rddreg [dreg:$0x1f]  }
0x1a9: {  	p0 =	sne.s32 s1, s26  }
.Ltmp3:
0x1aa: {  	_ = 	snop;
	(pc) =	sbr.rel @p0 .LBB2_1-.Ltmp3, $3  }
0x1ab: {  	_ =	sdelay $0x1  }
0x1ac: {  	[sflag:s31] =	ssyncset.done $0x0  }
0x1ad: {  	s28 =	simm.s32 $0x300;
	s30 =	simm.s32 $0x18A00;
	[sflag:s31] =	ssyncadd.s32 $0xFFFFEC00  }
0x1ae: {  	_ =	sfence.sel $0x180000  }
0x1af: {  	[bflag:$0x0] =	sbarrier.arrive $0xFFFF  }
0x1b0: {  	_ =	strace $0x90000047  }
0x1b1: {  	s0 =	stileid.u32;
	[bflag:$0x2] =	sbarrier.arrive $0xFFFF  }
0x1b2: {  	p0 =	sne.s32 s0, $0x0;
	s0 =	rddreg [dreg:$0x6]  }
0x1b3: {  	s0 =	sadd.s32 @!p0 $0x100000, s0  }
0x1b4: {  	[sflag:s0] =	ssyncadd.tile.s32 @!p0 $0x1;
	_ =	shalt  }
.Lfunc_end2:
_tile_overlayer_lowered:
.L_overlay_start_2:
0x1b5: {  	(tag) =	ssettag $0x2  }
0x1b6: {  	s0 =	rddreg [dreg:$0x0];
	s2 =	stileid.u32  }
0x1b7: {  	s1 =	rddreg [dreg:$0x1];
	p0 =	sne.s32 s2, $0x0  }
0x1b8: {  	s3 =	rddreg [dreg:$0x2];
	[bflag:$0x3] =	sbarrier.arrive $0xFFFF;
	s2 =	simm.s32 @!p0 $0x1C07  }
0x1b9: {  	[timem:s3], [sflag:s2] =	dma.local @!p0 [hbm:s0], s1  }
0x1ba: {  	s0 =	simm.s32 @!p0 $0x7  }
0x1bb: {  	_ =	swait.ge @!p0 [sflag:s0], s1  }
0x1bc: {  	s1 =	ssub.s32 @!p0 $0x0, s1;
	[sflag:s0] =	ssyncset.done @!p0 $0x0  }
0x1bd: {  	[sflag:s0] =	ssyncadd.s32 @!p0 s1  }
0x1be: {  	[bflag:$0x3] =	sbarrier.arrive $0xFFFF  }
0x1bf: {  	_ =	shalt  }

// kernel: sparse-core-data-format-call.1.cloned.1.call-start
scs
called_computation.1_lowered:
.L_overlay_start_0:
0x0: {  	s2 =	sld [smem:$0x3FD9]  }
0x1: {  	s3 =	sld [smem:$0x3FFE];
	_ =	sdelay $0x1  }
0x2: {  	s1 =	srdreg.scid  }
0x3: {  	s0 =	sand.u32 $0x1, s1  }
0x4: {  	s15 =	sshll.u32 s0, $0xA;
	s2 =	sadd.s32 s3, s2  }
0x5: {  	s2 =	sadd.s32 s2, s15  }
0x6: {  	[smem:$0x3FC0] =	sst s2  }
0x7: {  	_ = 	snop  }
0x8: {  	s2 =	sld [smem:$0x3FD0];
	_ =	sdelay $0x2  }
0x9: {  	s16 =	simm.s32 $0xB;
	s4 =	simm.s32 $0x10  }
0xa: {  	[smem:s4], [sflag:s16] =	dma.local [hbm:s2], $0x1  }
0xb: {  	_ =	swait.eq [sflag:s16], $0x1  }
0xc: {  	[sflag:s16] =	ssyncset.done $0x0  }
0xd: {  	[sflag:s16] =	ssyncadd.s32 $0xFFFFFFFF  }
0xe: {  	s17 =	sld [smem:$0x11];
	(tm) =	ssettm $0x1  }
0xf: {  	s18 =	sld [smem:$0x3FFB];
	_ =	sdelay $0x3  }
0x10: {  	_ =	strace s18  }
0x11: {  	s3 =	sld [smem:$0x3FFC];
	_ =	sdelay $0x3  }
0x12: {  	_ =	strace s3  }
0x13: {  	s3 =	sld [smem:$0x3FFD];
	_ =	sdelay $0x3  }
0x14: {  	_ =	strace s3  }
0x15: {  	_ =	strace $0x8FFFFFFF  }
0x16: {  	s19 =	sld [smem:$0x3FDB];
	_ =	sdelay $0x1  }
0x17: {  	s20 =	simm.s32 $_scs_section_size  }
0x18: {  	s5 =	simm.s32 $_size__tile_overlayer_lowered;
	s6 =	simm.s32 $_tile_overlayer_lowered  }
0x19: {  	s23 =	simm.s32 $0x1BFF;
	s22 =	sshll.u32 s6, $0x1;
	s3 =	sadd.s32 s20, s19  }
0x1a: {  	s7 =	simm.s32 $0x0;
	s21 =	sshll.u32 s5, $0x1;
	s5 =	sadd.s32 s22, s3  }
0x1b: {  	[timem:s7], [sflag:s23] =	dma.local [hbm:s5], s21  }
0x1c: {  	_ =	swait.ge [sflag:s23], s21  }
0x1d: {  	s4 =	ssub.s32 $0x0, s21;
	[sflag:s23] =	ssyncset.done $0x0  }
0x1e: {  	[sflag:s23] =	ssyncadd.s32 s4;
	_ =	sdelay $0x1  }
0x1f: {  	s24 =	simm.s32 $0x1B8B  }
0x20: {  	_ =	swait.ge [sflag:s24], $0x1  }
0x21: {  	[sflag:s24] =	ssyncset.done $0x0  }
0x22: {  	s26 =	simm.s32 $0x1B8E;
	s25 =	sld [smem:$0x3FFE];
	[sflag:s24] =	ssyncadd.s32 $0xFFFFFFFF  }
0x23: {  	s27 =	simm.s32 $execute0_lowered;
	[smem:$0x3FD2] =	sst s26  }
0x24: {  	s5 =	sshll.u32 s27, $0x1;
	_ =	strace $0x80000049;
	[dreg:$0x1] =	wrdreg $0xFFFFFFFF  }
0x25: {  	s28 =	simm.s32 $_size_execute0_lowered;
	s3 =	sadd.s32 s3, s5;
	[dreg:$0x0] =	wrdreg $0x0  }
0x26: {  	s5 =	sshll.u32 s28, $0x1;
	[dreg:$0x2] =	wrdreg s3  }
0x27: {  	[dreg:$0x3] =	wrdreg s5  }
0x28: {  	[dreg:$0x4] =	wrdreg $0xC0  }
0x29: {  	_ =	task [dreg:s7], $0x5FFFF  }
0x2a: {  	[dreg:$0x1] =	wrdreg $0xFFFFFFFF  }
0x2b: {  	[dreg:$0x0] =	wrdreg $0x60  }
0x2c: {  	[dreg:$0x2] =	wrdreg s25  }
0x2d: {  	[dreg:$0x3] =	wrdreg s17  }
0x2e: {  	[dreg:$0x4] =	wrdreg $0xA  }
0x2f: {  	_ =	task.clear_ibuf [dreg:s7], $0x5FFFF;
	_ =	strace $0x90000049  }
0x30: {  	s29 =	simm.s32 $0xA;
	_ =	strace $0x8000004B  }
0x31: {  	_ =	swait.ge [sflag:s29], $0x1  }
0x32: {  	[sflag:s29] =	ssyncadd.s32 $0xFFFFFFFF  }
0x33: {  	_ =	strace $0x9000004B  }
0x34: {  	_ =	sfence  }
0x35: {  	s30 =	sld [smem:$0x0];
	_ =	sdelay $0x2  }
0x36: {  	s31 =	sshll.u32 s1, $0xD;
	s1 =	sshrl.u32 s1, $0x2  }
0x37: {  	s3 =	sand.u32 $0x4000, s31;
	s1 =	sadd.s32 s1, s30  }
0x38: {  	s0 =	sor.u32 s3, s0;
	s1 =	sshll.u32 s1, $0x11  }
0x39: {  	s0 =	sor.u32 s1, s0  }
0x3a: {  	s0 =	sadd.s32 $0x8F2B, s0  }
0x3b: {  	[sflag:s0] =	ssyncadd.remote.s32 $0x1  }
0x3c: {  	_ =	sfence.sel $0xFFFF  }
0x3d: {  	[dreg:$0x0] =	wrdreg $0xFFFFFFFF;
	(pc) =	sbr.abs _section_cstart, $3  }
0x3e: {  	[dreg:$0x1] =	wrdreg $0xFFFFFFFF  }
0x3f: {  	_ =	task.clear_ibuf [dreg:s7], $0x2FFFF;
	_ =	strace $0x9FFFFFFF  }
0x40: {  	(tm) =	ssettm $0x7FFFFFFF  }
0x41: {  	_ =	shalt  }
tec
execute0_lowered:
.L_overlay_start_1:
0x0: {  	(tag) =	ssettag $0x1  }
0x1: {  	s4 =	rddreg [dreg:$0x0]  }
0x2: {  	s0 =	stileid.u32;
	s2 =	rddreg [dreg:$0x1]  }
0x3: {  	s7 =	srdreg.scid;
	s8 =	simm.s32 $0x2;
	s14 =	simm.s32 $0x0  }
0x4: {  	s9 =	simm.s32 $0x2000;
	s16 =	simm.s32 $0x0;
	s1 =	sshll.u32 s0, $0x7  }
0x5: {  	s15 =	simm.s32 $0x0;
	s10 =	simm.s32 $0x0;
	s3 =	sand.u32 $0x380, s1  }
0x6: {  	s13 =	simm.s32 $0x0;
	s7 =	sshll.u32 s7, $0x4;
	s5 =	ssub.s32 $0x400, s3  }
0x7: {  	s4 =	sadd.s32 $0x18800, s4;
	s1 =	rddreg [dreg:$0x2];
	s6 =	sand.u32 $0x380, s5  }
0x8: {  	s7 =	sand.u32 $0x10, s7;
	p0 =	sne.s32 s6, $0x0;
	s6 =	simm.s32 $0x1  }
.Ltmp0:
0x9: {  	s5 =	sshrl.u32 s5, $0xA;
	s6 =	simm.s32 @!p0 $0x0;
	(pc) =	sbr.rel .LBB1_1-.Ltmp0, $4  }
0xa: {  	_ =	strace $0x8000004A;
	s7 =	sor.u32 s0, s7;
	s6 =	sadd.s32 s6, s5  }
0xb: {  	s7 =	sshrl.u32 s7, $0x3;
	s5 =	simm.s32 $0x1;
	s6 =	smul.u32 $0x64, s6  }
0xc: {  	s12 =	smov.u32 s3;
	s11 =	smov.u32 s7;
	[sflag:s5] =	ssyncpa.u1 $0x0  }
0xd: {  	p0 =	por $0x0, $0x0;
	[sflag:s8] =	ssyncpa.u1 $0x0;
	s8 =	sor.u32 $0x1, s6  }
.LBB1_4:
0xe: {  	s19 =	sand.u32 $0xF80, s15;
	s16 =	smul.u32 $0x14000, s16  }
0xf: {  	s20 =	sshrl.u32 s15, $0x3;
	s19 =	sadd.s32 s2, s19  }
0x10: {  	s31 =	sand.u32 $0x7, s15;
	s20 =	sand.u32 $0xF, s20;
	s16 =	sadd.s32 s16, s19  }
0x11: {  	s14 =	sshll.u32 s14, $0xC;
	s15 =	sshll.u32 s31, $0x12;
	s16 =	sadd.s32 s20, s16  }
0x12: {  	[tilespmem:s18+$0x0 ss:$0x81] =	vst.msk $0xffff, v0;
	s15 =	sor.u32 $0x400, s15;
	s14 =	sadd.s32 s14, s16  }
0x13: {  	[hbm4b:s14+s15] =	stream.strided.scatter [tilespmem:s17], [sflag:$0x2], $0x1000, s9, s15, $0x20;
	[tilespmem:$0x4040] =	vst v63  }
.LBB1_5:
0x14: {  	s17 =	sadd.s32 $0x1, s10  }
0x15: {  	s14 =	sadd.s32 $0x4, s11;
	s18 =	smov.u32 s11;
	p2 =	sgt.s32 s17, $0x13  }
0x16: {  	s18 =	smov.u32 @p2 s14  }
0x17: {  	s20 =	smov.u32 s12;
	s14 =	sadd.s32 $0x400, s12;
	p3 =	sgt.s32 s18, $0x13  }
0x18: {  	s20 =	smov.u32 @p3 s14  }
0x19: {  	s17 =	simm.s32 @p2 $0x0;
	p2 =	sgt.s32 s20, $0x3FF  }
0x1a: {  	p1 =	slt.u32 s13, $0x2;
	s20 =	smov.u32 @p2 s3;
	p2 =	sne.s32 s13, s8  }
.Ltmp1:
0x1b: {  	s19 =	simm.s32 @!p1 $0x2;
	(pc) =	sbr.rel @!p2 .LBB1_6-.Ltmp1, $4  }
0x1c: {  	s16 =	smov.u32 s11;
	s15 =	smov.u32 s12;
	_ =	swait.ge @!p1 [sflag:s19], $0x1000  }
0x1d: {  	p0 =	por !p0, !p0;
	[sflag:s19] =	ssyncset.done @!p1 $0x0;
	s18 =	smov.u32 @p3 s7  }
0x1e: {  	s14 =	smov.u32 s10;
	[sflag:s19] =	ssyncadd.s32 @!p1 $0xFFFFF000;
	s10 =	smov.u32 s17  }
0x1f: {  	s11 =	smov.u32 s18;
	s13 =	sadd.s32 $0x1, s13;
	s12 =	smov.u32 s20  }
.LBB1_1:
0x20: {  	p1 =	sge.u32 s13, s6  }
0x21: {  	s17 =	sand.u32 @!p1 $0x1FFFFFF, s10;
	s19 =	smul.u32 @!p1 $0x1E00, s12  }
0x22: {  	s18 =	smulhi.u32 @!p1 $0xAAAAAAB, s17  }
0x23: {  	s21 =	smul.u32 @!p1 $0x180, s11  }
0x24: {  	s18 =	smul.u32 @!p1 $0x18, s18  }
0x25: {  	s31 =	sadd.s32 $0xFFFFFFFF, s13;
	s19 =	sadd.s32 @!p1 s4, s19  }
0x26: {  	s20 =	sxor.u32 @!p1 $0xFFFFFFFF, s13;
	s19 =	sadd.s32 @!p1 s21, s19;
	s17 =	ssub.s32 @!p1 s17, s18  }
0x27: {  	s18 =	sshll.u32 @!p1 s20, $0xC;
	s20 =	simm.s32 @!p1 $0xF000;
	s17 =	sshll.u32 @!p1 s17, $0x4  }
0x28: {  	s18 =	sand.u32 @!p1 $0x1000, s18;
	s17 =	sadd.s32 @!p1 s17, s19;
	s19 =	simm.s32 @!p1 $0x20  }
0x29: {  	[tilespmem:s18], [sflag:$0x1] =	stream.strided.gather @!p1 [hbm4b:s17+s19], $0x1000, s20, s19, $0x38;
	[tilespmem:$0x4040] =	vst v63  }
0x2a: {  	p1 =	sge.u32 s31, s6  }
.Ltmp2:
0x2b: {  	_ = 	snop;
	(pc) =	sbr.rel @p1 .LBB1_5-.Ltmp2, $1  }
0x2c: {  	_ =	sdelay $0x3  }
0x2d: {  	s17 =	simm.s32 $0x1  }
0x2e: {  	_ =	swait.ge [sflag:s5], $0x1000;
	s17 =	simm.s32 @!p0 $0x0  }
0x2f: {  	[sflag:s5] =	ssyncset.done $0x0;
	s18 =	sshll.u32 s17, $0xC  }
0x30: {  	[sflag:s5] =	ssyncadd.s32 $0xFFFFF000;
	s21 =	sor.u32 $0x10, s18  }
0x31: {  	s17 =	smul.u32 $0x4080, s17;
	v1 =	vld [tilespmem:s21+$0x0]  }
0x32: {  	s30 =	sand.u32 $0x1, s13;
	v0 =	vld [tilespmem:s21+$0xFFFFFFF0]  }
0x33: {  	s18 =	smul.u32 $0x4080, s30;
	s17 =	sshrl.u32 s17, $0x2  }
0x34: {  	s19 =	sor.u32 $0x2000, s17  }
0x35: {  	s31 =	sshrl.u32 s18, $0x2;
	s18 =	sadd.s32 $0x0, s19  }
0x36: {  	s20 =	simm.s32 $0x4;
	s21 =	sadd.s32 $0x20, s21;
	s17 =	sor.u32 $0x2000, s31;
	[tilespmem:s18+$0x810 ss:$0x81] =	vst.msk $0xffff, v1  }
.LBB1_3:
0x37: {  	v1 =	vld [tilespmem:s21+$0x0];
	p1 =	sne.s32 s20, $0x1FC;
	[tilespmem:s18+$0x0 ss:$0x81] =	vst.msk $0xffff, v0;
	s18 =	smov.u32 s20;
	s20 =	sadd.s32 $0x4, s20  }
.Ltmp3:
0x38: {  	v0 =	vld [tilespmem:s21+$0xFFFFFFF0];
	(pc) =	sbr.rel @p1 .LBB1_3-.Ltmp3, $4  }
0x39: {  	_ = 	snop  }
0x3a: {  	s18 =	sshra.s32 s18, $0x2  }
0x3b: {  	s18 =	sadd.s32 s18, s19  }
0x3c: {  	s21 =	sadd.s32 $0x20, s21;
	[tilespmem:s18+$0x810 ss:$0x81] =	vst.msk $0xffff, v1  }
.Ltmp4:
0x3d: {  	_ = 	snop;
	(pc) =	sbr.rel .LBB1_4-.Ltmp4, $1  }
0x3e: {  	_ =	sdelay $0x3  }
.LBB1_6:
0x3f: {  	_ =	sfence.sel $0x180000  }
0x40: {  	s2 =	simm.s32 $0x1;
	[bflag:$0x0] =	sbarrier.arrive $0xFFFF  }
0x41: {  	s31 =	simm.s32 $0x2;
	[sflag:s2] =	ssyncpa.u1 $0x1  }
0x42: {  	[sflag:s31] =	ssyncpa.u1 $0x1  }
0x43: {  	p0 =	sne.s32 s0, $0x0;
	_ =	strace $0x9000004A  }
0x44: {  	s0 =	sadd.s32 @!p0 $0x100000, s1;
	[bflag:$0x2] =	sbarrier.arrive $0xFFFF  }
0x45: {  	[sflag:s0] =	ssyncadd.tile.s32 @!p0 $0x1;
	_ =	shalt  }
.Lfunc_end1:
_tile_overlayer_lowered:
.L_overlay_start_2:
0x46: {  	(tag) =	ssettag $0x2  }
0x47: {  	s0 =	rddreg [dreg:$0x0];
	s2 =	stileid.u32  }
0x48: {  	s1 =	rddreg [dreg:$0x1];
	p0 =	sne.s32 s2, $0x0  }
0x49: {  	s3 =	rddreg [dreg:$0x2];
	[bflag:$0x3] =	sbarrier.arrive $0xFFFF;
	s2 =	simm.s32 @!p0 $0x1C01  }
0x4a: {  	[timem:s3], [sflag:s2] =	dma.local @!p0 [hbm:s0], s1  }
0x4b: {  	s0 =	simm.s32 @!p0 $0x1  }
0x4c: {  	_ =	swait.ge @!p0 [sflag:s0], s1  }
0x4d: {  	s1 =	ssub.s32 @!p0 $0x0, s1;
	[sflag:s0] =	ssyncset.done @!p0 $0x0  }
0x4e: {  	[sflag:s0] =	ssyncadd.s32 @!p0 s1  }
0x4f: {  	[bflag:$0x3] =	sbarrier.arrive $0xFFFF  }
0x50: {  	_ =	shalt  }

// kernel: sparse-core-data-format-call.cloned.1.call-start
scs
called_computation_lowered:
.L_overlay_start_0:
0x0: {  	s2 =	sld [smem:$0x3FD9]  }
0x1: {  	s3 =	sld [smem:$0x3FFE];
	_ =	sdelay $0x1  }
0x2: {  	s1 =	srdreg.scid  }
0x3: {  	s0 =	sand.u32 $0x1, s1  }
0x4: {  	s16 =	sshll.u32 s0, $0xA;
	s2 =	sadd.s32 s3, s2  }
0x5: {  	s2 =	sadd.s32 s2, s16  }
0x6: {  	[smem:$0x3FC0] =	sst s2  }
0x7: {  	_ = 	snop  }
0x8: {  	s2 =	sld [smem:$0x3FD0];
	_ =	sdelay $0x2  }
0x9: {  	s17 =	simm.s32 $0xB;
	s4 =	simm.s32 $0x10  }
0xa: {  	[smem:s4], [sflag:s17] =	dma.local [hbm:s2], $0x1  }
0xb: {  	_ =	swait.eq [sflag:s17], $0x1  }
0xc: {  	[sflag:s17] =	ssyncset.done $0x0  }
0xd: {  	[sflag:s17] =	ssyncadd.s32 $0xFFFFFFFF  }
0xe: {  	s18 =	sld [smem:$0x12];
	(tm) =	ssettm $0x1  }
0xf: {  	s19 =	sld [smem:$0x3FFB];
	_ =	sdelay $0x3  }
0x10: {  	_ =	strace s19  }
0x11: {  	s2 =	sld [smem:$0x3FFC];
	_ =	sdelay $0x3  }
0x12: {  	_ =	strace s2  }
0x13: {  	s2 =	sld [smem:$0x3FFD];
	_ =	sdelay $0x3  }
0x14: {  	_ =	strace s2  }
0x15: {  	_ =	strace $0x8FFFFFFF  }
0x16: {  	s20 =	sld [smem:$0x3FDB];
	_ =	sdelay $0x1  }
0x17: {  	s21 =	simm.s32 $_scs_section_size  }
0x18: {  	s5 =	simm.s32 $_size__tile_overlayer_lowered;
	s6 =	simm.s32 $_tile_overlayer_lowered  }
0x19: {  	s7 =	simm.s32 $0x1BFF;
	s22 =	sshll.u32 s6, $0x1;
	s4 =	sadd.s32 s21, s20  }
0x1a: {  	s23 =	simm.s32 $0x0;
	s5 =	sshll.u32 s5, $0x1;
	s6 =	sadd.s32 s22, s4  }
0x1b: {  	[timem:s23], [sflag:s7] =	dma.local [hbm:s6], s5  }
0x1c: {  	_ =	swait.ge [sflag:s7], s5  }
0x1d: {  	s5 =	ssub.s32 $0x0, s5;
	[sflag:s7] =	ssyncset.done $0x0  }
0x1e: {  	[sflag:s7] =	ssyncadd.s32 s5;
	_ =	sdelay $0x1  }
0x1f: {  	s24 =	simm.s32 $0x1B8B  }
0x20: {  	_ =	swait.ge [sflag:s24], $0x1  }
0x21: {  	[sflag:s24] =	ssyncset.done $0x0  }
0x22: {  	[sflag:s24] =	ssyncadd.s32 $0xFFFFFFFF  }
0x23: {  	s5 =	sld [smem:$0x0]  }
0x24: {  	s6 =	sand.u32 $0xFFFFFFFE, s1  }
0x25: {  	p0 =	sne.s32 s1, s6  }
0x26: {  	s6 =	sshll.u32 @p0 s6, $0xE  }
0x27: {  	s6 =	sadd.s32 @p0 $0x11B8D, s6;
	s7 =	sshll.u32 @p0 s5, $0x11  }
0x28: {  	s6 =	sor.u32 @p0 s7, s6  }
0x29: {  	[sflag:s6] =	ssyncadd.remote.s32 @p0 $0x1;
	_ =	sdelay $0x1  }
0x2a: {  	s6 =	simm.s32 @p0 $0x1B8D  }
0x2b: {  	_ =	swait.eq @p0 [sflag:s6], $0x1  }
0x2c: {  	[sflag:s6] =	ssyncadd.s32 @p0 $0xFFFFFFFF  }
0x2d: {  	s7 =	sshll.u32 @!p0 s1, $0xE  }
0x2e: {  	s7 =	sor.u32 @!p0 $0x4000, s7;
	s6 =	simm.s32 @!p0 $0x1B8D  }
0x2f: {  	s5 =	sshll.u32 @!p0 s5, $0x11;
	s7 =	sadd.s32 @!p0 $0x11B8D, s7;
	_ =	swait.eq @!p0 [sflag:s6], $0x1  }
0x30: {  	s5 =	sor.u32 @!p0 s5, s7;
	[sflag:s6] =	ssyncadd.s32 @!p0 $0xFFFFFFFF  }
0x31: {  	s26 =	simm.s32 $0x1B8E;
	s25 =	sld [smem:$0x3FFE];
	[sflag:s5] =	ssyncadd.remote.s32 @!p0 $0x1  }
0x32: {  	s27 =	simm.s32 $execute0_lowered;
	[smem:$0x3FD2] =	sst s26  }
0x33: {  	s6 =	sshll.u32 s27, $0x1;
	_ =	strace $0x8000004C;
	[dreg:$0x1] =	wrdreg $0xFFFFFFFF  }
0x34: {  	s28 =	simm.s32 $_size_execute0_lowered;
	s4 =	sadd.s32 s4, s6;
	[dreg:$0x0] =	wrdreg $0x0  }
0x35: {  	s6 =	sshll.u32 s28, $0x1;
	[dreg:$0x2] =	wrdreg s4  }
0x36: {  	[dreg:$0x3] =	wrdreg s6  }
0x37: {  	[dreg:$0x4] =	wrdreg $0xC0  }
0x38: {  	_ =	task [dreg:s23], $0x5FFFF  }
0x39: {  	[dreg:$0x1] =	wrdreg $0xFFFFFFFF  }
0x3a: {  	[dreg:$0x0] =	wrdreg $0x60  }
0x3b: {  	[dreg:$0x2] =	wrdreg s25  }
0x3c: {  	[dreg:$0x3] =	wrdreg s18  }
0x3d: {  	[dreg:$0x4] =	wrdreg $0x9  }
0x3e: {  	_ =	task.clear_ibuf [dreg:s23], $0x5FFFF;
	_ =	strace $0x9000004C  }
0x3f: {  	s29 =	simm.s32 $0x9;
	_ =	strace $0x8000004E  }
0x40: {  	_ =	swait.ge [sflag:s29], $0x1  }
0x41: {  	[sflag:s29] =	ssyncadd.s32 $0xFFFFFFFF  }
0x42: {  	_ =	strace $0x9000004E  }
0x43: {  	_ =	sfence  }
0x44: {  	s30 =	sld [smem:$0x0];
	_ =	sdelay $0x2  }
0x45: {  	s31 =	sshll.u32 s1, $0xD;
	s1 =	sshrl.u32 s1, $0x2  }
0x46: {  	s4 =	sand.u32 $0x4000, s31;
	s1 =	sadd.s32 s1, s30  }
0x47: {  	s0 =	sor.u32 s4, s0;
	s1 =	sshll.u32 s1, $0x11  }
0x48: {  	s0 =	sor.u32 s1, s0  }
0x49: {  	s0 =	sadd.s32 $0x8F2B, s0  }
0x4a: {  	[sflag:s0] =	ssyncadd.remote.s32 $0x1  }
0x4b: {  	_ =	sfence.sel $0xFFFF  }
0x4c: {  	[dreg:$0x0] =	wrdreg $0xFFFFFFFF;
	(pc) =	sbr.abs _section_cstart, $3  }
0x4d: {  	[dreg:$0x1] =	wrdreg $0xFFFFFFFF  }
0x4e: {  	_ =	task.clear_ibuf [dreg:s23], $0x2FFFF;
	_ =	strace $0x9FFFFFFF  }
0x4f: {  	(tm) =	ssettm $0x7FFFFFFF  }
tec
execute0_lowered:
.L_overlay_start_1:
0x0: {  	(tag) =	ssettag $0x1  }
0x1: {  	s4 =	rddreg [dreg:$0x0]  }
0x2: {  	s0 =	stileid.u32;
	s2 =	rddreg [dreg:$0x1]  }
0x3: {  	s7 =	srdreg.scid;
	s8 =	simm.s32 $0x2;
	s14 =	simm.s32 $0x0  }
0x4: {  	s9 =	simm.s32 $0x2000;
	s16 =	simm.s32 $0x0;
	s1 =	sshll.u32 s0, $0x7  }
0x5: {  	s15 =	simm.s32 $0x0;
	s10 =	simm.s32 $0x0;
	s3 =	sand.u32 $0x380, s1  }
0x6: {  	s13 =	simm.s32 $0x0;
	s7 =	sshll.u32 s7, $0x4;
	s5 =	ssub.s32 $0x400, s3  }
0x7: {  	s4 =	sadd.s32 $0x798800, s4;
	s1 =	rddreg [dreg:$0x2];
	s6 =	sand.u32 $0x380, s5  }
0x8: {  	s7 =	sand.u32 $0x10, s7;
	p0 =	sne.s32 s6, $0x0;
	s6 =	simm.s32 $0x1  }
.Ltmp0:
0x9: {  	s5 =	sshrl.u32 s5, $0xA;
	s6 =	simm.s32 @!p0 $0x0;
	(pc) =	sbr.rel .LBB1_1-.Ltmp0, $4  }
0xa: {  	_ =	strace $0x8000004D;
	s7 =	sor.u32 s0, s7;
	s6 =	sadd.s32 s6, s5  }
0xb: {  	s7 =	sshrl.u32 s7, $0x3;
	s5 =	simm.s32 $0x1;
	s6 =	smul.u32 $0x64, s6  }
0xc: {  	s12 =	smov.u32 s3;
	s11 =	smov.u32 s7;
	[sflag:s5] =	ssyncpa.u1 $0x0  }
0xd: {  	p0 =	por $0x0, $0x0;
	[sflag:s8] =	ssyncpa.u1 $0x0;
	s8 =	sor.u32 $0x1, s6  }
.LBB1_4:
0xe: {  	s19 =	sand.u32 $0xF80, s15;
	s16 =	smul.u32 $0x14000, s16  }
0xf: {  	s20 =	sshrl.u32 s15, $0x3;
	s19 =	sadd.s32 s2, s19  }
0x10: {  	s31 =	sand.u32 $0x7, s15;
	s20 =	sand.u32 $0xF, s20;
	s16 =	sadd.s32 s16, s19  }
0x11: {  	s14 =	sshll.u32 s14, $0xC;
	s15 =	sshll.u32 s31, $0x12;
	s16 =	sadd.s32 s20, s16  }
0x12: {  	[tilespmem:s18+$0x0 ss:$0x81] =	vst.msk $0xffff, v0;
	s15 =	sor.u32 $0x400, s15;
	s14 =	sadd.s32 s14, s16  }
0x13: {  	[hbm4b:s14+s15] =	stream.strided.scatter [tilespmem:s17], [sflag:$0x2], $0x1000, s9, s15, $0x20;
	[tilespmem:$0x4040] =	vst v63  }
.LBB1_5:
0x14: {  	s17 =	sadd.s32 $0x1, s10  }
0x15: {  	s14 =	sadd.s32 $0x4, s11;
	s18 =	smov.u32 s11;
	p2 =	sgt.s32 s17, $0x13  }
0x16: {  	s18 =	smov.u32 @p2 s14  }
0x17: {  	s20 =	smov.u32 s12;
	s14 =	sadd.s32 $0x400, s12;
	p3 =	sgt.s32 s18, $0x13  }
0x18: {  	s20 =	smov.u32 @p3 s14  }
0x19: {  	s17 =	simm.s32 @p2 $0x0;
	p2 =	sgt.s32 s20, $0x3FF  }
0x1a: {  	p1 =	slt.u32 s13, $0x2;
	s20 =	smov.u32 @p2 s3;
	p2 =	sne.s32 s13, s8  }
.Ltmp1:
0x1b: {  	s19 =	simm.s32 @!p1 $0x2;
	(pc) =	sbr.rel @!p2 .LBB1_6-.Ltmp1, $4  }
0x1c: {  	s16 =	smov.u32 s11;
	s15 =	smov.u32 s12;
	_ =	swait.ge @!p1 [sflag:s19], $0x1000  }
0x1d: {  	p0 =	por !p0, !p0;
	[sflag:s19] =	ssyncset.done @!p1 $0x0;
	s18 =	smov.u32 @p3 s7  }
0x1e: {  	s14 =	smov.u32 s10;
	[sflag:s19] =	ssyncadd.s32 @!p1 $0xFFFFF000;
	s10 =	smov.u32 s17  }
0x1f: {  	s11 =	smov.u32 s18;
	s13 =	sadd.s32 $0x1, s13;
	s12 =	smov.u32 s20  }
.LBB1_1:
0x20: {  	p1 =	sge.u32 s13, s6  }
0x21: {  	s17 =	sand.u32 @!p1 $0x1FFFFFF, s10;
	s19 =	smul.u32 @!p1 $0x1E00, s12  }
0x22: {  	s18 =	smulhi.u32 @!p1 $0xAAAAAAB, s17  }
0x23: {  	s21 =	smul.u32 @!p1 $0x180, s11  }
0x24: {  	s18 =	smul.u32 @!p1 $0x18, s18  }
0x25: {  	s31 =	sadd.s32 $0xFFFFFFFF, s13;
	s19 =	sadd.s32 @!p1 s4, s19  }
0x26: {  	s20 =	sxor.u32 @!p1 $0xFFFFFFFF, s13;
	s19 =	sadd.s32 @!p1 s21, s19;
	s17 =	ssub.s32 @!p1 s17, s18  }
0x27: {  	s18 =	sshll.u32 @!p1 s20, $0xC;
	s20 =	simm.s32 @!p1 $0xF000;
	s17 =	sshll.u32 @!p1 s17, $0x4  }
0x28: {  	s18 =	sand.u32 @!p1 $0x1000, s18;
	s17 =	sadd.s32 @!p1 s17, s19;
	s19 =	simm.s32 @!p1 $0x20  }
0x29: {  	[tilespmem:s18], [sflag:$0x1] =	stream.strided.gather @!p1 [hbm4b:s17+s19], $0x1000, s20, s19, $0x38;
	[tilespmem:$0x4040] =	vst v63  }
0x2a: {  	p1 =	sge.u32 s31, s6  }
.Ltmp2:
0x2b: {  	_ = 	snop;
	(pc) =	sbr.rel @p1 .LBB1_5-.Ltmp2, $1  }
0x2c: {  	_ =	sdelay $0x3  }
0x2d: {  	s17 =	simm.s32 $0x1  }
0x2e: {  	_ =	swait.ge [sflag:s5], $0x1000;
	s17 =	simm.s32 @!p0 $0x0  }
0x2f: {  	[sflag:s5] =	ssyncset.done $0x0;
	s18 =	sshll.u32 s17, $0xC  }
0x30: {  	[sflag:s5] =	ssyncadd.s32 $0xFFFFF000;
	s21 =	sor.u32 $0x10, s18  }
0x31: {  	s17 =	smul.u32 $0x4080, s17;
	v1 =	vld [tilespmem:s21+$0x0]  }
0x32: {  	s30 =	sand.u32 $0x1, s13;
	v0 =	vld [tilespmem:s21+$0xFFFFFFF0]  }
0x33: {  	s18 =	smul.u32 $0x4080, s30;
	s17 =	sshrl.u32 s17, $0x2  }
0x34: {  	s19 =	sor.u32 $0x2000, s17  }
0x35: {  	s31 =	sshrl.u32 s18, $0x2;
	s18 =	sadd.s32 $0x0, s19  }
0x36: {  	s20 =	simm.s32 $0x4;
	s21 =	sadd.s32 $0x20, s21;
	s17 =	sor.u32 $0x2000, s31;
	[tilespmem:s18+$0x810 ss:$0x81] =	vst.msk $0xffff, v1  }
.LBB1_3:
0x37: {  	v1 =	vld [tilespmem:s21+$0x0];
	p1 =	sne.s32 s20, $0x1FC;
	[tilespmem:s18+$0x0 ss:$0x81] =	vst.msk $0xffff, v0;
	s18 =	smov.u32 s20;
	s20 =	sadd.s32 $0x4, s20  }
.Ltmp3:
0x38: {  	v0 =	vld [tilespmem:s21+$0xFFFFFFF0];
	(pc) =	sbr.rel @p1 .LBB1_3-.Ltmp3, $4  }
0x39: {  	_ = 	snop  }
0x3a: {  	s18 =	sshra.s32 s18, $0x2  }
0x3b: {  	s18 =	sadd.s32 s18, s19  }
0x3c: {  	s21 =	sadd.s32 $0x20, s21;
	[tilespmem:s18+$0x810 ss:$0x81] =	vst.msk $0xffff, v1  }
.Ltmp4:
0x3d: {  	_ = 	snop;
	(pc) =	sbr.rel .LBB1_4-.Ltmp4, $1  }
0x3e: {  	_ =	sdelay $0x3  }
.LBB1_6:
0x3f: {  	_ =	sfence.sel $0x180000  }
0x40: {  	s2 =	simm.s32 $0x1;
	[bflag:$0x0] =	sbarrier.arrive $0xFFFF  }
0x41: {  	s31 =	simm.s32 $0x2;
	[sflag:s2] =	ssyncpa.u1 $0x1  }
0x42: {  	[sflag:s31] =	ssyncpa.u1 $0x1  }
0x43: {  	p0 =	sne.s32 s0, $0x0;
	_ =	strace $0x9000004D  }
0x44: {  	s0 =	sadd.s32 @!p0 $0x100000, s1;
	[bflag:$0x2] =	sbarrier.arrive $0xFFFF  }
0x45: {  	[sflag:s0] =	ssyncadd.tile.s32 @!p0 $0x1;
	_ =	shalt  }
.Lfunc_end1:
_tile_overlayer_lowered:
.L_overlay_start_2:
0x46: {  	(tag) =	ssettag $0x2  }
0x47: {  	s0 =	rddreg [dreg:$0x0];
	s2 =	stileid.u32  }
0x48: {  	s1 =	rddreg [dreg:$0x1];
	p0 =	sne.s32 s2, $0x0  }
0x49: {  	s3 =	rddreg [dreg:$0x2];
	[bflag:$0x3] =	sbarrier.arrive $0xFFFF;
	s2 =	simm.s32 @!p0 $0x1C01  }
0x4a: {  	[timem:s3], [sflag:s2] =	dma.local @!p0 [hbm:s0], s1  }
0x4b: {  	s0 =	simm.s32 @!p0 $0x1  }
0x4c: {  	_ =	swait.ge @!p0 [sflag:s0], s1  }
0x4d: {  	s1 =	ssub.s32 @!p0 $0x0, s1;
	[sflag:s0] =	ssyncset.done @!p0 $0x0  }
0x4e: {  	[sflag:s0] =	ssyncadd.s32 @!p0 s1  }
0x4f: {  	[bflag:$0x3] =	sbarrier.arrive $0xFFFF  }
0x50: {  	_ =	shalt  }

</sc_bundles>
